<compile_context>
chip_gen: v7x
topology: tpu7x:2x2x1
jax: 0.10.2.dev20260603
libtpu: 0.0.44.dev20260713+nightly
codegen_flags: <defaults>
</compile_context>

<pallas_src>
import functools

import jax
import jax.numpy as jnp
from jax import lax
from jax.experimental import pallas as pl
from jax.experimental.pallas import tpu as pltpu
from jax.experimental.pallas import tpu_sc as plsc
from jax._src.pallas import mpmd as _mpmd

N_NODES = 100000
D_MEM = 128
D_MSG = 256
B = 16384

NW = 32
BPW = B // NW
CH = 128
RANGE = 3136
LAST_RANGE = N_NODES - 31 * RANGE
TBL_V = RANGE // 16
KMAX = (RANGE + CH - 1) // CH
WFLAT = KMAX * CH + 16
KPAD = 32

_mesh = plsc.VectorSubcoreMesh(core_axis_name="c", subcore_axis_name="s")


def _wid():
    return lax.axis_index("s") * 2 + lax.axis_index("c")


def _gather_body(mem_hbm, idx_hbm, h_hbm, idx2, rows_v, sem):
    base = _wid() * BPW
    for k in range(BPW // CH):
        pltpu.sync_copy(idx_hbm.at[pl.ds(base + k * CH, CH)], idx2.at[k])
    cps = [
        pltpu.async_copy(mem_hbm.at[idx2.at[k]], rows_v.at[pl.ds(k * CH, CH)], sem)
        for k in range(BPW // CH)
    ]
    for cp in cps:
        cp.wait()
    pltpu.sync_copy(rows_v, h_hbm.at[pl.ds(base, BPW)])


_gather_call = pl.kernel(
    _gather_body,
    out_type=jax.ShapeDtypeStruct((B, D_MEM), jnp.float32),
    mesh=_mesh,
    scratch_types=[
        pltpu.VMEM((BPW // CH, CH), jnp.int32),
        pltpu.VMEM((BPW, D_MEM), jnp.float32),
        pltpu.SemaphoreType.DMA,
    ],
    name="sc_gather_rows",
)


def _gru_body(msgs_ref, h_ref, wih_ref, whh_ref, bih_ref, bhh_ref, upd_ref):
    h = h_ref[...]
    gi = lax.dot_general(
        msgs_ref[...], wih_ref[...], (((1,), (1,)), ((), ())),
        preferred_element_type=jnp.float32,
    ) + bih_ref[...]
    gh = lax.dot_general(
        h, whh_ref[...], (((1,), (1,)), ((), ())),
        preferred_element_type=jnp.float32,
    ) + bhh_ref[...]
    r = jax.nn.sigmoid(gi[:, :D_MEM] + gh[:, :D_MEM])
    z = jax.nn.sigmoid(gi[:, D_MEM:2 * D_MEM] + gh[:, D_MEM:2 * D_MEM])
    n = jnp.tanh(gi[:, 2 * D_MEM:] + r * gh[:, 2 * D_MEM:])
    upd_ref[...] = (1.0 - z) * n + z * h


def _gru_call(msgs, h, W_ih, W_hh, b_ih2, b_hh2):
    BR = 512
    return pl.pallas_call(
        _gru_body,
        out_shape=jax.ShapeDtypeStruct((B, D_MEM), jnp.float32),
        grid=(B // BR,),
        in_specs=[
            pl.BlockSpec((BR, D_MSG), lambda i: (i, 0)),
            pl.BlockSpec((BR, D_MEM), lambda i: (i, 0)),
            pl.BlockSpec((3 * D_MEM, D_MSG), lambda i: (0, 0)),
            pl.BlockSpec((3 * D_MEM, D_MEM), lambda i: (0, 0)),
            pl.BlockSpec((1, 3 * D_MEM), lambda i: (0, 0)),
            pl.BlockSpec((1, 3 * D_MEM), lambda i: (0, 0)),
        ],
        out_specs=pl.BlockSpec((BR, D_MEM), lambda i: (i, 0)),
        name="tc_gru",
    )(msgs, h, W_ih, W_hh, b_ih2, b_hh2)


def _prep_body(lu_in, idx_hbm, ts_hbm, lu_out, pos2d_hbm, id2d_hbm, wcnt_hbm,
               ids_v, ts_v, cand, table, win_pos, win_id,
               pos2d, id2d, lu_v, wcnt_v):
    wid = _wid()
    lo = wid * RANGE
    iota = lax.iota(jnp.int32, 16)

    pltpu.sync_copy(idx_hbm, ids_v)
    pltpu.sync_copy(ts_hbm, ts_v)
    is_last = wid == NW - 1
    hi = jnp.where(is_last, jnp.int32(N_NODES), lo + RANGE)

    def scan_step(j, cnt):
        v_id = ids_v[pl.ds(j * 16, 16)]
        m = (v_id >= lo) & (v_id < hi)
        packed = ((j * 16 + iota) << 17) | v_id
        pref = plsc.cumsum(m.astype(jnp.int32))
        plsc.store_scatter(cand, [cnt + pref - 1], packed, mask=m)
        return cnt + pref[15]

    cnt = lax.fori_loop(0, B // 16, scan_step, jnp.int32(0))

    def init_step(j, _):
        table[pl.ds(j * 16, 16)] = jnp.full((16,), -1, jnp.int32)
        return 0

    lax.fori_loop(0, TBL_V, init_step, 0)

    lane0 = iota == 0

    def dedup_step(t, _):
        vals = cand[pl.ds(t * 16, 16)]
        for k in range(16):
            val = vals[k]
            d = (val & 0x1FFFF) - lo
            pos = val >> 17
            mk = lane0 & (t * 16 + k < cnt)
            plsc.store_scatter(
                table,
                [jnp.full((16,), d, jnp.int32)],
                jnp.full((16,), pos, jnp.int32),
                mask=mk,
            )
        return 0

    lax.fori_loop(0, (cnt + 15) // 16, dedup_step, 0)

    @pl.when(~is_last)
    def _():
        pltpu.sync_copy(lu_in.at[pl.ds(lo, RANGE)], lu_v)

    @pl.when(is_last)
    def _():
        pltpu.sync_copy(lu_in.at[pl.ds(lo, LAST_RANGE)], lu_v.at[pl.ds(0, LAST_RANGE)])

    def collect_step(j, wcnt):
        v_pos = table[pl.ds(j * 16, 16)]
        m = v_pos >= 0
        v_id = lo + j * 16 + iota
        pref = plsc.cumsum(m.astype(jnp.int32))
        offs = wcnt + pref - 1
        plsc.store_scatter(win_pos, [offs], v_pos, mask=m)
        plsc.store_scatter(win_id, [offs], v_id, mask=m)
        g = plsc.load_gather(ts_v, [jnp.maximum(v_pos, 0)])
        cur = lu_v[pl.ds(j * 16, 16)]
        lu_v[pl.ds(j * 16, 16)] = jnp.where(m, g, cur)
        return wcnt + pref[15]

    wcnt = lax.fori_loop(0, TBL_V, collect_step, jnp.int32(0))

    @pl.when(~is_last)
    def _():
        pltpu.sync_copy(lu_v, lu_out.at[pl.ds(lo, RANGE)])

    @pl.when(is_last)
    def _():
        pltpu.sync_copy(lu_v.at[pl.ds(0, LAST_RANGE)], lu_out.at[pl.ds(lo, LAST_RANGE)])

    pos0 = win_pos[pl.ds(0, 16)][0]
    id0 = win_id[pl.ds(0, 16)][0]

    def xfer_step(j, _):
        valid = (j * 16 + iota) < wcnt
        vp = jnp.where(valid, win_pos[pl.ds(j * 16, 16)], pos0)
        vi = jnp.where(valid, win_id[pl.ds(j * 16, 16)], id0)
        c = j // (CH // 16)
        k = j % (CH // 16)
        pos2d[c, pl.ds(k * 16, 16)] = vp
        id2d[c, pl.ds(k * 16, 16)] = vi
        return 0

    lax.fori_loop(0, KMAX * (CH // 16), xfer_step, 0)

    pltpu.sync_copy(pos2d, pos2d_hbm.at[pl.ds(wid * KPAD, KPAD)])
    pltpu.sync_copy(id2d, id2d_hbm.at[pl.ds(wid * KPAD, KPAD)])
    wcnt_v[...] = jnp.full((16,), 0, jnp.int32) + wcnt
    pltpu.sync_copy(wcnt_v, wcnt_hbm.at[pl.ds(wid * 16, 16)])


_prep = _mpmd._mpmd_map(
    [(_mesh, _prep_body)],
    (
        jax.ShapeDtypeStruct((N_NODES,), jnp.float32),
        jax.ShapeDtypeStruct((NW * KPAD, CH), jnp.int32),
        jax.ShapeDtypeStruct((NW * KPAD, CH), jnp.int32),
        jax.ShapeDtypeStruct((NW * 16,), jnp.int32),
    ),
    scratch_types=[
        pltpu.VMEM((B,), jnp.int32),
        pltpu.VMEM((B,), jnp.float32),
        pltpu.VMEM((B + 16,), jnp.int32),
        pltpu.VMEM((RANGE,), jnp.int32),
        pltpu.VMEM((WFLAT,), jnp.int32),
        pltpu.VMEM((WFLAT,), jnp.int32),
        pltpu.VMEM((KPAD, CH), jnp.int32),
        pltpu.VMEM((KPAD, CH), jnp.int32),
        pltpu.VMEM((RANGE,), jnp.float32),
        pltpu.VMEM((16,), jnp.int32),
    ],
    name="sc_prep",
    compiler_params=pltpu.CompilerParams(needs_layout_passes=False),
)


def _move_body(mem_in, upd_hbm, pos2d_hbm, id2d_hbm, wcnt_hbm, mem_out,
               pos2d, id2d, wcnt_v, rows0, rows1, gs0, gs1, ss0, ss1):
    wid = _wid()
    pltpu.sync_copy(pos2d_hbm.at[pl.ds(wid * KPAD, KPAD)], pos2d)
    pltpu.sync_copy(id2d_hbm.at[pl.ds(wid * KPAD, KPAD)], id2d)
    pltpu.sync_copy(wcnt_hbm.at[pl.ds(wid * 16, 16)], wcnt_v)
    wcnt = wcnt_v[pl.ds(0, 16)][0]
    nch = (wcnt + CH - 1) // CH

    @pl.when(nch > 0)
    def _():
        pltpu.async_copy(upd_hbm.at[pos2d.at[0]], rows0, gs0)

    def chunk_step(c, _):
        even = lax.rem(c, 2) == 0

        @pl.when(even)
        def _():
            pltpu.make_async_copy(upd_hbm.at[pos2d.at[c]], rows0, gs0).wait()

            @pl.when(c + 1 < nch)
            def _():
                @pl.when(c > 0)
                def _():
                    pltpu.make_async_copy(
                        rows1, mem_out.at[id2d.at[c - 1]], ss1).wait()
                pltpu.async_copy(upd_hbm.at[pos2d.at[c + 1]], rows1, gs1)
            pltpu.async_copy(rows0, mem_out.at[id2d.at[c]], ss0)

        @pl.when(~even)
        def _():
            pltpu.make_async_copy(upd_hbm.at[pos2d.at[c]], rows1, gs1).wait()

            @pl.when(c + 1 < nch)
            def _():
                pltpu.make_async_copy(
                    rows0, mem_out.at[id2d.at[c - 1]], ss0).wait()
                pltpu.async_copy(upd_hbm.at[pos2d.at[c + 1]], rows0, gs0)
            pltpu.async_copy(rows1, mem_out.at[id2d.at[c]], ss1)

        return 0

    lax.fori_loop(0, nch, chunk_step, 0)

    @pl.when(nch > 0)
    def _():
        last_even = lax.rem(nch - 1, 2) == 0

        @pl.when(last_even)
        def _():
            pltpu.make_async_copy(rows0, mem_out.at[id2d.at[nch - 1]], ss0).wait()

            @pl.when(nch > 1)
            def _():
                pltpu.make_async_copy(rows1, mem_out.at[id2d.at[nch - 2]], ss1).wait()

        @pl.when(~last_even)
        def _():
            pltpu.make_async_copy(rows1, mem_out.at[id2d.at[nch - 1]], ss1).wait()
            pltpu.make_async_copy(rows0, mem_out.at[id2d.at[nch - 2]], ss0).wait()


_move = _mpmd._mpmd_map(
    [(_mesh, _move_body)],
    jax.ShapeDtypeStruct((N_NODES, D_MEM), jnp.float32),
    input_output_aliases={0: 0},
    scratch_types=[
        pltpu.VMEM((KPAD, CH), jnp.int32),
        pltpu.VMEM((KPAD, CH), jnp.int32),
        pltpu.VMEM((16,), jnp.int32),
        pltpu.VMEM((CH, D_MEM), jnp.float32),
        pltpu.VMEM((CH, D_MEM), jnp.float32),
        pltpu.SemaphoreType.DMA,
        pltpu.SemaphoreType.DMA,
        pltpu.SemaphoreType.DMA,
        pltpu.SemaphoreType.DMA,
    ],
    name="sc_move_rows",
    compiler_params=pltpu.CompilerParams(needs_layout_passes=False),
)


def kernel(memory, last_update, unique_node_ids, unique_messages, timestamps,
           W_ih, W_hh, b_ih, b_hh):
    ids = unique_node_ids.astype(jnp.int32)
    h = _gather_call(memory, ids)
    new_lu, pos2d, id2d, wcnts = _prep(last_update, ids, timestamps)
    updated = _gru_call(
        unique_messages, h, W_ih, W_hh,
        b_ih.reshape(1, 3 * D_MEM), b_hh.reshape(1, 3 * D_MEM),
    )
    new_mem = _move(memory, updated, pos2d, id2d, wcnts)
    return (new_mem, new_lu)

# --- scband reference (transcript-rebuilt; emitter-appended) ---
"""Pipeline reference for scband-sequence-memory-updater-71786083385644 (READ-ONLY COPY).

The authoritative reference and input builder live on the scoring server;
editing this copy changes nothing except your own understanding.
"""

import jax, jax.numpy as jnp
import numpy as np

N_NODES = 100000
D_MEM = 128
D_MSG = 256
B = 16384


def setup_inputs(seed: int = 0) -> dict:
    key = jax.random.key(seed)
    ks = jax.random.split(key, 8)
    return {
        "memory": jax.random.normal(ks[0], (N_NODES, D_MEM), dtype=jnp.float32),
        "last_update": jnp.zeros((N_NODES,), dtype=jnp.float32),
        "unique_node_ids": jax.random.randint(ks[1], (B,), 0, N_NODES, dtype=jnp.int64 if jax.config.jax_enable_x64 else jnp.int32),
        "unique_messages": jax.random.normal(ks[2], (B, D_MSG), dtype=jnp.float32),
        "timestamps": jax.random.uniform(ks[3], (B,), dtype=jnp.float32),
        "W_ih": jax.random.normal(ks[4], (3 * D_MEM, D_MSG), dtype=jnp.float32) * 0.05,
        "W_hh": jax.random.normal(ks[5], (3 * D_MEM, D_MEM), dtype=jnp.float32) * 0.05,
        "b_ih": jnp.zeros((3 * D_MEM,), dtype=jnp.float32),
        "b_hh": jnp.zeros((3 * D_MEM,), dtype=jnp.float32),
    }


def _gru_cell(x, h, W_ih, W_hh, b_ih, b_hh):
    # Faithful nn.GRUCell math (PyTorch gate ordering: r, z, n)
    gi = x @ W_ih.T + b_ih
    gh = h @ W_hh.T + b_hh
    i_r, i_z, i_n = jnp.split(gi, 3, axis=-1)
    h_r, h_z, h_n = jnp.split(gh, 3, axis=-1)
    r = jax.nn.sigmoid(i_r + h_r)
    z = jax.nn.sigmoid(i_z + h_z)
    n = jnp.tanh(i_n + r * h_n)
    return (1.0 - z) * n + z * h


def reference(memory, last_update, unique_node_ids, unique_messages, timestamps, W_ih, W_hh, b_ih, b_hh):
    # get_updated_memory: gather memory rows, GRU update with messages, scatter-set back
    h = jnp.take(memory, unique_node_ids, axis=0)
    updated = _gru_cell(unique_messages, h, W_ih, W_hh, b_ih, b_hh)
    updated_memory = memory.at[unique_node_ids].set(updated)
    updated_last_update = last_update.at[unique_node_ids].set(timestamps)
    return (updated_memory, updated_last_update)

if __name__ == "__main__":
    import jax
    _d = setup_inputs()
    print(jax.jit(kernel)(*tuple(_d.values())))

</pallas_src>

<mosaic_0001>
#map = affine_map<(d0, d1) -> (0)>
#map1 = affine_map<(d0, d1) -> (0, 0)>
module attributes {stable_mosaic.version = 14 : i64} {
  func.func @sc_prep(%arg0: i32, %arg1: i32, %arg2: memref<100000xf32, #tpu.memory_space<hbm>>, %arg3: memref<16384xi32, #tpu.memory_space<hbm>>, %arg4: memref<16384xf32, #tpu.memory_space<hbm>>, %arg5: memref<100000xf32, #tpu.memory_space<hbm>>, %arg6: memref<1024x128xi32, #tpu.memory_space<hbm>>, %arg7: memref<1024x128xi32, #tpu.memory_space<hbm>>, %arg8: memref<512xi32, #tpu.memory_space<hbm>>, %arg9: memref<16384xi32, #tpu.memory_space<vmem>>, %arg10: memref<16384xf32, #tpu.memory_space<vmem>>, %arg11: memref<16400xi32, #tpu.memory_space<vmem>>, %arg12: memref<3136xi32, #tpu.memory_space<vmem>>, %arg13: memref<3216xi32, #tpu.memory_space<vmem>>, %arg14: memref<3216xi32, #tpu.memory_space<vmem>>, %arg15: memref<32x128xi32, #tpu.memory_space<vmem>>, %arg16: memref<32x128xi32, #tpu.memory_space<vmem>>, %arg17: memref<3136xf32, #tpu.memory_space<vmem>>, %arg18: memref<16xi32, #tpu.memory_space<vmem>>) attributes {dimension_semantics = [#tpu.dimension_semantics<core_parallel>, #tpu.dimension_semantics<subcore_parallel>], iteration_bounds = array<i64: 2, 16>, scalar_prefetch = 0 : i64, scratch_operands = 10 : i64, tpu.core_type = #tpu.core_type<sc_vector_subcore>, window_params = [{transform_indices = #map}, {transform_indices = #map}, {transform_indices = #map}, {transform_indices = #map}, {transform_indices = #map1}, {transform_indices = #map1}, {transform_indices = #map}]} {
    %mul3A = arith.constant 2 : i32
    %mul3A_0 = arith.muli %arg1, %mul3A : i32
    %add3A = arith.addi %mul3A_0, %arg0 : i32
    %mul3A_1 = arith.constant 3136 : i32
    %mul3A_2 = arith.muli %add3A, %mul3A_1 : i32
    %iota3A = tpu.iota {dimensions = array<i32: 0>} : vector<16xi32>
    "tpu.region"() ({
      %run_scoped3A = tpu.sem_alloc : memref<!tpu.dma_semaphore, #tpu.memory_space<semaphore_mem>>
      tpu.enqueue_dma source(%arg3 : memref<16384xi32, #tpu.memory_space<hbm>>) target(%arg9 : memref<16384xi32, #tpu.memory_space<vmem>>) target_semaphore(%run_scoped3A : memref<!tpu.dma_semaphore, #tpu.memory_space<semaphore_mem>>)
      tpu.wait_dma2 semaphore(%run_scoped3A : memref<!tpu.dma_semaphore, #tpu.memory_space<semaphore_mem>>) src(%arg3 : memref<16384xi32, #tpu.memory_space<hbm>>) dst(%arg9 : memref<16384xi32, #tpu.memory_space<vmem>>)
      tpu.yield
    }) : () -> ()
    "tpu.region"() ({
      %run_scoped3A = tpu.sem_alloc : memref<!tpu.dma_semaphore, #tpu.memory_space<semaphore_mem>>
      tpu.enqueue_dma source(%arg4 : memref<16384xf32, #tpu.memory_space<hbm>>) target(%arg10 : memref<16384xf32, #tpu.memory_space<vmem>>) target_semaphore(%run_scoped3A : memref<!tpu.dma_semaphore, #tpu.memory_space<semaphore_mem>>)
      tpu.wait_dma2 semaphore(%run_scoped3A : memref<!tpu.dma_semaphore, #tpu.memory_space<semaphore_mem>>) src(%arg4 : memref<16384xf32, #tpu.memory_space<hbm>>) dst(%arg10 : memref<16384xf32, #tpu.memory_space<vmem>>)
      tpu.yield
    }) : () -> ()
    %eq3A = arith.constant 31 : i32
    %eq3A_3 = arith.cmpi eq, %add3A, %eq3A : i32
    %add3A_4 = arith.constant 3136 : i32
    %add3A_5 = arith.addi %mul3A_2, %add3A_4 : i32
    %jit3A = arith.constant 100000 : i32
    %select_n3A = arith.select %eq3A_3, %jit3A, %add3A_5 : i32
    %scan3A = arith.constant 0 : i32
    %scan3A_6 = arith.constant 0 : i32
    %scan3A_7 = arith.constant 1024 : i32
    %scan3A_8 = arith.addi %scan3A_6, %scan3A_7 : i32
    %scan3A_9 = arith.constant 1 : i32
    %scan3A_10 = scf.for %scan3A_95 = %scan3A_6 to %scan3A_8 step %scan3A_9 iter_args(%scan3A_96 = %scan3A) -> (i32)  : i32 {
      %mul3A_97 = arith.constant 16 : i32
      %mul3A_98 = arith.muli %scan3A_95, %mul3A_97 : i32
      %get3A_99 = arith.index_cast %mul3A_98 : i32 to index
      %get3A_100 = tpu.vector_load %arg9[%get3A_99] {strides = array<i32>} : memref<16384xi32, #tpu.memory_space<vmem>>, vector<16xi32>,
      %ge3A = vector.broadcast %mul3A_2 : i32 to vector<16xi32>
      %ge3A_101 = arith.cmpi sge, %get3A_100, %ge3A : vector<16xi32>
      %lt3A = vector.broadcast %select_n3A : i32 to vector<16xi32>
      %lt3A_102 = arith.cmpi slt, %get3A_100, %lt3A : vector<16xi32>
      %and3A_103 = arith.andi %ge3A_101, %lt3A_102 : vector<16xi1>
      %mul3A_104 = arith.constant 16 : i32
      %mul3A_105 = arith.muli %scan3A_95, %mul3A_104 : i32
      %add3A_106 = vector.broadcast %mul3A_105 : i32 to vector<16xi32>
      %add3A_107 = arith.addi %add3A_106, %iota3A : vector<16xi32>
      %shift_left3A = arith.constant 17 : i32
      %shift_left3A_108 = vector.broadcast %shift_left3A : i32 to vector<16xi32>
      %shift_left3A_109 = arith.shli %add3A_107, %shift_left3A_108 : vector<16xi32>
      %or3A = arith.ori %shift_left3A_109, %get3A_100 : vector<16xi32>
      %convert_element_type3A_110 = arith.extui %and3A_103 : vector<16xi1> to vector<16xi32>
      %broadcast_in_dim3A_111 = arith.constant true
      %broadcast_in_dim3A_112 = vector.broadcast %broadcast_in_dim3A_111 : i1 to vector<16xi1>
      %masked_cumsum3A = tpu.scan <sum>, %convert_element_type3A_110 masked %broadcast_in_dim3A_112 : vector<16xi32>, vector<16xi1> -> vector<16xi32>
      %add3A_113 = vector.broadcast %scan3A_96 : i32 to vector<16xi32>
      %add3A_114 = arith.addi %add3A_113, %masked_cumsum3A : vector<16xi32>
      %sub3A_115 = arith.constant 1 : i32
      %sub3A_116 = vector.broadcast %sub3A_115 : i32 to vector<16xi32>
      %sub3A_117 = arith.subi %add3A_114, %sub3A_116 : vector<16xi32>
      tpu.vector_store_idx %arg11[%sub3A_117], %or3A masked %and3A_103 : memref<16400xi32, #tpu.memory_space<vmem>>[vector<16xi32>], vector<16xi32>, vector<16xi1>
      %slice3A_118 = vector.extract_strided_slice %masked_cumsum3A {offsets = [15], sizes = [1], strides = [1]} : vector<16xi32> to vector<1xi32>
      %squeeze3A_119 = vector.extract %slice3A_118[0] : i32 from vector<1xi32>
      %add3A_120 = arith.addi %scan3A_96, %squeeze3A_119 : i32
      scf.yield %add3A_120 : i32
    }
    %scan3A_11 = arith.constant 1024 : i32
    %scan3A_12 = arith.constant 0 : i32
    %scan3A_13 = arith.constant 0 : i32
    %scan3A_14 = arith.constant 196 : i32
    %scan3A_15 = arith.addi %scan3A_13, %scan3A_14 : i32
    %scan3A_16 = arith.constant 1 : i32
    %scan3A_17 = scf.for %scan3A_95 = %scan3A_13 to %scan3A_15 step %scan3A_16 iter_args(%scan3A_96 = %scan3A_12) -> (i32)  : i32 {
      %broadcast_in_dim3A_97 = arith.constant -1 : i32
      %broadcast_in_dim3A_98 = vector.broadcast %broadcast_in_dim3A_97 : i32 to vector<16xi32>
      %mul3A_99 = arith.constant 16 : i32
      %mul3A_100 = arith.muli %scan3A_95, %mul3A_99 : i32
      %swap3A_101 = arith.index_cast %mul3A_100 : i32 to index
      %swap3A_102 = tpu.vector_load %arg12[%swap3A_101] {strides = array<i32>} : memref<3136xi32, #tpu.memory_space<vmem>>, vector<16xi32>,
      tpu.vector_store %arg12[%swap3A_101], %broadcast_in_dim3A_98 {strides = array<i32>} : memref<3136xi32, #tpu.memory_space<vmem>>, vector<16xi32>,
      %scan3A_103 = arith.constant 0 : i32
      scf.yield %scan3A_103 : i32
    }
    %scan3A_18 = arith.constant 196 : i32
    %eq3A_19 = arith.constant 0 : i32
    %eq3A_20 = vector.broadcast %eq3A_19 : i32 to vector<16xi32>
    %eq3A_21 = arith.cmpi eq, %iota3A, %eq3A_20 : vector<16xi32>
    %add3A_22 = arith.constant 15 : i32
    %add3A_23 = arith.addi %scan3A_10, %add3A_22 : i32
    %jit3A_24 = arith.constant 16 : i32
    %div3A = arith.divsi %add3A_23, %jit3A_24 : i32
    %sign3A = arith.constant 0 : i32
    %sign3A_25 = arith.cmpi sgt, %add3A_23, %sign3A : i32
    %sign3A_26 = arith.extui %sign3A_25 : i1 to i32
    %sign3A_27 = arith.constant 0 : i32
    %sign3A_28 = arith.cmpi slt, %add3A_23, %sign3A_27 : i32
    %sign3A_29 = arith.extui %sign3A_28 : i1 to i32
    %sign3A_30 = arith.subi %sign3A_26, %sign3A_29 : i32
    %sign3A_31 = arith.constant 0 : i32
    %sign3A_32 = arith.cmpi sgt, %jit3A_24, %sign3A_31 : i32
    %sign3A_33 = arith.extui %sign3A_32 : i1 to i32
    %sign3A_34 = arith.constant 0 : i32
    %sign3A_35 = arith.cmpi slt, %jit3A_24, %sign3A_34 : i32
    %sign3A_36 = arith.extui %sign3A_35 : i1 to i32
    %sign3A_37 = arith.subi %sign3A_33, %sign3A_36 : i32
    %ne3A = arith.cmpi ne, %sign3A_30, %sign3A_37 : i32
    %rem3A = arith.remsi %add3A_23, %jit3A_24 : i32
    %ne3A_38 = arith.constant 0 : i32
    %ne3A_39 = arith.cmpi ne, %rem3A, %ne3A_38 : i32
    %and3A = arith.andi %ne3A, %ne3A_39 : i1
    %sub3A = arith.constant 1 : i32
    %sub3A_40 = arith.subi %div3A, %sub3A : i32
    %select_n3A_41 = arith.select %and3A, %sub3A_40, %div3A : i32
    %while3A = arith.constant 0 : i32
    %while3A_42 = arith.constant 0 : i32
    %while3A_43 = arith.subi %select_n3A_41, %while3A : i32
    %while3A_44 = arith.addi %while3A, %while3A_43 : i32
    %while3A_45 = arith.constant 1 : i32
    %while3A_46 = arith.divsi %while3A_43, %while3A_45 : i32
    %while3A_47 = arith.muli %while3A_46, %while3A_45 : i32
    %while3A_48 = arith.addi %while3A, %while3A_47 : i32
    %while3A_49 = arith.constant 1 : i32
    %while3A_50 = scf.for %while3A_95 = %while3A to %while3A_48 step %while3A_49 iter_args(%while3A_96 = %while3A_42) -> (i32)  : i32 {
      %mul3A_97 = arith.constant 16 : i32
      %mul3A_98 = arith.muli %while3A_95, %mul3A_97 : i32
      %get3A_99 = arith.index_cast %mul3A_98 : i32 to index
      %get3A_100 = tpu.vector_load %arg11[%get3A_99] {strides = array<i32>} : memref<16400xi32, #tpu.memory_space<vmem>>, vector<16xi32>,
      %slice3A_101 = vector.extract_strided_slice %get3A_100 {offsets = [0], sizes = [1], strides = [1]} : vector<16xi32> to vector<1xi32>
      %squeeze3A_102 = vector.extract %slice3A_101[0] : i32 from vector<1xi32>
      %and3A_103 = arith.constant 131071 : i32
      %and3A_104 = arith.andi %squeeze3A_102, %and3A_103 : i32
      %sub3A_105 = arith.subi %and3A_104, %mul3A_2 : i32
      %shift_right_arithmetic3A = arith.constant 17 : i32
      %shift_right_arithmetic3A_106 = arith.shrsi %squeeze3A_102, %shift_right_arithmetic3A : i32
      %mul3A_107 = arith.constant 16 : i32
      %mul3A_108 = arith.muli %while3A_95, %mul3A_107 : i32
      %add3A_109 = arith.constant 0 : i32
      %add3A_110 = arith.addi %mul3A_108, %add3A_109 : i32
      %lt3A = arith.cmpi slt, %add3A_110, %scan3A_10 : i32
      %and3A_111 = vector.broadcast %lt3A : i1 to vector<16xi1>
      %and3A_112 = arith.andi %eq3A_21, %and3A_111 : vector<16xi1>
      %broadcast_in_dim3A_113 = vector.broadcast %sub3A_105 : i32 to vector<16xi32>
      %broadcast_in_dim3A_114 = vector.broadcast %shift_right_arithmetic3A_106 : i32 to vector<16xi32>
      tpu.vector_store_idx %arg12[%broadcast_in_dim3A_113], %broadcast_in_dim3A_114 masked %and3A_112 : memref<3136xi32, #tpu.memory_space<vmem>>[vector<16xi32>], vector<16xi32>, vector<16xi1>
      %slice3A_115 = vector.extract_strided_slice %get3A_100 {offsets = [1], sizes = [1], strides = [1]} : vector<16xi32> to vector<1xi32>
      %squeeze3A_116 = vector.extract %slice3A_115[0] : i32 from vector<1xi32>
      %and3A_117 = arith.constant 131071 : i32
      %and3A_118 = arith.andi %squeeze3A_116, %and3A_117 : i32
      %sub3A_119 = arith.subi %and3A_118, %mul3A_2 : i32
      %shift_right_arithmetic3A_120 = arith.constant 17 : i32
      %shift_right_arithmetic3A_121 = arith.shrsi %squeeze3A_116, %shift_right_arithmetic3A_120 : i32
      %mul3A_122 = arith.constant 16 : i32
      %mul3A_123 = arith.muli %while3A_95, %mul3A_122 : i32
      %add3A_124 = arith.constant 1 : i32
      %add3A_125 = arith.addi %mul3A_123, %add3A_124 : i32
      %lt3A_126 = arith.cmpi slt, %add3A_125, %scan3A_10 : i32
      %and3A_127 = vector.broadcast %lt3A_126 : i1 to vector<16xi1>
      %and3A_128 = arith.andi %eq3A_21, %and3A_127 : vector<16xi1>
      %broadcast_in_dim3A_129 = vector.broadcast %sub3A_119 : i32 to vector<16xi32>
      %broadcast_in_dim3A_130 = vector.broadcast %shift_right_arithmetic3A_121 : i32 to vector<16xi32>
      tpu.vector_store_idx %arg12[%broadcast_in_dim3A_129], %broadcast_in_dim3A_130 masked %and3A_128 : memref<3136xi32, #tpu.memory_space<vmem>>[vector<16xi32>], vector<16xi32>, vector<16xi1>
      %slice3A_131 = vector.extract_strided_slice %get3A_100 {offsets = [2], sizes = [1], strides = [1]} : vector<16xi32> to vector<1xi32>
      %squeeze3A_132 = vector.extract %slice3A_131[0] : i32 from vector<1xi32>
      %and3A_133 = arith.constant 131071 : i32
      %and3A_134 = arith.andi %squeeze3A_132, %and3A_133 : i32
      %sub3A_135 = arith.subi %and3A_134, %mul3A_2 : i32
      %shift_right_arithmetic3A_136 = arith.constant 17 : i32
      %shift_right_arithmetic3A_137 = arith.shrsi %squeeze3A_132, %shift_right_arithmetic3A_136 : i32
      %mul3A_138 = arith.constant 16 : i32
      %mul3A_139 = arith.muli %while3A_95, %mul3A_138 : i32
      %add3A_140 = arith.constant 2 : i32
      %add3A_141 = arith.addi %mul3A_139, %add3A_140 : i32
      %lt3A_142 = arith.cmpi slt, %add3A_141, %scan3A_10 : i32
      %and3A_143 = vector.broadcast %lt3A_142 : i1 to vector<16xi1>
      %and3A_144 = arith.andi %eq3A_21, %and3A_143 : vector<16xi1>
      %broadcast_in_dim3A_145 = vector.broadcast %sub3A_135 : i32 to vector<16xi32>
      %broadcast_in_dim3A_146 = vector.broadcast %shift_right_arithmetic3A_137 : i32 to vector<16xi32>
      tpu.vector_store_idx %arg12[%broadcast_in_dim3A_145], %broadcast_in_dim3A_146 masked %and3A_144 : memref<3136xi32, #tpu.memory_space<vmem>>[vector<16xi32>], vector<16xi32>, vector<16xi1>
      %slice3A_147 = vector.extract_strided_slice %get3A_100 {offsets = [3], sizes = [1], strides = [1]} : vector<16xi32> to vector<1xi32>
      %squeeze3A_148 = vector.extract %slice3A_147[0] : i32 from vector<1xi32>
      %and3A_149 = arith.constant 131071 : i32
      %and3A_150 = arith.andi %squeeze3A_148, %and3A_149 : i32
      %sub3A_151 = arith.subi %and3A_150, %mul3A_2 : i32
      %shift_right_arithmetic3A_152 = arith.constant 17 : i32
      %shift_right_arithmetic3A_153 = arith.shrsi %squeeze3A_148, %shift_right_arithmetic3A_152 : i32
      %mul3A_154 = arith.constant 16 : i32
      %mul3A_155 = arith.muli %while3A_95, %mul3A_154 : i32
      %add3A_156 = arith.constant 3 : i32
      %add3A_157 = arith.addi %mul3A_155, %add3A_156 : i32
      %lt3A_158 = arith.cmpi slt, %add3A_157, %scan3A_10 : i32
      %and3A_159 = vector.broadcast %lt3A_158 : i1 to vector<16xi1>
      %and3A_160 = arith.andi %eq3A_21, %and3A_159 : vector<16xi1>
      %broadcast_in_dim3A_161 = vector.broadcast %sub3A_151 : i32 to vector<16xi32>
      %broadcast_in_dim3A_162 = vector.broadcast %shift_right_arithmetic3A_153 : i32 to vector<16xi32>
      tpu.vector_store_idx %arg12[%broadcast_in_dim3A_161], %broadcast_in_dim3A_162 masked %and3A_160 : memref<3136xi32, #tpu.memory_space<vmem>>[vector<16xi32>], vector<16xi32>, vector<16xi1>
      %slice3A_163 = vector.extract_strided_slice %get3A_100 {offsets = [4], sizes = [1], strides = [1]} : vector<16xi32> to vector<1xi32>
      %squeeze3A_164 = vector.extract %slice3A_163[0] : i32 from vector<1xi32>
      %and3A_165 = arith.constant 131071 : i32
      %and3A_166 = arith.andi %squeeze3A_164, %and3A_165 : i32
      %sub3A_167 = arith.subi %and3A_166, %mul3A_2 : i32
      %shift_right_arithmetic3A_168 = arith.constant 17 : i32
      %shift_right_arithmetic3A_169 = arith.shrsi %squeeze3A_164, %shift_right_arithmetic3A_168 : i32
      %mul3A_170 = arith.constant 16 : i32
      %mul3A_171 = arith.muli %while3A_95, %mul3A_170 : i32
      %add3A_172 = arith.constant 4 : i32
      %add3A_173 = arith.addi %mul3A_171, %add3A_172 : i32
      %lt3A_174 = arith.cmpi slt, %add3A_173, %scan3A_10 : i32
      %and3A_175 = vector.broadcast %lt3A_174 : i1 to vector<16xi1>
      %and3A_176 = arith.andi %eq3A_21, %and3A_175 : vector<16xi1>
      %broadcast_in_dim3A_177 = vector.broadcast %sub3A_167 : i32 to vector<16xi32>
      %broadcast_in_dim3A_178 = vector.broadcast %shift_right_arithmetic3A_169 : i32 to vector<16xi32>
      tpu.vector_store_idx %arg12[%broadcast_in_dim3A_177], %broadcast_in_dim3A_178 masked %and3A_176 : memref<3136xi32, #tpu.memory_space<vmem>>[vector<16xi32>], vector<16xi32>, vector<16xi1>
      %slice3A_179 = vector.extract_strided_slice %get3A_100 {offsets = [5], sizes = [1], strides = [1]} : vector<16xi32> to vector<1xi32>
      %squeeze3A_180 = vector.extract %slice3A_179[0] : i32 from vector<1xi32>
      %and3A_181 = arith.constant 131071 : i32
      %and3A_182 = arith.andi %squeeze3A_180, %and3A_181 : i32
      %sub3A_183 = arith.subi %and3A_182, %mul3A_2 : i32
      %shift_right_arithmetic3A_184 = arith.constant 17 : i32
      %shift_right_arithmetic3A_185 = arith.shrsi %squeeze3A_180, %shift_right_arithmetic3A_184 : i32
      %mul3A_186 = arith.constant 16 : i32
      %mul3A_187 = arith.muli %while3A_95, %mul3A_186 : i32
      %add3A_188 = arith.constant 5 : i32
      %add3A_189 = arith.addi %mul3A_187, %add3A_188 : i32
      %lt3A_190 = arith.cmpi slt, %add3A_189, %scan3A_10 : i32
      %and3A_191 = vector.broadcast %lt3A_190 : i1 to vector<16xi1>
      %and3A_192 = arith.andi %eq3A_21, %and3A_191 : vector<16xi1>
      %broadcast_in_dim3A_193 = vector.broadcast %sub3A_183 : i32 to vector<16xi32>
      %broadcast_in_dim3A_194 = vector.broadcast %shift_right_arithmetic3A_185 : i32 to vector<16xi32>
      tpu.vector_store_idx %arg12[%broadcast_in_dim3A_193], %broadcast_in_dim3A_194 masked %and3A_192 : memref<3136xi32, #tpu.memory_space<vmem>>[vector<16xi32>], vector<16xi32>, vector<16xi1>
      %slice3A_195 = vector.extract_strided_slice %get3A_100 {offsets = [6], sizes = [1], strides = [1]} : vector<16xi32> to vector<1xi32>
      %squeeze3A_196 = vector.extract %slice3A_195[0] : i32 from vector<1xi32>
      %and3A_197 = arith.constant 131071 : i32
      %and3A_198 = arith.andi %squeeze3A_196, %and3A_197 : i32
      %sub3A_199 = arith.subi %and3A_198, %mul3A_2 : i32
      %shift_right_arithmetic3A_200 = arith.constant 17 : i32
      %shift_right_arithmetic3A_201 = arith.shrsi %squeeze3A_196, %shift_right_arithmetic3A_200 : i32
      %mul3A_202 = arith.constant 16 : i32
      %mul3A_203 = arith.muli %while3A_95, %mul3A_202 : i32
      %add3A_204 = arith.constant 6 : i32
      %add3A_205 = arith.addi %mul3A_203, %add3A_204 : i32
      %lt3A_206 = arith.cmpi slt, %add3A_205, %scan3A_10 : i32
      %and3A_207 = vector.broadcast %lt3A_206 : i1 to vector<16xi1>
      %and3A_208 = arith.andi %eq3A_21, %and3A_207 : vector<16xi1>
      %broadcast_in_dim3A_209 = vector.broadcast %sub3A_199 : i32 to vector<16xi32>
      %broadcast_in_dim3A_210 = vector.broadcast %shift_right_arithmetic3A_201 : i32 to vector<16xi32>
      tpu.vector_store_idx %arg12[%broadcast_in_dim3A_209], %broadcast_in_dim3A_210 masked %and3A_208 : memref<3136xi32, #tpu.memory_space<vmem>>[vector<16xi32>], vector<16xi32>, vector<16xi1>
      %slice3A_211 = vector.extract_strided_slice %get3A_100 {offsets = [7], sizes = [1], strides = [1]} : vector<16xi32> to vector<1xi32>
      %squeeze3A_212 = vector.extract %slice3A_211[0] : i32 from vector<1xi32>
      %and3A_213 = arith.constant 131071 : i32
      %and3A_214 = arith.andi %squeeze3A_212, %and3A_213 : i32
      %sub3A_215 = arith.subi %and3A_214, %mul3A_2 : i32
      %shift_right_arithmetic3A_216 = arith.constant 17 : i32
      %shift_right_arithmetic3A_217 = arith.shrsi %squeeze3A_212, %shift_right_arithmetic3A_216 : i32
      %mul3A_218 = arith.constant 16 : i32
      %mul3A_219 = arith.muli %while3A_95, %mul3A_218 : i32
      %add3A_220 = arith.constant 7 : i32
      %add3A_221 = arith.addi %mul3A_219, %add3A_220 : i32
      %lt3A_222 = arith.cmpi slt, %add3A_221, %scan3A_10 : i32
      %and3A_223 = vector.broadcast %lt3A_222 : i1 to vector<16xi1>
      %and3A_224 = arith.andi %eq3A_21, %and3A_223 : vector<16xi1>
      %broadcast_in_dim3A_225 = vector.broadcast %sub3A_215 : i32 to vector<16xi32>
      %broadcast_in_dim3A_226 = vector.broadcast %shift_right_arithmetic3A_217 : i32 to vector<16xi32>
      tpu.vector_store_idx %arg12[%broadcast_in_dim3A_225], %broadcast_in_dim3A_226 masked %and3A_224 : memref<3136xi32, #tpu.memory_space<vmem>>[vector<16xi32>], vector<16xi32>, vector<16xi1>
      %slice3A_227 = vector.extract_strided_slice %get3A_100 {offsets = [8], sizes = [1], strides = [1]} : vector<16xi32> to vector<1xi32>
      %squeeze3A_228 = vector.extract %slice3A_227[0] : i32 from vector<1xi32>
      %and3A_229 = arith.constant 131071 : i32
      %and3A_230 = arith.andi %squeeze3A_228, %and3A_229 : i32
      %sub3A_231 = arith.subi %and3A_230, %mul3A_2 : i32
      %shift_right_arithmetic3A_232 = arith.constant 17 : i32
      %shift_right_arithmetic3A_233 = arith.shrsi %squeeze3A_228, %shift_right_arithmetic3A_232 : i32
      %mul3A_234 = arith.constant 16 : i32
      %mul3A_235 = arith.muli %while3A_95, %mul3A_234 : i32
      %add3A_236 = arith.constant 8 : i32
      %add3A_237 = arith.addi %mul3A_235, %add3A_236 : i32
      %lt3A_238 = arith.cmpi slt, %add3A_237, %scan3A_10 : i32
      %and3A_239 = vector.broadcast %lt3A_238 : i1 to vector<16xi1>
      %and3A_240 = arith.andi %eq3A_21, %and3A_239 : vector<16xi1>
      %broadcast_in_dim3A_241 = vector.broadcast %sub3A_231 : i32 to vector<16xi32>
      %broadcast_in_dim3A_242 = vector.broadcast %shift_right_arithmetic3A_233 : i32 to vector<16xi32>
      tpu.vector_store_idx %arg12[%broadcast_in_dim3A_241], %broadcast_in_dim3A_242 masked %and3A_240 : memref<3136xi32, #tpu.memory_space<vmem>>[vector<16xi32>], vector<16xi32>, vector<16xi1>
      %slice3A_243 = vector.extract_strided_slice %get3A_100 {offsets = [9], sizes = [1], strides = [1]} : vector<16xi32> to vector<1xi32>
      %squeeze3A_244 = vector.extract %slice3A_243[0] : i32 from vector<1xi32>
      %and3A_245 = arith.constant 131071 : i32
      %and3A_246 = arith.andi %squeeze3A_244, %and3A_245 : i32
      %sub3A_247 = arith.subi %and3A_246, %mul3A_2 : i32
      %shift_right_arithmetic3A_248 = arith.constant 17 : i32
      %shift_right_arithmetic3A_249 = arith.shrsi %squeeze3A_244, %shift_right_arithmetic3A_248 : i32
      %mul3A_250 = arith.constant 16 : i32
      %mul3A_251 = arith.muli %while3A_95, %mul3A_250 : i32
      %add3A_252 = arith.constant 9 : i32
      %add3A_253 = arith.addi %mul3A_251, %add3A_252 : i32
      %lt3A_254 = arith.cmpi slt, %add3A_253, %scan3A_10 : i32
      %and3A_255 = vector.broadcast %lt3A_254 : i1 to vector<16xi1>
      %and3A_256 = arith.andi %eq3A_21, %and3A_255 : vector<16xi1>
      %broadcast_in_dim3A_257 = vector.broadcast %sub3A_247 : i32 to vector<16xi32>
      %broadcast_in_dim3A_258 = vector.broadcast %shift_right_arithmetic3A_249 : i32 to vector<16xi32>
      tpu.vector_store_idx %arg12[%broadcast_in_dim3A_257], %broadcast_in_dim3A_258 masked %and3A_256 : memref<3136xi32, #tpu.memory_space<vmem>>[vector<16xi32>], vector<16xi32>, vector<16xi1>
      %slice3A_259 = vector.extract_strided_slice %get3A_100 {offsets = [10], sizes = [1], strides = [1]} : vector<16xi32> to vector<1xi32>
      %squeeze3A_260 = vector.extract %slice3A_259[0] : i32 from vector<1xi32>
      %and3A_261 = arith.constant 131071 : i32
      %and3A_262 = arith.andi %squeeze3A_260, %and3A_261 : i32
      %sub3A_263 = arith.subi %and3A_262, %mul3A_2 : i32
      %shift_right_arithmetic3A_264 = arith.constant 17 : i32
      %shift_right_arithmetic3A_265 = arith.shrsi %squeeze3A_260, %shift_right_arithmetic3A_264 : i32
      %mul3A_266 = arith.constant 16 : i32
      %mul3A_267 = arith.muli %while3A_95, %mul3A_266 : i32
      %add3A_268 = arith.constant 10 : i32
      %add3A_269 = arith.addi %mul3A_267, %add3A_268 : i32
      %lt3A_270 = arith.cmpi slt, %add3A_269, %scan3A_10 : i32
      %and3A_271 = vector.broadcast %lt3A_270 : i1 to vector<16xi1>
      %and3A_272 = arith.andi %eq3A_21, %and3A_271 : vector<16xi1>
      %broadcast_in_dim3A_273 = vector.broadcast %sub3A_263 : i32 to vector<16xi32>
      %broadcast_in_dim3A_274 = vector.broadcast %shift_right_arithmetic3A_265 : i32 to vector<16xi32>
      tpu.vector_store_idx %arg12[%broadcast_in_dim3A_273], %broadcast_in_dim3A_274 masked %and3A_272 : memref<3136xi32, #tpu.memory_space<vmem>>[vector<16xi32>], vector<16xi32>, vector<16xi1>
      %slice3A_275 = vector.extract_strided_slice %get3A_100 {offsets = [11], sizes = [1], strides = [1]} : vector<16xi32> to vector<1xi32>
      %squeeze3A_276 = vector.extract %slice3A_275[0] : i32 from vector<1xi32>
      %and3A_277 = arith.constant 131071 : i32
      %and3A_278 = arith.andi %squeeze3A_276, %and3A_277 : i32
      %sub3A_279 = arith.subi %and3A_278, %mul3A_2 : i32
      %shift_right_arithmetic3A_280 = arith.constant 17 : i32
      %shift_right_arithmetic3A_281 = arith.shrsi %squeeze3A_276, %shift_right_arithmetic3A_280 : i32
      %mul3A_282 = arith.constant 16 : i32
      %mul3A_283 = arith.muli %while3A_95, %mul3A_282 : i32
      %add3A_284 = arith.constant 11 : i32
      %add3A_285 = arith.addi %mul3A_283, %add3A_284 : i32
      %lt3A_286 = arith.cmpi slt, %add3A_285, %scan3A_10 : i32
      %and3A_287 = vector.broadcast %lt3A_286 : i1 to vector<16xi1>
      %and3A_288 = arith.andi %eq3A_21, %and3A_287 : vector<16xi1>
      %broadcast_in_dim3A_289 = vector.broadcast %sub3A_279 : i32 to vector<16xi32>
      %broadcast_in_dim3A_290 = vector.broadcast %shift_right_arithmetic3A_281 : i32 to vector<16xi32>
      tpu.vector_store_idx %arg12[%broadcast_in_dim3A_289], %broadcast_in_dim3A_290 masked %and3A_288 : memref<3136xi32, #tpu.memory_space<vmem>>[vector<16xi32>], vector<16xi32>, vector<16xi1>
      %slice3A_291 = vector.extract_strided_slice %get3A_100 {offsets = [12], sizes = [1], strides = [1]} : vector<16xi32> to vector<1xi32>
      %squeeze3A_292 = vector.extract %slice3A_291[0] : i32 from vector<1xi32>
      %and3A_293 = arith.constant 131071 : i32
      %and3A_294 = arith.andi %squeeze3A_292, %and3A_293 : i32
      %sub3A_295 = arith.subi %and3A_294, %mul3A_2 : i32
      %shift_right_arithmetic3A_296 = arith.constant 17 : i32
      %shift_right_arithmetic3A_297 = arith.shrsi %squeeze3A_292, %shift_right_arithmetic3A_296 : i32
      %mul3A_298 = arith.constant 16 : i32
      %mul3A_299 = arith.muli %while3A_95, %mul3A_298 : i32
      %add3A_300 = arith.constant 12 : i32
      %add3A_301 = arith.addi %mul3A_299, %add3A_300 : i32
      %lt3A_302 = arith.cmpi slt, %add3A_301, %scan3A_10 : i32
      %and3A_303 = vector.broadcast %lt3A_302 : i1 to vector<16xi1>
      %and3A_304 = arith.andi %eq3A_21, %and3A_303 : vector<16xi1>
      %broadcast_in_dim3A_305 = vector.broadcast %sub3A_295 : i32 to vector<16xi32>
      %broadcast_in_dim3A_306 = vector.broadcast %shift_right_arithmetic3A_297 : i32 to vector<16xi32>
      tpu.vector_store_idx %arg12[%broadcast_in_dim3A_305], %broadcast_in_dim3A_306 masked %and3A_304 : memref<3136xi32, #tpu.memory_space<vmem>>[vector<16xi32>], vector<16xi32>, vector<16xi1>
      %slice3A_307 = vector.extract_strided_slice %get3A_100 {offsets = [13], sizes = [1], strides = [1]} : vector<16xi32> to vector<1xi32>
      %squeeze3A_308 = vector.extract %slice3A_307[0] : i32 from vector<1xi32>
      %and3A_309 = arith.constant 131071 : i32
      %and3A_310 = arith.andi %squeeze3A_308, %and3A_309 : i32
      %sub3A_311 = arith.subi %and3A_310, %mul3A_2 : i32
      %shift_right_arithmetic3A_312 = arith.constant 17 : i32
      %shift_right_arithmetic3A_313 = arith.shrsi %squeeze3A_308, %shift_right_arithmetic3A_312 : i32
      %mul3A_314 = arith.constant 16 : i32
      %mul3A_315 = arith.muli %while3A_95, %mul3A_314 : i32
      %add3A_316 = arith.constant 13 : i32
      %add3A_317 = arith.addi %mul3A_315, %add3A_316 : i32
      %lt3A_318 = arith.cmpi slt, %add3A_317, %scan3A_10 : i32
      %and3A_319 = vector.broadcast %lt3A_318 : i1 to vector<16xi1>
      %and3A_320 = arith.andi %eq3A_21, %and3A_319 : vector<16xi1>
      %broadcast_in_dim3A_321 = vector.broadcast %sub3A_311 : i32 to vector<16xi32>
      %broadcast_in_dim3A_322 = vector.broadcast %shift_right_arithmetic3A_313 : i32 to vector<16xi32>
      tpu.vector_store_idx %arg12[%broadcast_in_dim3A_321], %broadcast_in_dim3A_322 masked %and3A_320 : memref<3136xi32, #tpu.memory_space<vmem>>[vector<16xi32>], vector<16xi32>, vector<16xi1>
      %slice3A_323 = vector.extract_strided_slice %get3A_100 {offsets = [14], sizes = [1], strides = [1]} : vector<16xi32> to vector<1xi32>
      %squeeze3A_324 = vector.extract %slice3A_323[0] : i32 from vector<1xi32>
      %and3A_325 = arith.constant 131071 : i32
      %and3A_326 = arith.andi %squeeze3A_324, %and3A_325 : i32
      %sub3A_327 = arith.subi %and3A_326, %mul3A_2 : i32
      %shift_right_arithmetic3A_328 = arith.constant 17 : i32
      %shift_right_arithmetic3A_329 = arith.shrsi %squeeze3A_324, %shift_right_arithmetic3A_328 : i32
      %mul3A_330 = arith.constant 16 : i32
      %mul3A_331 = arith.muli %while3A_95, %mul3A_330 : i32
      %add3A_332 = arith.constant 14 : i32
      %add3A_333 = arith.addi %mul3A_331, %add3A_332 : i32
      %lt3A_334 = arith.cmpi slt, %add3A_333, %scan3A_10 : i32
      %and3A_335 = vector.broadcast %lt3A_334 : i1 to vector<16xi1>
      %and3A_336 = arith.andi %eq3A_21, %and3A_335 : vector<16xi1>
      %broadcast_in_dim3A_337 = vector.broadcast %sub3A_327 : i32 to vector<16xi32>
      %broadcast_in_dim3A_338 = vector.broadcast %shift_right_arithmetic3A_329 : i32 to vector<16xi32>
      tpu.vector_store_idx %arg12[%broadcast_in_dim3A_337], %broadcast_in_dim3A_338 masked %and3A_336 : memref<3136xi32, #tpu.memory_space<vmem>>[vector<16xi32>], vector<16xi32>, vector<16xi1>
      %slice3A_339 = vector.extract_strided_slice %get3A_100 {offsets = [15], sizes = [1], strides = [1]} : vector<16xi32> to vector<1xi32>
      %squeeze3A_340 = vector.extract %slice3A_339[0] : i32 from vector<1xi32>
      %and3A_341 = arith.constant 131071 : i32
      %and3A_342 = arith.andi %squeeze3A_340, %and3A_341 : i32
      %sub3A_343 = arith.subi %and3A_342, %mul3A_2 : i32
      %shift_right_arithmetic3A_344 = arith.constant 17 : i32
      %shift_right_arithmetic3A_345 = arith.shrsi %squeeze3A_340, %shift_right_arithmetic3A_344 : i32
      %mul3A_346 = arith.constant 16 : i32
      %mul3A_347 = arith.muli %while3A_95, %mul3A_346 : i32
      %add3A_348 = arith.constant 15 : i32
      %add3A_349 = arith.addi %mul3A_347, %add3A_348 : i32
      %lt3A_350 = arith.cmpi slt, %add3A_349, %scan3A_10 : i32
      %and3A_351 = vector.broadcast %lt3A_350 : i1 to vector<16xi1>
      %and3A_352 = arith.andi %eq3A_21, %and3A_351 : vector<16xi1>
      %broadcast_in_dim3A_353 = vector.broadcast %sub3A_343 : i32 to vector<16xi32>
      %broadcast_in_dim3A_354 = vector.broadcast %shift_right_arithmetic3A_345 : i32 to vector<16xi32>
      tpu.vector_store_idx %arg12[%broadcast_in_dim3A_353], %broadcast_in_dim3A_354 masked %and3A_352 : memref<3136xi32, #tpu.memory_space<vmem>>[vector<16xi32>], vector<16xi32>, vector<16xi1>
      %while3A_355 = arith.constant 0 : i32
      scf.yield %while3A_355 : i32
    }
    %while3A_51 = arith.constant 1 : i32
    %while3A_52 = scf.for %while3A_95 = %while3A_48 to %while3A_44 step %while3A_51 iter_args(%while3A_96 = %while3A_50) -> (i32)  : i32 {
      %mul3A_97 = arith.constant 16 : i32
      %mul3A_98 = arith.muli %while3A_95, %mul3A_97 : i32
      %get3A_99 = arith.index_cast %mul3A_98 : i32 to index
      %get3A_100 = tpu.vector_load %arg11[%get3A_99] {strides = array<i32>} : memref<16400xi32, #tpu.memory_space<vmem>>, vector<16xi32>,
      %slice3A_101 = vector.extract_strided_slice %get3A_100 {offsets = [0], sizes = [1], strides = [1]} : vector<16xi32> to vector<1xi32>
      %squeeze3A_102 = vector.extract %slice3A_101[0] : i32 from vector<1xi32>
      %and3A_103 = arith.constant 131071 : i32
      %and3A_104 = arith.andi %squeeze3A_102, %and3A_103 : i32
      %sub3A_105 = arith.subi %and3A_104, %mul3A_2 : i32
      %shift_right_arithmetic3A = arith.constant 17 : i32
      %shift_right_arithmetic3A_106 = arith.shrsi %squeeze3A_102, %shift_right_arithmetic3A : i32
      %mul3A_107 = arith.constant 16 : i32
      %mul3A_108 = arith.muli %while3A_95, %mul3A_107 : i32
      %add3A_109 = arith.constant 0 : i32
      %add3A_110 = arith.addi %mul3A_108, %add3A_109 : i32
      %lt3A = arith.cmpi slt, %add3A_110, %scan3A_10 : i32
      %and3A_111 = vector.broadcast %lt3A : i1 to vector<16xi1>
      %and3A_112 = arith.andi %eq3A_21, %and3A_111 : vector<16xi1>
      %broadcast_in_dim3A_113 = vector.broadcast %sub3A_105 : i32 to vector<16xi32>
      %broadcast_in_dim3A_114 = vector.broadcast %shift_right_arithmetic3A_106 : i32 to vector<16xi32>
      tpu.vector_store_idx %arg12[%broadcast_in_dim3A_113], %broadcast_in_dim3A_114 masked %and3A_112 : memref<3136xi32, #tpu.memory_space<vmem>>[vector<16xi32>], vector<16xi32>, vector<16xi1>
      %slice3A_115 = vector.extract_strided_slice %get3A_100 {offsets = [1], sizes = [1], strides = [1]} : vector<16xi32> to vector<1xi32>
      %squeeze3A_116 = vector.extract %slice3A_115[0] : i32 from vector<1xi32>
      %and3A_117 = arith.constant 131071 : i32
      %and3A_118 = arith.andi %squeeze3A_116, %and3A_117 : i32
      %sub3A_119 = arith.subi %and3A_118, %mul3A_2 : i32
      %shift_right_arithmetic3A_120 = arith.constant 17 : i32
      %shift_right_arithmetic3A_121 = arith.shrsi %squeeze3A_116, %shift_right_arithmetic3A_120 : i32
      %mul3A_122 = arith.constant 16 : i32
      %mul3A_123 = arith.muli %while3A_95, %mul3A_122 : i32
      %add3A_124 = arith.constant 1 : i32
      %add3A_125 = arith.addi %mul3A_123, %add3A_124 : i32
      %lt3A_126 = arith.cmpi slt, %add3A_125, %scan3A_10 : i32
      %and3A_127 = vector.broadcast %lt3A_126 : i1 to vector<16xi1>
      %and3A_128 = arith.andi %eq3A_21, %and3A_127 : vector<16xi1>
      %broadcast_in_dim3A_129 = vector.broadcast %sub3A_119 : i32 to vector<16xi32>
      %broadcast_in_dim3A_130 = vector.broadcast %shift_right_arithmetic3A_121 : i32 to vector<16xi32>
      tpu.vector_store_idx %arg12[%broadcast_in_dim3A_129], %broadcast_in_dim3A_130 masked %and3A_128 : memref<3136xi32, #tpu.memory_space<vmem>>[vector<16xi32>], vector<16xi32>, vector<16xi1>
      %slice3A_131 = vector.extract_strided_slice %get3A_100 {offsets = [2], sizes = [1], strides = [1]} : vector<16xi32> to vector<1xi32>
      %squeeze3A_132 = vector.extract %slice3A_131[0] : i32 from vector<1xi32>
      %and3A_133 = arith.constant 131071 : i32
      %and3A_134 = arith.andi %squeeze3A_132, %and3A_133 : i32
      %sub3A_135 = arith.subi %and3A_134, %mul3A_2 : i32
      %shift_right_arithmetic3A_136 = arith.constant 17 : i32
      %shift_right_arithmetic3A_137 = arith.shrsi %squeeze3A_132, %shift_right_arithmetic3A_136 : i32
      %mul3A_138 = arith.constant 16 : i32
      %mul3A_139 = arith.muli %while3A_95, %mul3A_138 : i32
      %add3A_140 = arith.constant 2 : i32
      %add3A_141 = arith.addi %mul3A_139, %add3A_140 : i32
      %lt3A_142 = arith.cmpi slt, %add3A_141, %scan3A_10 : i32
      %and3A_143 = vector.broadcast %lt3A_142 : i1 to vector<16xi1>
      %and3A_144 = arith.andi %eq3A_21, %and3A_143 : vector<16xi1>
      %broadcast_in_dim3A_145 = vector.broadcast %sub3A_135 : i32 to vector<16xi32>
      %broadcast_in_dim3A_146 = vector.broadcast %shift_right_arithmetic3A_137 : i32 to vector<16xi32>
      tpu.vector_store_idx %arg12[%broadcast_in_dim3A_145], %broadcast_in_dim3A_146 masked %and3A_144 : memref<3136xi32, #tpu.memory_space<vmem>>[vector<16xi32>], vector<16xi32>, vector<16xi1>
      %slice3A_147 = vector.extract_strided_slice %get3A_100 {offsets = [3], sizes = [1], strides = [1]} : vector<16xi32> to vector<1xi32>
      %squeeze3A_148 = vector.extract %slice3A_147[0] : i32 from vector<1xi32>
      %and3A_149 = arith.constant 131071 : i32
      %and3A_150 = arith.andi %squeeze3A_148, %and3A_149 : i32
      %sub3A_151 = arith.subi %and3A_150, %mul3A_2 : i32
      %shift_right_arithmetic3A_152 = arith.constant 17 : i32
      %shift_right_arithmetic3A_153 = arith.shrsi %squeeze3A_148, %shift_right_arithmetic3A_152 : i32
      %mul3A_154 = arith.constant 16 : i32
      %mul3A_155 = arith.muli %while3A_95, %mul3A_154 : i32
      %add3A_156 = arith.constant 3 : i32
      %add3A_157 = arith.addi %mul3A_155, %add3A_156 : i32
      %lt3A_158 = arith.cmpi slt, %add3A_157, %scan3A_10 : i32
      %and3A_159 = vector.broadcast %lt3A_158 : i1 to vector<16xi1>
      %and3A_160 = arith.andi %eq3A_21, %and3A_159 : vector<16xi1>
      %broadcast_in_dim3A_161 = vector.broadcast %sub3A_151 : i32 to vector<16xi32>
      %broadcast_in_dim3A_162 = vector.broadcast %shift_right_arithmetic3A_153 : i32 to vector<16xi32>
      tpu.vector_store_idx %arg12[%broadcast_in_dim3A_161], %broadcast_in_dim3A_162 masked %and3A_160 : memref<3136xi32, #tpu.memory_space<vmem>>[vector<16xi32>], vector<16xi32>, vector<16xi1>
      %slice3A_163 = vector.extract_strided_slice %get3A_100 {offsets = [4], sizes = [1], strides = [1]} : vector<16xi32> to vector<1xi32>
      %squeeze3A_164 = vector.extract %slice3A_163[0] : i32 from vector<1xi32>
      %and3A_165 = arith.constant 131071 : i32
      %and3A_166 = arith.andi %squeeze3A_164, %and3A_165 : i32
      %sub3A_167 = arith.subi %and3A_166, %mul3A_2 : i32
      %shift_right_arithmetic3A_168 = arith.constant 17 : i32
      %shift_right_arithmetic3A_169 = arith.shrsi %squeeze3A_164, %shift_right_arithmetic3A_168 : i32
      %mul3A_170 = arith.constant 16 : i32
      %mul3A_171 = arith.muli %while3A_95, %mul3A_170 : i32
      %add3A_172 = arith.constant 4 : i32
      %add3A_173 = arith.addi %mul3A_171, %add3A_172 : i32
      %lt3A_174 = arith.cmpi slt, %add3A_173, %scan3A_10 : i32
      %and3A_175 = vector.broadcast %lt3A_174 : i1 to vector<16xi1>
      %and3A_176 = arith.andi %eq3A_21, %and3A_175 : vector<16xi1>
      %broadcast_in_dim3A_177 = vector.broadcast %sub3A_167 : i32 to vector<16xi32>
      %broadcast_in_dim3A_178 = vector.broadcast %shift_right_arithmetic3A_169 : i32 to vector<16xi32>
      tpu.vector_store_idx %arg12[%broadcast_in_dim3A_177], %broadcast_in_dim3A_178 masked %and3A_176 : memref<3136xi32, #tpu.memory_space<vmem>>[vector<16xi32>], vector<16xi32>, vector<16xi1>
      %slice3A_179 = vector.extract_strided_slice %get3A_100 {offsets = [5], sizes = [1], strides = [1]} : vector<16xi32> to vector<1xi32>
      %squeeze3A_180 = vector.extract %slice3A_179[0] : i32 from vector<1xi32>
      %and3A_181 = arith.constant 131071 : i32
      %and3A_182 = arith.andi %squeeze3A_180, %and3A_181 : i32
      %sub3A_183 = arith.subi %and3A_182, %mul3A_2 : i32
      %shift_right_arithmetic3A_184 = arith.constant 17 : i32
      %shift_right_arithmetic3A_185 = arith.shrsi %squeeze3A_180, %shift_right_arithmetic3A_184 : i32
      %mul3A_186 = arith.constant 16 : i32
      %mul3A_187 = arith.muli %while3A_95, %mul3A_186 : i32
      %add3A_188 = arith.constant 5 : i32
      %add3A_189 = arith.addi %mul3A_187, %add3A_188 : i32
      %lt3A_190 = arith.cmpi slt, %add3A_189, %scan3A_10 : i32
      %and3A_191 = vector.broadcast %lt3A_190 : i1 to vector<16xi1>
      %and3A_192 = arith.andi %eq3A_21, %and3A_191 : vector<16xi1>
      %broadcast_in_dim3A_193 = vector.broadcast %sub3A_183 : i32 to vector<16xi32>
      %broadcast_in_dim3A_194 = vector.broadcast %shift_right_arithmetic3A_185 : i32 to vector<16xi32>
      tpu.vector_store_idx %arg12[%broadcast_in_dim3A_193], %broadcast_in_dim3A_194 masked %and3A_192 : memref<3136xi32, #tpu.memory_space<vmem>>[vector<16xi32>], vector<16xi32>, vector<16xi1>
      %slice3A_195 = vector.extract_strided_slice %get3A_100 {offsets = [6], sizes = [1], strides = [1]} : vector<16xi32> to vector<1xi32>
      %squeeze3A_196 = vector.extract %slice3A_195[0] : i32 from vector<1xi32>
      %and3A_197 = arith.constant 131071 : i32
      %and3A_198 = arith.andi %squeeze3A_196, %and3A_197 : i32
      %sub3A_199 = arith.subi %and3A_198, %mul3A_2 : i32
      %shift_right_arithmetic3A_200 = arith.constant 17 : i32
      %shift_right_arithmetic3A_201 = arith.shrsi %squeeze3A_196, %shift_right_arithmetic3A_200 : i32
      %mul3A_202 = arith.constant 16 : i32
      %mul3A_203 = arith.muli %while3A_95, %mul3A_202 : i32
      %add3A_204 = arith.constant 6 : i32
      %add3A_205 = arith.addi %mul3A_203, %add3A_204 : i32
      %lt3A_206 = arith.cmpi slt, %add3A_205, %scan3A_10 : i32
      %and3A_207 = vector.broadcast %lt3A_206 : i1 to vector<16xi1>
      %and3A_208 = arith.andi %eq3A_21, %and3A_207 : vector<16xi1>
      %broadcast_in_dim3A_209 = vector.broadcast %sub3A_199 : i32 to vector<16xi32>
      %broadcast_in_dim3A_210 = vector.broadcast %shift_right_arithmetic3A_201 : i32 to vector<16xi32>
      tpu.vector_store_idx %arg12[%broadcast_in_dim3A_209], %broadcast_in_dim3A_210 masked %and3A_208 : memref<3136xi32, #tpu.memory_space<vmem>>[vector<16xi32>], vector<16xi32>, vector<16xi1>
      %slice3A_211 = vector.extract_strided_slice %get3A_100 {offsets = [7], sizes = [1], strides = [1]} : vector<16xi32> to vector<1xi32>
      %squeeze3A_212 = vector.extract %slice3A_211[0] : i32 from vector<1xi32>
      %and3A_213 = arith.constant 131071 : i32
      %and3A_214 = arith.andi %squeeze3A_212, %and3A_213 : i32
      %sub3A_215 = arith.subi %and3A_214, %mul3A_2 : i32
      %shift_right_arithmetic3A_216 = arith.constant 17 : i32
      %shift_right_arithmetic3A_217 = arith.shrsi %squeeze3A_212, %shift_right_arithmetic3A_216 : i32
      %mul3A_218 = arith.constant 16 : i32
      %mul3A_219 = arith.muli %while3A_95, %mul3A_218 : i32
      %add3A_220 = arith.constant 7 : i32
      %add3A_221 = arith.addi %mul3A_219, %add3A_220 : i32
      %lt3A_222 = arith.cmpi slt, %add3A_221, %scan3A_10 : i32
      %and3A_223 = vector.broadcast %lt3A_222 : i1 to vector<16xi1>
      %and3A_224 = arith.andi %eq3A_21, %and3A_223 : vector<16xi1>
      %broadcast_in_dim3A_225 = vector.broadcast %sub3A_215 : i32 to vector<16xi32>
      %broadcast_in_dim3A_226 = vector.broadcast %shift_right_arithmetic3A_217 : i32 to vector<16xi32>
      tpu.vector_store_idx %arg12[%broadcast_in_dim3A_225], %broadcast_in_dim3A_226 masked %and3A_224 : memref<3136xi32, #tpu.memory_space<vmem>>[vector<16xi32>], vector<16xi32>, vector<16xi1>
      %slice3A_227 = vector.extract_strided_slice %get3A_100 {offsets = [8], sizes = [1], strides = [1]} : vector<16xi32> to vector<1xi32>
      %squeeze3A_228 = vector.extract %slice3A_227[0] : i32 from vector<1xi32>
      %and3A_229 = arith.constant 131071 : i32
      %and3A_230 = arith.andi %squeeze3A_228, %and3A_229 : i32
      %sub3A_231 = arith.subi %and3A_230, %mul3A_2 : i32
      %shift_right_arithmetic3A_232 = arith.constant 17 : i32
      %shift_right_arithmetic3A_233 = arith.shrsi %squeeze3A_228, %shift_right_arithmetic3A_232 : i32
      %mul3A_234 = arith.constant 16 : i32
      %mul3A_235 = arith.muli %while3A_95, %mul3A_234 : i32
      %add3A_236 = arith.constant 8 : i32
      %add3A_237 = arith.addi %mul3A_235, %add3A_236 : i32
      %lt3A_238 = arith.cmpi slt, %add3A_237, %scan3A_10 : i32
      %and3A_239 = vector.broadcast %lt3A_238 : i1 to vector<16xi1>
      %and3A_240 = arith.andi %eq3A_21, %and3A_239 : vector<16xi1>
      %broadcast_in_dim3A_241 = vector.broadcast %sub3A_231 : i32 to vector<16xi32>
      %broadcast_in_dim3A_242 = vector.broadcast %shift_right_arithmetic3A_233 : i32 to vector<16xi32>
      tpu.vector_store_idx %arg12[%broadcast_in_dim3A_241], %broadcast_in_dim3A_242 masked %and3A_240 : memref<3136xi32, #tpu.memory_space<vmem>>[vector<16xi32>], vector<16xi32>, vector<16xi1>
      %slice3A_243 = vector.extract_strided_slice %get3A_100 {offsets = [9], sizes = [1], strides = [1]} : vector<16xi32> to vector<1xi32>
      %squeeze3A_244 = vector.extract %slice3A_243[0] : i32 from vector<1xi32>
      %and3A_245 = arith.constant 131071 : i32
      %and3A_246 = arith.andi %squeeze3A_244, %and3A_245 : i32
      %sub3A_247 = arith.subi %and3A_246, %mul3A_2 : i32
      %shift_right_arithmetic3A_248 = arith.constant 17 : i32
      %shift_right_arithmetic3A_249 = arith.shrsi %squeeze3A_244, %shift_right_arithmetic3A_248 : i32
      %mul3A_250 = arith.constant 16 : i32
      %mul3A_251 = arith.muli %while3A_95, %mul3A_250 : i32
      %add3A_252 = arith.constant 9 : i32
      %add3A_253 = arith.addi %mul3A_251, %add3A_252 : i32
      %lt3A_254 = arith.cmpi slt, %add3A_253, %scan3A_10 : i32
      %and3A_255 = vector.broadcast %lt3A_254 : i1 to vector<16xi1>
      %and3A_256 = arith.andi %eq3A_21, %and3A_255 : vector<16xi1>
      %broadcast_in_dim3A_257 = vector.broadcast %sub3A_247 : i32 to vector<16xi32>
      %broadcast_in_dim3A_258 = vector.broadcast %shift_right_arithmetic3A_249 : i32 to vector<16xi32>
      tpu.vector_store_idx %arg12[%broadcast_in_dim3A_257], %broadcast_in_dim3A_258 masked %and3A_256 : memref<3136xi32, #tpu.memory_space<vmem>>[vector<16xi32>], vector<16xi32>, vector<16xi1>
      %slice3A_259 = vector.extract_strided_slice %get3A_100 {offsets = [10], sizes = [1], strides = [1]} : vector<16xi32> to vector<1xi32>
      %squeeze3A_260 = vector.extract %slice3A_259[0] : i32 from vector<1xi32>
      %and3A_261 = arith.constant 131071 : i32
      %and3A_262 = arith.andi %squeeze3A_260, %and3A_261 : i32
      %sub3A_263 = arith.subi %and3A_262, %mul3A_2 : i32
      %shift_right_arithmetic3A_264 = arith.constant 17 : i32
      %shift_right_arithmetic3A_265 = arith.shrsi %squeeze3A_260, %shift_right_arithmetic3A_264 : i32
      %mul3A_266 = arith.constant 16 : i32
      %mul3A_267 = arith.muli %while3A_95, %mul3A_266 : i32
      %add3A_268 = arith.constant 10 : i32
      %add3A_269 = arith.addi %mul3A_267, %add3A_268 : i32
      %lt3A_270 = arith.cmpi slt, %add3A_269, %scan3A_10 : i32
      %and3A_271 = vector.broadcast %lt3A_270 : i1 to vector<16xi1>
      %and3A_272 = arith.andi %eq3A_21, %and3A_271 : vector<16xi1>
      %broadcast_in_dim3A_273 = vector.broadcast %sub3A_263 : i32 to vector<16xi32>
      %broadcast_in_dim3A_274 = vector.broadcast %shift_right_arithmetic3A_265 : i32 to vector<16xi32>
      tpu.vector_store_idx %arg12[%broadcast_in_dim3A_273], %broadcast_in_dim3A_274 masked %and3A_272 : memref<3136xi32, #tpu.memory_space<vmem>>[vector<16xi32>], vector<16xi32>, vector<16xi1>
      %slice3A_275 = vector.extract_strided_slice %get3A_100 {offsets = [11], sizes = [1], strides = [1]} : vector<16xi32> to vector<1xi32>
      %squeeze3A_276 = vector.extract %slice3A_275[0] : i32 from vector<1xi32>
      %and3A_277 = arith.constant 131071 : i32
      %and3A_278 = arith.andi %squeeze3A_276, %and3A_277 : i32
      %sub3A_279 = arith.subi %and3A_278, %mul3A_2 : i32
      %shift_right_arithmetic3A_280 = arith.constant 17 : i32
      %shift_right_arithmetic3A_281 = arith.shrsi %squeeze3A_276, %shift_right_arithmetic3A_280 : i32
      %mul3A_282 = arith.constant 16 : i32
      %mul3A_283 = arith.muli %while3A_95, %mul3A_282 : i32
      %add3A_284 = arith.constant 11 : i32
      %add3A_285 = arith.addi %mul3A_283, %add3A_284 : i32
      %lt3A_286 = arith.cmpi slt, %add3A_285, %scan3A_10 : i32
      %and3A_287 = vector.broadcast %lt3A_286 : i1 to vector<16xi1>
      %and3A_288 = arith.andi %eq3A_21, %and3A_287 : vector<16xi1>
      %broadcast_in_dim3A_289 = vector.broadcast %sub3A_279 : i32 to vector<16xi32>
      %broadcast_in_dim3A_290 = vector.broadcast %shift_right_arithmetic3A_281 : i32 to vector<16xi32>
      tpu.vector_store_idx %arg12[%broadcast_in_dim3A_289], %broadcast_in_dim3A_290 masked %and3A_288 : memref<3136xi32, #tpu.memory_space<vmem>>[vector<16xi32>], vector<16xi32>, vector<16xi1>
      %slice3A_291 = vector.extract_strided_slice %get3A_100 {offsets = [12], sizes = [1], strides = [1]} : vector<16xi32> to vector<1xi32>
      %squeeze3A_292 = vector.extract %slice3A_291[0] : i32 from vector<1xi32>
      %and3A_293 = arith.constant 131071 : i32
      %and3A_294 = arith.andi %squeeze3A_292, %and3A_293 : i32
      %sub3A_295 = arith.subi %and3A_294, %mul3A_2 : i32
      %shift_right_arithmetic3A_296 = arith.constant 17 : i32
      %shift_right_arithmetic3A_297 = arith.shrsi %squeeze3A_292, %shift_right_arithmetic3A_296 : i32
      %mul3A_298 = arith.constant 16 : i32
      %mul3A_299 = arith.muli %while3A_95, %mul3A_298 : i32
      %add3A_300 = arith.constant 12 : i32
      %add3A_301 = arith.addi %mul3A_299, %add3A_300 : i32
      %lt3A_302 = arith.cmpi slt, %add3A_301, %scan3A_10 : i32
      %and3A_303 = vector.broadcast %lt3A_302 : i1 to vector<16xi1>
      %and3A_304 = arith.andi %eq3A_21, %and3A_303 : vector<16xi1>
      %broadcast_in_dim3A_305 = vector.broadcast %sub3A_295 : i32 to vector<16xi32>
      %broadcast_in_dim3A_306 = vector.broadcast %shift_right_arithmetic3A_297 : i32 to vector<16xi32>
      tpu.vector_store_idx %arg12[%broadcast_in_dim3A_305], %broadcast_in_dim3A_306 masked %and3A_304 : memref<3136xi32, #tpu.memory_space<vmem>>[vector<16xi32>], vector<16xi32>, vector<16xi1>
      %slice3A_307 = vector.extract_strided_slice %get3A_100 {offsets = [13], sizes = [1], strides = [1]} : vector<16xi32> to vector<1xi32>
      %squeeze3A_308 = vector.extract %slice3A_307[0] : i32 from vector<1xi32>
      %and3A_309 = arith.constant 131071 : i32
      %and3A_310 = arith.andi %squeeze3A_308, %and3A_309 : i32
      %sub3A_311 = arith.subi %and3A_310, %mul3A_2 : i32
      %shift_right_arithmetic3A_312 = arith.constant 17 : i32
      %shift_right_arithmetic3A_313 = arith.shrsi %squeeze3A_308, %shift_right_arithmetic3A_312 : i32
      %mul3A_314 = arith.constant 16 : i32
      %mul3A_315 = arith.muli %while3A_95, %mul3A_314 : i32
      %add3A_316 = arith.constant 13 : i32
      %add3A_317 = arith.addi %mul3A_315, %add3A_316 : i32
      %lt3A_318 = arith.cmpi slt, %add3A_317, %scan3A_10 : i32
      %and3A_319 = vector.broadcast %lt3A_318 : i1 to vector<16xi1>
      %and3A_320 = arith.andi %eq3A_21, %and3A_319 : vector<16xi1>
      %broadcast_in_dim3A_321 = vector.broadcast %sub3A_311 : i32 to vector<16xi32>
      %broadcast_in_dim3A_322 = vector.broadcast %shift_right_arithmetic3A_313 : i32 to vector<16xi32>
      tpu.vector_store_idx %arg12[%broadcast_in_dim3A_321], %broadcast_in_dim3A_322 masked %and3A_320 : memref<3136xi32, #tpu.memory_space<vmem>>[vector<16xi32>], vector<16xi32>, vector<16xi1>
      %slice3A_323 = vector.extract_strided_slice %get3A_100 {offsets = [14], sizes = [1], strides = [1]} : vector<16xi32> to vector<1xi32>
      %squeeze3A_324 = vector.extract %slice3A_323[0] : i32 from vector<1xi32>
      %and3A_325 = arith.constant 131071 : i32
      %and3A_326 = arith.andi %squeeze3A_324, %and3A_325 : i32
      %sub3A_327 = arith.subi %and3A_326, %mul3A_2 : i32
      %shift_right_arithmetic3A_328 = arith.constant 17 : i32
      %shift_right_arithmetic3A_329 = arith.shrsi %squeeze3A_324, %shift_right_arithmetic3A_328 : i32
      %mul3A_330 = arith.constant 16 : i32
      %mul3A_331 = arith.muli %while3A_95, %mul3A_330 : i32
      %add3A_332 = arith.constant 14 : i32
      %add3A_333 = arith.addi %mul3A_331, %add3A_332 : i32
      %lt3A_334 = arith.cmpi slt, %add3A_333, %scan3A_10 : i32
      %and3A_335 = vector.broadcast %lt3A_334 : i1 to vector<16xi1>
      %and3A_336 = arith.andi %eq3A_21, %and3A_335 : vector<16xi1>
      %broadcast_in_dim3A_337 = vector.broadcast %sub3A_327 : i32 to vector<16xi32>
      %broadcast_in_dim3A_338 = vector.broadcast %shift_right_arithmetic3A_329 : i32 to vector<16xi32>
      tpu.vector_store_idx %arg12[%broadcast_in_dim3A_337], %broadcast_in_dim3A_338 masked %and3A_336 : memref<3136xi32, #tpu.memory_space<vmem>>[vector<16xi32>], vector<16xi32>, vector<16xi1>
      %slice3A_339 = vector.extract_strided_slice %get3A_100 {offsets = [15], sizes = [1], strides = [1]} : vector<16xi32> to vector<1xi32>
      %squeeze3A_340 = vector.extract %slice3A_339[0] : i32 from vector<1xi32>
      %and3A_341 = arith.constant 131071 : i32
      %and3A_342 = arith.andi %squeeze3A_340, %and3A_341 : i32
      %sub3A_343 = arith.subi %and3A_342, %mul3A_2 : i32
      %shift_right_arithmetic3A_344 = arith.constant 17 : i32
      %shift_right_arithmetic3A_345 = arith.shrsi %squeeze3A_340, %shift_right_arithmetic3A_344 : i32
      %mul3A_346 = arith.constant 16 : i32
      %mul3A_347 = arith.muli %while3A_95, %mul3A_346 : i32
      %add3A_348 = arith.constant 15 : i32
      %add3A_349 = arith.addi %mul3A_347, %add3A_348 : i32
      %lt3A_350 = arith.cmpi slt, %add3A_349, %scan3A_10 : i32
      %and3A_351 = vector.broadcast %lt3A_350 : i1 to vector<16xi1>
      %and3A_352 = arith.andi %eq3A_21, %and3A_351 : vector<16xi1>
      %broadcast_in_dim3A_353 = vector.broadcast %sub3A_343 : i32 to vector<16xi32>
      %broadcast_in_dim3A_354 = vector.broadcast %shift_right_arithmetic3A_345 : i32 to vector<16xi32>
      tpu.vector_store_idx %arg12[%broadcast_in_dim3A_353], %broadcast_in_dim3A_354 masked %and3A_352 : memref<3136xi32, #tpu.memory_space<vmem>>[vector<16xi32>], vector<16xi32>, vector<16xi1>
      %while3A_355 = arith.constant 0 : i32
      scf.yield %while3A_355 : i32
    }
    %not3A = arith.constant true
    %not3A_53 = arith.xori %eq3A_3, %not3A : i1
    %convert_element_type3A = arith.extui %not3A_53 : i1 to i32
    %cond3A = arith.constant 0 : i32
    %cond3A_54 = arith.cmpi ne, %convert_element_type3A, %cond3A : i32
    scf.if %cond3A_54 {
      "tpu.region"() ({
        %run_scoped3A = tpu.sem_alloc : memref<!tpu.dma_semaphore, #tpu.memory_space<semaphore_mem>>
        %dma_start3A = tpu.memref_slice %arg2[%mul3A_2] : memref<100000xf32, #tpu.memory_space<hbm>> -> memref<3136xf32, #tpu.memory_space<hbm>>
        %dma_start3A_95 = tpu.memref_slice %arg2[%mul3A_2] : memref<100000xf32, #tpu.memory_space<hbm>> -> memref<3136xf32, #tpu.memory_space<hbm>>
        tpu.enqueue_dma source(%dma_start3A_95 : memref<3136xf32, #tpu.memory_space<hbm>>) target(%arg17 : memref<3136xf32, #tpu.memory_space<vmem>>) target_semaphore(%run_scoped3A : memref<!tpu.dma_semaphore, #tpu.memory_space<semaphore_mem>>)
        %dma_wait3A = tpu.memref_slice %arg2[%mul3A_2] : memref<100000xf32, #tpu.memory_space<hbm>> -> memref<3136xf32, #tpu.memory_space<hbm>>
        %dma_wait3A_96 = tpu.memref_slice %arg2[%mul3A_2] : memref<100000xf32, #tpu.memory_space<hbm>> -> memref<3136xf32, #tpu.memory_space<hbm>>
        tpu.wait_dma2 semaphore(%run_scoped3A : memref<!tpu.dma_semaphore, #tpu.memory_space<semaphore_mem>>) src(%dma_wait3A_96 : memref<3136xf32, #tpu.memory_space<hbm>>) dst(%arg17 : memref<3136xf32, #tpu.memory_space<vmem>>)
        tpu.yield
      }) : () -> ()
    } else {
    }
    %convert_element_type3A_55 = arith.extui %eq3A_3 : i1 to i32
    %cond3A_56 = arith.constant 0 : i32
    %cond3A_57 = arith.cmpi ne, %convert_element_type3A_55, %cond3A_56 : i32
    scf.if %cond3A_57 {
      "tpu.region"() ({
        %run_scoped3A = tpu.sem_alloc : memref<!tpu.dma_semaphore, #tpu.memory_space<semaphore_mem>>
        %dma_start3A = arith.constant 0 : i32
        %dma_start3A_95 = tpu.memref_slice %arg17[%dma_start3A] : memref<3136xf32, #tpu.memory_space<vmem>> -> memref<2784xf32, #tpu.memory_space<vmem>>
        %dma_start3A_96 = tpu.memref_slice %arg2[%mul3A_2] : memref<100000xf32, #tpu.memory_space<hbm>> -> memref<2784xf32, #tpu.memory_space<hbm>>
        %dma_start3A_97 = arith.constant 0 : i32
        %dma_start3A_98 = tpu.memref_slice %arg17[%dma_start3A_97] : memref<3136xf32, #tpu.memory_space<vmem>> -> memref<2784xf32, #tpu.memory_space<vmem>>
        %dma_start3A_99 = tpu.memref_slice %arg2[%mul3A_2] : memref<100000xf32, #tpu.memory_space<hbm>> -> memref<2784xf32, #tpu.memory_space<hbm>>
        tpu.enqueue_dma source(%dma_start3A_99 : memref<2784xf32, #tpu.memory_space<hbm>>) target(%dma_start3A_98 : memref<2784xf32, #tpu.memory_space<vmem>>) target_semaphore(%run_scoped3A : memref<!tpu.dma_semaphore, #tpu.memory_space<semaphore_mem>>)
        %dma_wait3A = arith.constant 0 : i32
        %dma_wait3A_100 = tpu.memref_slice %arg17[%dma_wait3A] : memref<3136xf32, #tpu.memory_space<vmem>> -> memref<2784xf32, #tpu.memory_space<vmem>>
        %dma_wait3A_101 = tpu.memref_slice %arg2[%mul3A_2] : memref<100000xf32, #tpu.memory_space<hbm>> -> memref<2784xf32, #tpu.memory_space<hbm>>
        %dma_wait3A_102 = arith.constant 0 : i32
        %dma_wait3A_103 = tpu.memref_slice %arg17[%dma_wait3A_102] : memref<3136xf32, #tpu.memory_space<vmem>> -> memref<2784xf32, #tpu.memory_space<vmem>>
        %dma_wait3A_104 = tpu.memref_slice %arg2[%mul3A_2] : memref<100000xf32, #tpu.memory_space<hbm>> -> memref<2784xf32, #tpu.memory_space<hbm>>
        tpu.wait_dma2 semaphore(%run_scoped3A : memref<!tpu.dma_semaphore, #tpu.memory_space<semaphore_mem>>) src(%dma_wait3A_104 : memref<2784xf32, #tpu.memory_space<hbm>>) dst(%dma_wait3A_103 : memref<2784xf32, #tpu.memory_space<vmem>>)
        tpu.yield
      }) : () -> ()
    } else {
    }
    %scan3A_58 = arith.constant 0 : i32
    %scan3A_59 = arith.constant 0 : i32
    %scan3A_60 = arith.constant 196 : i32
    %scan3A_61 = arith.addi %scan3A_59, %scan3A_60 : i32
    %scan3A_62 = arith.constant 1 : i32
    %scan3A_63 = scf.for %scan3A_95 = %scan3A_59 to %scan3A_61 step %scan3A_62 iter_args(%scan3A_96 = %scan3A_58) -> (i32)  : i32 {
      %mul3A_97 = arith.constant 16 : i32
      %mul3A_98 = arith.muli %scan3A_95, %mul3A_97 : i32
      %get3A_99 = arith.index_cast %mul3A_98 : i32 to index
      %get3A_100 = tpu.vector_load %arg12[%get3A_99] {strides = array<i32>} : memref<3136xi32, #tpu.memory_space<vmem>>, vector<16xi32>,
      %ge3A = arith.constant 0 : i32
      %ge3A_101 = vector.broadcast %ge3A : i32 to vector<16xi32>
      %ge3A_102 = arith.cmpi sge, %get3A_100, %ge3A_101 : vector<16xi32>
      %mul3A_103 = arith.constant 16 : i32
      %mul3A_104 = arith.muli %scan3A_95, %mul3A_103 : i32
      %add3A_105 = arith.addi %mul3A_2, %mul3A_104 : i32
      %add3A_106 = vector.broadcast %add3A_105 : i32 to vector<16xi32>
      %add3A_107 = arith.addi %add3A_106, %iota3A : vector<16xi32>
      %convert_element_type3A_108 = arith.extui %ge3A_102 : vector<16xi1> to vector<16xi32>
      %broadcast_in_dim3A_109 = arith.constant true
      %broadcast_in_dim3A_110 = vector.broadcast %broadcast_in_dim3A_109 : i1 to vector<16xi1>
      %masked_cumsum3A = tpu.scan <sum>, %convert_element_type3A_108 masked %broadcast_in_dim3A_110 : vector<16xi32>, vector<16xi1> -> vector<16xi32>
      %add3A_111 = vector.broadcast %scan3A_96 : i32 to vector<16xi32>
      %add3A_112 = arith.addi %add3A_111, %masked_cumsum3A : vector<16xi32>
      %sub3A_113 = arith.constant 1 : i32
      %sub3A_114 = vector.broadcast %sub3A_113 : i32 to vector<16xi32>
      %sub3A_115 = arith.subi %add3A_112, %sub3A_114 : vector<16xi32>
      tpu.vector_store_idx %arg13[%sub3A_115], %get3A_100 masked %ge3A_102 : memref<3216xi32, #tpu.memory_space<vmem>>[vector<16xi32>], vector<16xi32>, vector<16xi1>
      tpu.vector_store_idx %arg14[%sub3A_115], %add3A_107 masked %ge3A_102 : memref<3216xi32, #tpu.memory_space<vmem>>[vector<16xi32>], vector<16xi32>, vector<16xi1>
      %max3A = arith.constant 0 : i32
      %max3A_116 = vector.broadcast %max3A : i32 to vector<16xi32>
      %max3A_117 = arith.maxsi %get3A_100, %max3A_116 : vector<16xi32>
      %gather3A = tpu.vector_load_idx %arg10[%max3A_117] : memref<16384xf32, #tpu.memory_space<vmem>>[vector<16xi32>], vector<16xf32>,
      %mul3A_118 = arith.constant 16 : i32
      %mul3A_119 = arith.muli %scan3A_95, %mul3A_118 : i32
      %get3A_120 = arith.index_cast %mul3A_119 : i32 to index
      %get3A_121 = tpu.vector_load %arg17[%get3A_120] {strides = array<i32>} : memref<3136xf32, #tpu.memory_space<vmem>>, vector<16xf32>,
      %select_n3A_122 = arith.select %ge3A_102, %gather3A, %get3A_121 : vector<16xi1>, vector<16xf32>
      %mul3A_123 = arith.constant 16 : i32
      %mul3A_124 = arith.muli %scan3A_95, %mul3A_123 : i32
      %swap3A_125 = arith.index_cast %mul3A_124 : i32 to index
      %swap3A_126 = tpu.vector_load %arg17[%swap3A_125] {strides = array<i32>} : memref<3136xf32, #tpu.memory_space<vmem>>, vector<16xf32>,
      tpu.vector_store %arg17[%swap3A_125], %select_n3A_122 {strides = array<i32>} : memref<3136xf32, #tpu.memory_space<vmem>>, vector<16xf32>,
      %slice3A_127 = vector.extract_strided_slice %masked_cumsum3A {offsets = [15], sizes = [1], strides = [1]} : vector<16xi32> to vector<1xi32>
      %squeeze3A_128 = vector.extract %slice3A_127[0] : i32 from vector<1xi32>
      %add3A_129 = arith.addi %scan3A_96, %squeeze3A_128 : i32
      scf.yield %add3A_129 : i32
    }
    %scan3A_64 = arith.constant 196 : i32
    %not3A_65 = arith.constant true
    %not3A_66 = arith.xori %eq3A_3, %not3A_65 : i1
    %convert_element_type3A_67 = arith.extui %not3A_66 : i1 to i32
    %cond3A_68 = arith.constant 0 : i32
    %cond3A_69 = arith.cmpi ne, %convert_element_type3A_67, %cond3A_68 : i32
    scf.if %cond3A_69 {
      "tpu.region"() ({
        %run_scoped3A = tpu.sem_alloc : memref<!tpu.dma_semaphore, #tpu.memory_space<semaphore_mem>>
        %dma_start3A = tpu.memref_slice %arg5[%mul3A_2] : memref<100000xf32, #tpu.memory_space<hbm>> -> memref<3136xf32, #tpu.memory_space<hbm>>
        %dma_start3A_95 = tpu.memref_slice %arg5[%mul3A_2] : memref<100000xf32, #tpu.memory_space<hbm>> -> memref<3136xf32, #tpu.memory_space<hbm>>
        tpu.enqueue_dma source(%arg17 : memref<3136xf32, #tpu.memory_space<vmem>>) target(%dma_start3A_95 : memref<3136xf32, #tpu.memory_space<hbm>>) target_semaphore(%run_scoped3A : memref<!tpu.dma_semaphore, #tpu.memory_space<semaphore_mem>>)
        %dma_wait3A = tpu.memref_slice %arg5[%mul3A_2] : memref<100000xf32, #tpu.memory_space<hbm>> -> memref<3136xf32, #tpu.memory_space<hbm>>
        %dma_wait3A_96 = tpu.memref_slice %arg5[%mul3A_2] : memref<100000xf32, #tpu.memory_space<hbm>> -> memref<3136xf32, #tpu.memory_space<hbm>>
        tpu.wait_dma2 semaphore(%run_scoped3A : memref<!tpu.dma_semaphore, #tpu.memory_space<semaphore_mem>>) src(%arg17 : memref<3136xf32, #tpu.memory_space<vmem>>) dst(%dma_wait3A_96 : memref<3136xf32, #tpu.memory_space<hbm>>)
        tpu.yield
      }) : () -> ()
    } else {
    }
    %convert_element_type3A_70 = arith.extui %eq3A_3 : i1 to i32
    %cond3A_71 = arith.constant 0 : i32
    %cond3A_72 = arith.cmpi ne, %convert_element_type3A_70, %cond3A_71 : i32
    scf.if %cond3A_72 {
      "tpu.region"() ({
        %run_scoped3A = tpu.sem_alloc : memref<!tpu.dma_semaphore, #tpu.memory_space<semaphore_mem>>
        %dma_start3A = arith.constant 0 : i32
        %dma_start3A_95 = tpu.memref_slice %arg17[%dma_start3A] : memref<3136xf32, #tpu.memory_space<vmem>> -> memref<2784xf32, #tpu.memory_space<vmem>>
        %dma_start3A_96 = tpu.memref_slice %arg5[%mul3A_2] : memref<100000xf32, #tpu.memory_space<hbm>> -> memref<2784xf32, #tpu.memory_space<hbm>>
        %dma_start3A_97 = tpu.memref_slice %arg5[%mul3A_2] : memref<100000xf32, #tpu.memory_space<hbm>> -> memref<2784xf32, #tpu.memory_space<hbm>>
        %dma_start3A_98 = arith.constant 0 : i32
        %dma_start3A_99 = tpu.memref_slice %arg17[%dma_start3A_98] : memref<3136xf32, #tpu.memory_space<vmem>> -> memref<2784xf32, #tpu.memory_space<vmem>>
        tpu.enqueue_dma source(%dma_start3A_99 : memref<2784xf32, #tpu.memory_space<vmem>>) target(%dma_start3A_97 : memref<2784xf32, #tpu.memory_space<hbm>>) target_semaphore(%run_scoped3A : memref<!tpu.dma_semaphore, #tpu.memory_space<semaphore_mem>>)
        %dma_wait3A = arith.constant 0 : i32
        %dma_wait3A_100 = tpu.memref_slice %arg17[%dma_wait3A] : memref<3136xf32, #tpu.memory_space<vmem>> -> memref<2784xf32, #tpu.memory_space<vmem>>
        %dma_wait3A_101 = tpu.memref_slice %arg5[%mul3A_2] : memref<100000xf32, #tpu.memory_space<hbm>> -> memref<2784xf32, #tpu.memory_space<hbm>>
        %dma_wait3A_102 = tpu.memref_slice %arg5[%mul3A_2] : memref<100000xf32, #tpu.memory_space<hbm>> -> memref<2784xf32, #tpu.memory_space<hbm>>
        %dma_wait3A_103 = arith.constant 0 : i32
        %dma_wait3A_104 = tpu.memref_slice %arg17[%dma_wait3A_103] : memref<3136xf32, #tpu.memory_space<vmem>> -> memref<2784xf32, #tpu.memory_space<vmem>>
        tpu.wait_dma2 semaphore(%run_scoped3A : memref<!tpu.dma_semaphore, #tpu.memory_space<semaphore_mem>>) src(%dma_wait3A_104 : memref<2784xf32, #tpu.memory_space<vmem>>) dst(%dma_wait3A_102 : memref<2784xf32, #tpu.memory_space<hbm>>)
        tpu.yield
      }) : () -> ()
    } else {
    }
    %get3A = arith.constant 0 : index
    %get3A_73 = tpu.vector_load %arg13[%get3A] {strides = array<i32>} : memref<3216xi32, #tpu.memory_space<vmem>>, vector<16xi32>,
    %slice3A = vector.extract_strided_slice %get3A_73 {offsets = [0], sizes = [1], strides = [1]} : vector<16xi32> to vector<1xi32>
    %squeeze3A = vector.extract %slice3A[0] : i32 from vector<1xi32>
    %get3A_74 = arith.constant 0 : index
    %get3A_75 = tpu.vector_load %arg14[%get3A_74] {strides = array<i32>} : memref<3216xi32, #tpu.memory_space<vmem>>, vector<16xi32>,
    %slice3A_76 = vector.extract_strided_slice %get3A_75 {offsets = [0], sizes = [1], strides = [1]} : vector<16xi32> to vector<1xi32>
    %squeeze3A_77 = vector.extract %slice3A_76[0] : i32 from vector<1xi32>
    %scan3A_78 = arith.constant 0 : i32
    %scan3A_79 = arith.constant 0 : i32
    %scan3A_80 = arith.constant 200 : i32
    %scan3A_81 = arith.addi %scan3A_79, %scan3A_80 : i32
    %scan3A_82 = arith.constant 1 : i32
    %scan3A_83 = scf.for %scan3A_95 = %scan3A_79 to %scan3A_81 step %scan3A_82 iter_args(%scan3A_96 = %scan3A_78) -> (i32)  : i32 {
      %mul3A_97 = arith.constant 16 : i32
      %mul3A_98 = arith.muli %scan3A_95, %mul3A_97 : i32
      %add3A_99 = vector.broadcast %mul3A_98 : i32 to vector<16xi32>
      %add3A_100 = arith.addi %add3A_99, %iota3A : vector<16xi32>
      %lt3A = vector.broadcast %scan3A_63 : i32 to vector<16xi32>
      %lt3A_101 = arith.cmpi slt, %add3A_100, %lt3A : vector<16xi32>
      %mul3A_102 = arith.constant 16 : i32
      %mul3A_103 = arith.muli %scan3A_95, %mul3A_102 : i32
      %get3A_104 = arith.index_cast %mul3A_103 : i32 to index
      %get3A_105 = tpu.vector_load %arg13[%get3A_104] {strides = array<i32>} : memref<3216xi32, #tpu.memory_space<vmem>>, vector<16xi32>,
      %broadcast_in_dim3A_106 = vector.broadcast %squeeze3A : i32 to vector<16xi32>
      %select_n3A_107 = arith.select %lt3A_101, %get3A_105, %broadcast_in_dim3A_106 : vector<16xi1>, vector<16xi32>
      %mul3A_108 = arith.constant 16 : i32
      %mul3A_109 = arith.muli %scan3A_95, %mul3A_108 : i32
      %get3A_110 = arith.index_cast %mul3A_109 : i32 to index
      %get3A_111 = tpu.vector_load %arg14[%get3A_110] {strides = array<i32>} : memref<3216xi32, #tpu.memory_space<vmem>>, vector<16xi32>,
      %broadcast_in_dim3A_112 = vector.broadcast %squeeze3A_77 : i32 to vector<16xi32>
      %select_n3A_113 = arith.select %lt3A_101, %get3A_111, %broadcast_in_dim3A_112 : vector<16xi1>, vector<16xi32>
      %jit3A_114 = arith.constant 8 : i32
      %div3A_115 = arith.divsi %scan3A_95, %jit3A_114 : i32
      %sign3A_116 = arith.constant 0 : i32
      %sign3A_117 = arith.cmpi sgt, %scan3A_95, %sign3A_116 : i32
      %sign3A_118 = arith.extui %sign3A_117 : i1 to i32
      %sign3A_119 = arith.constant 0 : i32
      %sign3A_120 = arith.cmpi slt, %scan3A_95, %sign3A_119 : i32
      %sign3A_121 = arith.extui %sign3A_120 : i1 to i32
      %sign3A_122 = arith.subi %sign3A_118, %sign3A_121 : i32
      %sign3A_123 = arith.constant 0 : i32
      %sign3A_124 = arith.cmpi sgt, %jit3A_114, %sign3A_123 : i32
      %sign3A_125 = arith.extui %sign3A_124 : i1 to i32
      %sign3A_126 = arith.constant 0 : i32
      %sign3A_127 = arith.cmpi slt, %jit3A_114, %sign3A_126 : i32
      %sign3A_128 = arith.extui %sign3A_127 : i1 to i32
      %sign3A_129 = arith.subi %sign3A_125, %sign3A_128 : i32
      %ne3A_130 = arith.cmpi ne, %sign3A_122, %sign3A_129 : i32
      %rem3A_131 = arith.remsi %scan3A_95, %jit3A_114 : i32
      %ne3A_132 = arith.constant 0 : i32
      %ne3A_133 = arith.cmpi ne, %rem3A_131, %ne3A_132 : i32
      %and3A_134 = arith.andi %ne3A_130, %ne3A_133 : i1
      %sub3A_135 = arith.constant 1 : i32
      %sub3A_136 = arith.subi %div3A_115, %sub3A_135 : i32
      %select_n3A_137 = arith.select %and3A_134, %sub3A_136, %div3A_115 : i32
      %jit3A_138 = arith.constant 8 : i32
      %eq3A_139 = arith.constant 0 : i32
      %eq3A_140 = arith.cmpi eq, %jit3A_138, %eq3A_139 : i32
      %jit3A_141 = arith.constant 1 : i32
      %select_n3A_142 = arith.select %eq3A_140, %jit3A_141, %jit3A_138 : i32
      %rem3A_143 = arith.remsi %scan3A_95, %select_n3A_142 : i32
      %ne3A_144 = arith.constant 0 : i32
      %ne3A_145 = arith.cmpi ne, %rem3A_143, %ne3A_144 : i32
      %lt3A_146 = arith.constant 0 : i32
      %lt3A_147 = arith.cmpi slt, %rem3A_143, %lt3A_146 : i32
      %lt3A_148 = arith.constant 0 : i32
      %lt3A_149 = arith.cmpi slt, %select_n3A_142, %lt3A_148 : i32
      %ne3A_150 = arith.xori %lt3A_147, %lt3A_149 : i1
      %and3A_151 = arith.andi %ne3A_150, %ne3A_145 : i1
      %add3A_152 = arith.addi %rem3A_143, %select_n3A_142 : i32
      %select_n3A_153 = arith.select %and3A_151, %add3A_152, %rem3A_143 : i32
      %mul3A_154 = arith.constant 16 : i32
      %mul3A_155 = arith.muli %select_n3A_153, %mul3A_154 : i32
      %swap3A_156 = arith.index_cast %select_n3A_137 : i32 to index
      %swap3A_157 = arith.index_cast %mul3A_155 : i32 to index
      %swap3A_158 = tpu.vector_load %arg15[%swap3A_156, %swap3A_157] {strides = array<i32>} : memref<32x128xi32, #tpu.memory_space<vmem>>, vector<16xi32>,
      tpu.vector_store %arg15[%swap3A_156, %swap3A_157], %select_n3A_107 {strides = array<i32>} : memref<32x128xi32, #tpu.memory_space<vmem>>, vector<16xi32>,
      %mul3A_159 = arith.constant 16 : i32
      %mul3A_160 = arith.muli %select_n3A_153, %mul3A_159 : i32
      %swap3A_161 = arith.index_cast %select_n3A_137 : i32 to index
      %swap3A_162 = arith.index_cast %mul3A_160 : i32 to index
      %swap3A_163 = tpu.vector_load %arg16[%swap3A_161, %swap3A_162] {strides = array<i32>} : memref<32x128xi32, #tpu.memory_space<vmem>>, vector<16xi32>,
      tpu.vector_store %arg16[%swap3A_161, %swap3A_162], %select_n3A_113 {strides = array<i32>} : memref<32x128xi32, #tpu.memory_space<vmem>>, vector<16xi32>,
      %scan3A_164 = arith.constant 0 : i32
      scf.yield %scan3A_164 : i32
    }
    %scan3A_84 = arith.constant 200 : i32
    %mul3A_85 = arith.constant 32 : i32
    %mul3A_86 = arith.muli %add3A, %mul3A_85 : i32
    "tpu.region"() ({
      %run_scoped3A = tpu.sem_alloc : memref<!tpu.dma_semaphore, #tpu.memory_space<semaphore_mem>>
      %dma_start3A = arith.constant 0 : i32
      %dma_start3A_95 = tpu.memref_slice %arg6[%mul3A_86, %dma_start3A] : memref<1024x128xi32, #tpu.memory_space<hbm>> -> memref<32x128xi32, #tpu.memory_space<hbm>>
      %dma_start3A_96 = arith.constant 0 : i32
      %dma_start3A_97 = tpu.memref_slice %arg6[%mul3A_86, %dma_start3A_96] : memref<1024x128xi32, #tpu.memory_space<hbm>> -> memref<32x128xi32, #tpu.memory_space<hbm>>
      tpu.enqueue_dma source(%arg15 : memref<32x128xi32, #tpu.memory_space<vmem>>) target(%dma_start3A_97 : memref<32x128xi32, #tpu.memory_space<hbm>>) target_semaphore(%run_scoped3A : memref<!tpu.dma_semaphore, #tpu.memory_space<semaphore_mem>>)
      %dma_wait3A = arith.constant 0 : i32
      %dma_wait3A_98 = tpu.memref_slice %arg6[%mul3A_86, %dma_wait3A] : memref<1024x128xi32, #tpu.memory_space<hbm>> -> memref<32x128xi32, #tpu.memory_space<hbm>>
      %dma_wait3A_99 = arith.constant 0 : i32
      %dma_wait3A_100 = tpu.memref_slice %arg6[%mul3A_86, %dma_wait3A_99] : memref<1024x128xi32, #tpu.memory_space<hbm>> -> memref<32x128xi32, #tpu.memory_space<hbm>>
      tpu.wait_dma2 semaphore(%run_scoped3A : memref<!tpu.dma_semaphore, #tpu.memory_space<semaphore_mem>>) src(%arg15 : memref<32x128xi32, #tpu.memory_space<vmem>>) dst(%dma_wait3A_100 : memref<32x128xi32, #tpu.memory_space<hbm>>)
      tpu.yield
    }) : () -> ()
    %mul3A_87 = arith.constant 32 : i32
    %mul3A_88 = arith.muli %add3A, %mul3A_87 : i32
    "tpu.region"() ({
      %run_scoped3A = tpu.sem_alloc : memref<!tpu.dma_semaphore, #tpu.memory_space<semaphore_mem>>
      %dma_start3A = arith.constant 0 : i32
      %dma_start3A_95 = tpu.memref_slice %arg7[%mul3A_88, %dma_start3A] : memref<1024x128xi32, #tpu.memory_space<hbm>> -> memref<32x128xi32, #tpu.memory_space<hbm>>
      %dma_start3A_96 = arith.constant 0 : i32
      %dma_start3A_97 = tpu.memref_slice %arg7[%mul3A_88, %dma_start3A_96] : memref<1024x128xi32, #tpu.memory_space<hbm>> -> memref<32x128xi32, #tpu.memory_space<hbm>>
      tpu.enqueue_dma source(%arg16 : memref<32x128xi32, #tpu.memory_space<vmem>>) target(%dma_start3A_97 : memref<32x128xi32, #tpu.memory_space<hbm>>) target_semaphore(%run_scoped3A : memref<!tpu.dma_semaphore, #tpu.memory_space<semaphore_mem>>)
      %dma_wait3A = arith.constant 0 : i32
      %dma_wait3A_98 = tpu.memref_slice %arg7[%mul3A_88, %dma_wait3A] : memref<1024x128xi32, #tpu.memory_space<hbm>> -> memref<32x128xi32, #tpu.memory_space<hbm>>
      %dma_wait3A_99 = arith.constant 0 : i32
      %dma_wait3A_100 = tpu.memref_slice %arg7[%mul3A_88, %dma_wait3A_99] : memref<1024x128xi32, #tpu.memory_space<hbm>> -> memref<32x128xi32, #tpu.memory_space<hbm>>
      tpu.wait_dma2 semaphore(%run_scoped3A : memref<!tpu.dma_semaphore, #tpu.memory_space<semaphore_mem>>) src(%arg16 : memref<32x128xi32, #tpu.memory_space<vmem>>) dst(%dma_wait3A_100 : memref<32x128xi32, #tpu.memory_space<hbm>>)
      tpu.yield
    }) : () -> ()
    %broadcast_in_dim3A = arith.constant 0 : i32
    %broadcast_in_dim3A_89 = vector.broadcast %broadcast_in_dim3A : i32 to vector<16xi32>
    %add3A_90 = vector.broadcast %scan3A_63 : i32 to vector<16xi32>
    %add3A_91 = arith.addi %broadcast_in_dim3A_89, %add3A_90 : vector<16xi32>
    %swap3A = arith.constant 0 : index
    %swap3A_92 = tpu.vector_load %arg18[%swap3A] {strides = array<i32>} : memref<16xi32, #tpu.memory_space<vmem>>, vector<16xi32>,
    tpu.vector_store %arg18[%swap3A], %add3A_91 {strides = array<i32>} : memref<16xi32, #tpu.memory_space<vmem>>, vector<16xi32>,
    %mul3A_93 = arith.constant 16 : i32
    %mul3A_94 = arith.muli %add3A, %mul3A_93 : i32
    "tpu.region"() ({
      %run_scoped3A = tpu.sem_alloc : memref<!tpu.dma_semaphore, #tpu.memory_space<semaphore_mem>>
      %dma_start3A = tpu.memref_slice %arg8[%mul3A_94] : memref<512xi32, #tpu.memory_space<hbm>> -> memref<16xi32, #tpu.memory_space<hbm>>
      %dma_start3A_95 = tpu.memref_slice %arg8[%mul3A_94] : memref<512xi32, #tpu.memory_space<hbm>> -> memref<16xi32, #tpu.memory_space<hbm>>
      tpu.enqueue_dma source(%arg18 : memref<16xi32, #tpu.memory_space<vmem>>) target(%dma_start3A_95 : memref<16xi32, #tpu.memory_space<hbm>>) target_semaphore(%run_scoped3A : memref<!tpu.dma_semaphore, #tpu.memory_space<semaphore_mem>>)
      %dma_wait3A = tpu.memref_slice %arg8[%mul3A_94] : memref<512xi32, #tpu.memory_space<hbm>> -> memref<16xi32, #tpu.memory_space<hbm>>
      %dma_wait3A_96 = tpu.memref_slice %arg8[%mul3A_94] : memref<512xi32, #tpu.memory_space<hbm>> -> memref<16xi32, #tpu.memory_space<hbm>>
      tpu.wait_dma2 semaphore(%run_scoped3A : memref<!tpu.dma_semaphore, #tpu.memory_space<semaphore_mem>>) src(%arg18 : memref<16xi32, #tpu.memory_space<vmem>>) dst(%dma_wait3A_96 : memref<16xi32, #tpu.memory_space<hbm>>)
      tpu.yield
    }) : () -> ()
    return
  }
}

#map = affine_map<(d0, d1) -> (0, 0)>
#map1 = affine_map<(d0, d1) -> (0)>
module attributes {stable_mosaic.version = 14 : i64} {
  func.func @sc_move_rows(%arg0: i32, %arg1: i32, %arg2: memref<100000x128xf32, #tpu.memory_space<hbm>>, %arg3: memref<16384x128xf32, #tpu.memory_space<hbm>>, %arg4: memref<1024x128xi32, #tpu.memory_space<hbm>>, %arg5: memref<1024x128xi32, #tpu.memory_space<hbm>>, %arg6: memref<512xi32, #tpu.memory_space<hbm>>, %arg7: memref<100000x128xf32, #tpu.memory_space<hbm>>, %arg8: memref<32x128xi32, #tpu.memory_space<vmem>>, %arg9: memref<32x128xi32, #tpu.memory_space<vmem>>, %arg10: memref<16xi32, #tpu.memory_space<vmem>>, %arg11: memref<128x128xf32, #tpu.memory_space<vmem>>, %arg12: memref<128x128xf32, #tpu.memory_space<vmem>>, %arg13: memref<!tpu.dma_semaphore, #tpu.memory_space<semaphore_mem>>, %arg14: memref<!tpu.dma_semaphore, #tpu.memory_space<semaphore_mem>>, %arg15: memref<!tpu.dma_semaphore, #tpu.memory_space<semaphore_mem>>, %arg16: memref<!tpu.dma_semaphore, #tpu.memory_space<semaphore_mem>>) attributes {dimension_semantics = [#tpu.dimension_semantics<core_parallel>, #tpu.dimension_semantics<subcore_parallel>], iteration_bounds = array<i64: 2, 16>, scalar_prefetch = 0 : i64, scratch_operands = 9 : i64, tpu.core_type = #tpu.core_type<sc_vector_subcore>, window_params = [{transform_indices = #map}, {transform_indices = #map}, {transform_indices = #map}, {transform_indices = #map}, {transform_indices = #map1}, {transform_indices = #map}]} {
    %mul3A = arith.constant 2 : i32
    %mul3A_0 = arith.muli %arg1, %mul3A : i32
    %add3A = arith.addi %mul3A_0, %arg0 : i32
    %mul3A_1 = arith.constant 32 : i32
    %mul3A_2 = arith.muli %add3A, %mul3A_1 : i32
    "tpu.region"() ({
      %run_scoped3A = tpu.sem_alloc : memref<!tpu.dma_semaphore, #tpu.memory_space<semaphore_mem>>
      %dma_start3A = arith.constant 0 : i32
      %dma_start3A_46 = tpu.memref_slice %arg4[%mul3A_2, %dma_start3A] : memref<1024x128xi32, #tpu.memory_space<hbm>> -> memref<32x128xi32, #tpu.memory_space<hbm>>
      %dma_start3A_47 = arith.constant 0 : i32
      %dma_start3A_48 = tpu.memref_slice %arg4[%mul3A_2, %dma_start3A_47] : memref<1024x128xi32, #tpu.memory_space<hbm>> -> memref<32x128xi32, #tpu.memory_space<hbm>>
      tpu.enqueue_dma source(%dma_start3A_48 : memref<32x128xi32, #tpu.memory_space<hbm>>) target(%arg8 : memref<32x128xi32, #tpu.memory_space<vmem>>) target_semaphore(%run_scoped3A : memref<!tpu.dma_semaphore, #tpu.memory_space<semaphore_mem>>)
      %dma_wait3A = arith.constant 0 : i32
      %dma_wait3A_49 = tpu.memref_slice %arg4[%mul3A_2, %dma_wait3A] : memref<1024x128xi32, #tpu.memory_space<hbm>> -> memref<32x128xi32, #tpu.memory_space<hbm>>
      %dma_wait3A_50 = arith.constant 0 : i32
      %dma_wait3A_51 = tpu.memref_slice %arg4[%mul3A_2, %dma_wait3A_50] : memref<1024x128xi32, #tpu.memory_space<hbm>> -> memref<32x128xi32, #tpu.memory_space<hbm>>
      tpu.wait_dma2 semaphore(%run_scoped3A : memref<!tpu.dma_semaphore, #tpu.memory_space<semaphore_mem>>) src(%dma_wait3A_51 : memref<32x128xi32, #tpu.memory_space<hbm>>) dst(%arg8 : memref<32x128xi32, #tpu.memory_space<vmem>>)
      tpu.yield
    }) : () -> ()
    %mul3A_3 = arith.constant 32 : i32
    %mul3A_4 = arith.muli %add3A, %mul3A_3 : i32
    "tpu.region"() ({
      %run_scoped3A = tpu.sem_alloc : memref<!tpu.dma_semaphore, #tpu.memory_space<semaphore_mem>>
      %dma_start3A = arith.constant 0 : i32
      %dma_start3A_46 = tpu.memref_slice %arg5[%mul3A_4, %dma_start3A] : memref<1024x128xi32, #tpu.memory_space<hbm>> -> memref<32x128xi32, #tpu.memory_space<hbm>>
      %dma_start3A_47 = arith.constant 0 : i32
      %dma_start3A_48 = tpu.memref_slice %arg5[%mul3A_4, %dma_start3A_47] : memref<1024x128xi32, #tpu.memory_space<hbm>> -> memref<32x128xi32, #tpu.memory_space<hbm>>
      tpu.enqueue_dma source(%dma_start3A_48 : memref<32x128xi32, #tpu.memory_space<hbm>>) target(%arg9 : memref<32x128xi32, #tpu.memory_space<vmem>>) target_semaphore(%run_scoped3A : memref<!tpu.dma_semaphore, #tpu.memory_space<semaphore_mem>>)
      %dma_wait3A = arith.constant 0 : i32
      %dma_wait3A_49 = tpu.memref_slice %arg5[%mul3A_4, %dma_wait3A] : memref<1024x128xi32, #tpu.memory_space<hbm>> -> memref<32x128xi32, #tpu.memory_space<hbm>>
      %dma_wait3A_50 = arith.constant 0 : i32
      %dma_wait3A_51 = tpu.memref_slice %arg5[%mul3A_4, %dma_wait3A_50] : memref<1024x128xi32, #tpu.memory_space<hbm>> -> memref<32x128xi32, #tpu.memory_space<hbm>>
      tpu.wait_dma2 semaphore(%run_scoped3A : memref<!tpu.dma_semaphore, #tpu.memory_space<semaphore_mem>>) src(%dma_wait3A_51 : memref<32x128xi32, #tpu.memory_space<hbm>>) dst(%arg9 : memref<32x128xi32, #tpu.memory_space<vmem>>)
      tpu.yield
    }) : () -> ()
    %mul3A_5 = arith.constant 16 : i32
    %mul3A_6 = arith.muli %add3A, %mul3A_5 : i32
    "tpu.region"() ({
      %run_scoped3A = tpu.sem_alloc : memref<!tpu.dma_semaphore, #tpu.memory_space<semaphore_mem>>
      %dma_start3A = tpu.memref_slice %arg6[%mul3A_6] : memref<512xi32, #tpu.memory_space<hbm>> -> memref<16xi32, #tpu.memory_space<hbm>>
      %dma_start3A_46 = tpu.memref_slice %arg6[%mul3A_6] : memref<512xi32, #tpu.memory_space<hbm>> -> memref<16xi32, #tpu.memory_space<hbm>>
      tpu.enqueue_dma source(%dma_start3A_46 : memref<16xi32, #tpu.memory_space<hbm>>) target(%arg10 : memref<16xi32, #tpu.memory_space<vmem>>) target_semaphore(%run_scoped3A : memref<!tpu.dma_semaphore, #tpu.memory_space<semaphore_mem>>)
      %dma_wait3A = tpu.memref_slice %arg6[%mul3A_6] : memref<512xi32, #tpu.memory_space<hbm>> -> memref<16xi32, #tpu.memory_space<hbm>>
      %dma_wait3A_47 = tpu.memref_slice %arg6[%mul3A_6] : memref<512xi32, #tpu.memory_space<hbm>> -> memref<16xi32, #tpu.memory_space<hbm>>
      tpu.wait_dma2 semaphore(%run_scoped3A : memref<!tpu.dma_semaphore, #tpu.memory_space<semaphore_mem>>) src(%dma_wait3A_47 : memref<16xi32, #tpu.memory_space<hbm>>) dst(%arg10 : memref<16xi32, #tpu.memory_space<vmem>>)
      tpu.yield
    }) : () -> ()
    %get3A = arith.constant 0 : index
    %get3A_7 = tpu.vector_load %arg10[%get3A] {strides = array<i32>} : memref<16xi32, #tpu.memory_space<vmem>>, vector<16xi32>,
    %slice3A = vector.extract_strided_slice %get3A_7 {offsets = [0], sizes = [1], strides = [1]} : vector<16xi32> to vector<1xi32>
    %squeeze3A = vector.extract %slice3A[0] : i32 from vector<1xi32>
    %add3A_8 = arith.constant 128 : i32
    %add3A_9 = arith.addi %squeeze3A, %add3A_8 : i32
    %sub3A = arith.constant 1 : i32
    %sub3A_10 = arith.subi %add3A_9, %sub3A : i32
    %jit3A = arith.constant 128 : i32
    %div3A = arith.divsi %sub3A_10, %jit3A : i32
    %sign3A = arith.constant 0 : i32
    %sign3A_11 = arith.cmpi sgt, %sub3A_10, %sign3A : i32
    %sign3A_12 = arith.extui %sign3A_11 : i1 to i32
    %sign3A_13 = arith.constant 0 : i32
    %sign3A_14 = arith.cmpi slt, %sub3A_10, %sign3A_13 : i32
    %sign3A_15 = arith.extui %sign3A_14 : i1 to i32
    %sign3A_16 = arith.subi %sign3A_12, %sign3A_15 : i32
    %sign3A_17 = arith.constant 0 : i32
    %sign3A_18 = arith.cmpi sgt, %jit3A, %sign3A_17 : i32
    %sign3A_19 = arith.extui %sign3A_18 : i1 to i32
    %sign3A_20 = arith.constant 0 : i32
    %sign3A_21 = arith.cmpi slt, %jit3A, %sign3A_20 : i32
    %sign3A_22 = arith.extui %sign3A_21 : i1 to i32
    %sign3A_23 = arith.subi %sign3A_19, %sign3A_22 : i32
    %ne3A = arith.cmpi ne, %sign3A_16, %sign3A_23 : i32
    %rem3A = arith.remsi %sub3A_10, %jit3A : i32
    %ne3A_24 = arith.constant 0 : i32
    %ne3A_25 = arith.cmpi ne, %rem3A, %ne3A_24 : i32
    %and3A = arith.andi %ne3A, %ne3A_25 : i1
    %sub3A_26 = arith.constant 1 : i32
    %sub3A_27 = arith.subi %div3A, %sub3A_26 : i32
    %select_n3A = arith.select %and3A, %sub3A_27, %div3A : i32
    %gt3A = arith.constant 0 : i32
    %gt3A_28 = arith.cmpi sgt, %select_n3A, %gt3A : i32
    %convert_element_type3A = arith.extui %gt3A_28 : i1 to i32
    %cond3A = arith.constant 0 : i32
    %cond3A_29 = arith.cmpi ne, %convert_element_type3A, %cond3A : i32
    scf.if %cond3A_29 {
      %dma_start3A = arith.constant 0 : i32
      %dma_start3A_46 = arith.constant 0 : i32
      %dma_start3A_47 = tpu.memref_slice %arg8[%dma_start3A, %dma_start3A_46] : memref<32x128xi32, #tpu.memory_space<vmem>> -> memref<1x128xi32, #tpu.memory_space<vmem>>
      %dma_start3A_48 = tpu.memref_squeeze %dma_start3A_47 : memref<1x128xi32, #tpu.memory_space<vmem>> -> memref<128xi32, #tpu.memory_space<vmem>>
      %dma_start3A_49 = arith.constant 0 : i32
      %dma_start3A_50 = arith.constant 0 : i32
      %dma_start3A_51 = tpu.memref_slice %arg3[%dma_start3A_49, %dma_start3A_50] : memref<16384x128xf32, #tpu.memory_space<hbm>> -> memref<16384x128xf32, #tpu.memory_space<hbm>>
      tpu.enqueue_indirect_dma source(%dma_start3A_51 : memref<16384x128xf32, #tpu.memory_space<hbm>>) target(%arg11 : memref<128x128xf32, #tpu.memory_space<vmem>>) offsets(%dma_start3A_48 : memref<128xi32, #tpu.memory_space<vmem>>) semaphore(%arg13 : memref<!tpu.dma_semaphore, #tpu.memory_space<semaphore_mem>>)
    } else {
    }
    %while3A = arith.constant 0 : i32
    %while3A_30 = arith.constant 0 : i32
    %while3A_31 = arith.subi %select_n3A, %while3A : i32
    %while3A_32 = arith.addi %while3A, %while3A_31 : i32
    %while3A_33 = arith.constant 1 : i32
    %while3A_34 = arith.divsi %while3A_31, %while3A_33 : i32
    %while3A_35 = arith.muli %while3A_34, %while3A_33 : i32
    %while3A_36 = arith.addi %while3A, %while3A_35 : i32
    %while3A_37 = arith.constant 1 : i32
    %while3A_38 = scf.for %while3A_46 = %while3A to %while3A_36 step %while3A_37 iter_args(%while3A_47 = %while3A_30) -> (i32)  : i32 {
      %rem3A_48 = arith.constant 2 : i32
      %rem3A_49 = arith.remsi %while3A_46, %rem3A_48 : i32
      %eq3A = arith.constant 0 : i32
      %eq3A_50 = arith.cmpi eq, %rem3A_49, %eq3A : i32
      %convert_element_type3A_51 = arith.extui %eq3A_50 : i1 to i32
      %cond3A_52 = arith.constant 0 : i32
      %cond3A_53 = arith.cmpi ne, %convert_element_type3A_51, %cond3A_52 : i32
      scf.if %cond3A_53 {
        %dma_wait3A = arith.constant 0 : i32
        %dma_wait3A_59 = tpu.memref_slice %arg8[%while3A_46, %dma_wait3A] : memref<32x128xi32, #tpu.memory_space<vmem>> -> memref<1x128xi32, #tpu.memory_space<vmem>>
        %dma_wait3A_60 = tpu.memref_squeeze %dma_wait3A_59 : memref<1x128xi32, #tpu.memory_space<vmem>> -> memref<128xi32, #tpu.memory_space<vmem>>
        %dma_wait3A_61 = arith.constant 0 : i32
        %dma_wait3A_62 = arith.constant 0 : i32
        %dma_wait3A_63 = tpu.memref_slice %arg3[%dma_wait3A_61, %dma_wait3A_62] : memref<16384x128xf32, #tpu.memory_space<hbm>> -> memref<16384x128xf32, #tpu.memory_space<hbm>>
        tpu.wait_indirect_dma semaphore(%arg13 : memref<!tpu.dma_semaphore, #tpu.memory_space<semaphore_mem>>) src(%dma_wait3A_63 : memref<16384x128xf32, #tpu.memory_space<hbm>>) dst(%arg11 : memref<128x128xf32, #tpu.memory_space<vmem>>)
        %add3A_64 = arith.constant 1 : i32
        %add3A_65 = arith.addi %while3A_46, %add3A_64 : i32
        %lt3A = arith.cmpi slt, %add3A_65, %select_n3A : i32
        %convert_element_type3A_66 = arith.extui %lt3A : i1 to i32
        %cond3A_67 = arith.constant 0 : i32
        %cond3A_68 = arith.cmpi ne, %convert_element_type3A_66, %cond3A_67 : i32
        scf.if %cond3A_68 {
          %gt3A_74 = arith.constant 0 : i32
          %gt3A_75 = arith.cmpi sgt, %while3A_46, %gt3A_74 : i32
          %convert_element_type3A_76 = arith.extui %gt3A_75 : i1 to i32
          %cond3A_77 = arith.constant 0 : i32
          %cond3A_78 = arith.cmpi ne, %convert_element_type3A_76, %cond3A_77 : i32
          scf.if %cond3A_78 {
            %sub3A_87 = arith.constant 1 : i32
            %sub3A_88 = arith.subi %while3A_46, %sub3A_87 : i32
            %dma_wait3A_89 = arith.constant 0 : i32
            %dma_wait3A_90 = tpu.memref_slice %arg9[%sub3A_88, %dma_wait3A_89] : memref<32x128xi32, #tpu.memory_space<vmem>> -> memref<1x128xi32, #tpu.memory_space<vmem>>
            %dma_wait3A_91 = tpu.memref_squeeze %dma_wait3A_90 : memref<1x128xi32, #tpu.memory_space<vmem>> -> memref<128xi32, #tpu.memory_space<vmem>>
            %dma_wait3A_92 = arith.constant 0 : i32
            %dma_wait3A_93 = arith.constant 0 : i32
            %dma_wait3A_94 = tpu.memref_slice %arg7[%dma_wait3A_92, %dma_wait3A_93] : memref<100000x128xf32, #tpu.memory_space<hbm>> -> memref<100000x128xf32, #tpu.memory_space<hbm>>
            tpu.wait_indirect_dma semaphore(%arg16 : memref<!tpu.dma_semaphore, #tpu.memory_space<semaphore_mem>>) src(%arg12 : memref<128x128xf32, #tpu.memory_space<vmem>>) dst(%dma_wait3A_94 : memref<100000x128xf32, #tpu.memory_space<hbm>>)
          } else {
          }
          %add3A_79 = arith.constant 1 : i32
          %add3A_80 = arith.addi %while3A_46, %add3A_79 : i32
          %dma_start3A_81 = arith.constant 0 : i32
          %dma_start3A_82 = tpu.memref_slice %arg8[%add3A_80, %dma_start3A_81] : memref<32x128xi32, #tpu.memory_space<vmem>> -> memref<1x128xi32, #tpu.memory_space<vmem>>
          %dma_start3A_83 = tpu.memref_squeeze %dma_start3A_82 : memref<1x128xi32, #tpu.memory_space<vmem>> -> memref<128xi32, #tpu.memory_space<vmem>>
          %dma_start3A_84 = arith.constant 0 : i32
          %dma_start3A_85 = arith.constant 0 : i32
          %dma_start3A_86 = tpu.memref_slice %arg3[%dma_start3A_84, %dma_start3A_85] : memref<16384x128xf32, #tpu.memory_space<hbm>> -> memref<16384x128xf32, #tpu.memory_space<hbm>>
          tpu.enqueue_indirect_dma source(%dma_start3A_86 : memref<16384x128xf32, #tpu.memory_space<hbm>>) target(%arg12 : memref<128x128xf32, #tpu.memory_space<vmem>>) offsets(%dma_start3A_83 : memref<128xi32, #tpu.memory_space<vmem>>) semaphore(%arg14 : memref<!tpu.dma_semaphore, #tpu.memory_space<semaphore_mem>>)
        } else {
        }
        %dma_start3A = arith.constant 0 : i32
        %dma_start3A_69 = tpu.memref_slice %arg9[%while3A_46, %dma_start3A] : memref<32x128xi32, #tpu.memory_space<vmem>> -> memref<1x128xi32, #tpu.memory_space<vmem>>
        %dma_start3A_70 = tpu.memref_squeeze %dma_start3A_69 : memref<1x128xi32, #tpu.memory_space<vmem>> -> memref<128xi32, #tpu.memory_space<vmem>>
        %dma_start3A_71 = arith.constant 0 : i32
        %dma_start3A_72 = arith.constant 0 : i32
        %dma_start3A_73 = tpu.memref_slice %arg7[%dma_start3A_71, %dma_start3A_72] : memref<100000x128xf32, #tpu.memory_space<hbm>> -> memref<100000x128xf32, #tpu.memory_space<hbm>>
        tpu.enqueue_indirect_dma source(%arg11 : memref<128x128xf32, #tpu.memory_space<vmem>>) target(%dma_start3A_73 : memref<100000x128xf32, #tpu.memory_space<hbm>>) offsets(%dma_start3A_70 : memref<128xi32, #tpu.memory_space<vmem>>) semaphore(%arg15 : memref<!tpu.dma_semaphore, #tpu.memory_space<semaphore_mem>>)
      } else {
      }
      %not3A = arith.constant true
      %not3A_54 = arith.xori %eq3A_50, %not3A : i1
      %convert_element_type3A_55 = arith.extui %not3A_54 : i1 to i32
      %cond3A_56 = arith.constant 0 : i32
      %cond3A_57 = arith.cmpi ne, %convert_element_type3A_55, %cond3A_56 : i32
      scf.if %cond3A_57 {
        %dma_wait3A = arith.constant 0 : i32
        %dma_wait3A_59 = tpu.memref_slice %arg8[%while3A_46, %dma_wait3A] : memref<32x128xi32, #tpu.memory_space<vmem>> -> memref<1x128xi32, #tpu.memory_space<vmem>>
        %dma_wait3A_60 = tpu.memref_squeeze %dma_wait3A_59 : memref<1x128xi32, #tpu.memory_space<vmem>> -> memref<128xi32, #tpu.memory_space<vmem>>
        %dma_wait3A_61 = arith.constant 0 : i32
        %dma_wait3A_62 = arith.constant 0 : i32
        %dma_wait3A_63 = tpu.memref_slice %arg3[%dma_wait3A_61, %dma_wait3A_62] : memref<16384x128xf32, #tpu.memory_space<hbm>> -> memref<16384x128xf32, #tpu.memory_space<hbm>>
        tpu.wait_indirect_dma semaphore(%arg14 : memref<!tpu.dma_semaphore, #tpu.memory_space<semaphore_mem>>) src(%dma_wait3A_63 : memref<16384x128xf32, #tpu.memory_space<hbm>>) dst(%arg12 : memref<128x128xf32, #tpu.memory_space<vmem>>)
        %add3A_64 = arith.constant 1 : i32
        %add3A_65 = arith.addi %while3A_46, %add3A_64 : i32
        %lt3A = arith.cmpi slt, %add3A_65, %select_n3A : i32
        %convert_element_type3A_66 = arith.extui %lt3A : i1 to i32
        %cond3A_67 = arith.constant 0 : i32
        %cond3A_68 = arith.cmpi ne, %convert_element_type3A_66, %cond3A_67 : i32
        scf.if %cond3A_68 {
          %sub3A_74 = arith.constant 1 : i32
          %sub3A_75 = arith.subi %while3A_46, %sub3A_74 : i32
          %dma_wait3A_76 = arith.constant 0 : i32
          %dma_wait3A_77 = tpu.memref_slice %arg9[%sub3A_75, %dma_wait3A_76] : memref<32x128xi32, #tpu.memory_space<vmem>> -> memref<1x128xi32, #tpu.memory_space<vmem>>
          %dma_wait3A_78 = tpu.memref_squeeze %dma_wait3A_77 : memref<1x128xi32, #tpu.memory_space<vmem>> -> memref<128xi32, #tpu.memory_space<vmem>>
          %dma_wait3A_79 = arith.constant 0 : i32
          %dma_wait3A_80 = arith.constant 0 : i32
          %dma_wait3A_81 = tpu.memref_slice %arg7[%dma_wait3A_79, %dma_wait3A_80] : memref<100000x128xf32, #tpu.memory_space<hbm>> -> memref<100000x128xf32, #tpu.memory_space<hbm>>
          tpu.wait_indirect_dma semaphore(%arg15 : memref<!tpu.dma_semaphore, #tpu.memory_space<semaphore_mem>>) src(%arg11 : memref<128x128xf32, #tpu.memory_space<vmem>>) dst(%dma_wait3A_81 : memref<100000x128xf32, #tpu.memory_space<hbm>>)
          %add3A_82 = arith.constant 1 : i32
          %add3A_83 = arith.addi %while3A_46, %add3A_82 : i32
          %dma_start3A_84 = arith.constant 0 : i32
          %dma_start3A_85 = tpu.memref_slice %arg8[%add3A_83, %dma_start3A_84] : memref<32x128xi32, #tpu.memory_space<vmem>> -> memref<1x128xi32, #tpu.memory_space<vmem>>
          %dma_start3A_86 = tpu.memref_squeeze %dma_start3A_85 : memref<1x128xi32, #tpu.memory_space<vmem>> -> memref<128xi32, #tpu.memory_space<vmem>>
          %dma_start3A_87 = arith.constant 0 : i32
          %dma_start3A_88 = arith.constant 0 : i32
          %dma_start3A_89 = tpu.memref_slice %arg3[%dma_start3A_87, %dma_start3A_88] : memref<16384x128xf32, #tpu.memory_space<hbm>> -> memref<16384x128xf32, #tpu.memory_space<hbm>>
          tpu.enqueue_indirect_dma source(%dma_start3A_89 : memref<16384x128xf32, #tpu.memory_space<hbm>>) target(%arg11 : memref<128x128xf32, #tpu.memory_space<vmem>>) offsets(%dma_start3A_86 : memref<128xi32, #tpu.memory_space<vmem>>) semaphore(%arg13 : memref<!tpu.dma_semaphore, #tpu.memory_space<semaphore_mem>>)
        } else {
        }
        %dma_start3A = arith.constant 0 : i32
        %dma_start3A_69 = tpu.memref_slice %arg9[%while3A_46, %dma_start3A] : memref<32x128xi32, #tpu.memory_space<vmem>> -> memref<1x128xi32, #tpu.memory_space<vmem>>
        %dma_start3A_70 = tpu.memref_squeeze %dma_start3A_69 : memref<1x128xi32, #tpu.memory_space<vmem>> -> memref<128xi32, #tpu.memory_space<vmem>>
        %dma_start3A_71 = arith.constant 0 : i32
        %dma_start3A_72 = arith.constant 0 : i32
        %dma_start3A_73 = tpu.memref_slice %arg7[%dma_start3A_71, %dma_start3A_72] : memref<100000x128xf32, #tpu.memory_space<hbm>> -> memref<100000x128xf32, #tpu.memory_space<hbm>>
        tpu.enqueue_indirect_dma source(%arg12 : memref<128x128xf32, #tpu.memory_space<vmem>>) target(%dma_start3A_73 : memref<100000x128xf32, #tpu.memory_space<hbm>>) offsets(%dma_start3A_70 : memref<128xi32, #tpu.memory_space<vmem>>) semaphore(%arg16 : memref<!tpu.dma_semaphore, #tpu.memory_space<semaphore_mem>>)
      } else {
      }
      %while3A_58 = arith.constant 0 : i32
      scf.yield %while3A_58 : i32
    }
    %while3A_39 = arith.constant 1 : i32
    %while3A_40 = scf.for %while3A_46 = %while3A_36 to %while3A_32 step %while3A_39 iter_args(%while3A_47 = %while3A_38) -> (i32)  : i32 {
      %rem3A_48 = arith.constant 2 : i32
      %rem3A_49 = arith.remsi %while3A_46, %rem3A_48 : i32
      %eq3A = arith.constant 0 : i32
      %eq3A_50 = arith.cmpi eq, %rem3A_49, %eq3A : i32
      %convert_element_type3A_51 = arith.extui %eq3A_50 : i1 to i32
      %cond3A_52 = arith.constant 0 : i32
      %cond3A_53 = arith.cmpi ne, %convert_element_type3A_51, %cond3A_52 : i32
      scf.if %cond3A_53 {
        %dma_wait3A = arith.constant 0 : i32
        %dma_wait3A_59 = tpu.memref_slice %arg8[%while3A_46, %dma_wait3A] : memref<32x128xi32, #tpu.memory_space<vmem>> -> memref<1x128xi32, #tpu.memory_space<vmem>>
        %dma_wait3A_60 = tpu.memref_squeeze %dma_wait3A_59 : memref<1x128xi32, #tpu.memory_space<vmem>> -> memref<128xi32, #tpu.memory_space<vmem>>
        %dma_wait3A_61 = arith.constant 0 : i32
        %dma_wait3A_62 = arith.constant 0 : i32
        %dma_wait3A_63 = tpu.memref_slice %arg3[%dma_wait3A_61, %dma_wait3A_62] : memref<16384x128xf32, #tpu.memory_space<hbm>> -> memref<16384x128xf32, #tpu.memory_space<hbm>>
        tpu.wait_indirect_dma semaphore(%arg13 : memref<!tpu.dma_semaphore, #tpu.memory_space<semaphore_mem>>) src(%dma_wait3A_63 : memref<16384x128xf32, #tpu.memory_space<hbm>>) dst(%arg11 : memref<128x128xf32, #tpu.memory_space<vmem>>)
        %add3A_64 = arith.constant 1 : i32
        %add3A_65 = arith.addi %while3A_46, %add3A_64 : i32
        %lt3A = arith.cmpi slt, %add3A_65, %select_n3A : i32
        %convert_element_type3A_66 = arith.extui %lt3A : i1 to i32
        %cond3A_67 = arith.constant 0 : i32
        %cond3A_68 = arith.cmpi ne, %convert_element_type3A_66, %cond3A_67 : i32
        scf.if %cond3A_68 {
          %gt3A_74 = arith.constant 0 : i32
          %gt3A_75 = arith.cmpi sgt, %while3A_46, %gt3A_74 : i32
          %convert_element_type3A_76 = arith.extui %gt3A_75 : i1 to i32
          %cond3A_77 = arith.constant 0 : i32
          %cond3A_78 = arith.cmpi ne, %convert_element_type3A_76, %cond3A_77 : i32
          scf.if %cond3A_78 {
            %sub3A_87 = arith.constant 1 : i32
            %sub3A_88 = arith.subi %while3A_46, %sub3A_87 : i32
            %dma_wait3A_89 = arith.constant 0 : i32
            %dma_wait3A_90 = tpu.memref_slice %arg9[%sub3A_88, %dma_wait3A_89] : memref<32x128xi32, #tpu.memory_space<vmem>> -> memref<1x128xi32, #tpu.memory_space<vmem>>
            %dma_wait3A_91 = tpu.memref_squeeze %dma_wait3A_90 : memref<1x128xi32, #tpu.memory_space<vmem>> -> memref<128xi32, #tpu.memory_space<vmem>>
            %dma_wait3A_92 = arith.constant 0 : i32
            %dma_wait3A_93 = arith.constant 0 : i32
            %dma_wait3A_94 = tpu.memref_slice %arg7[%dma_wait3A_92, %dma_wait3A_93] : memref<100000x128xf32, #tpu.memory_space<hbm>> -> memref<100000x128xf32, #tpu.memory_space<hbm>>
            tpu.wait_indirect_dma semaphore(%arg16 : memref<!tpu.dma_semaphore, #tpu.memory_space<semaphore_mem>>) src(%arg12 : memref<128x128xf32, #tpu.memory_space<vmem>>) dst(%dma_wait3A_94 : memref<100000x128xf32, #tpu.memory_space<hbm>>)
          } else {
          }
          %add3A_79 = arith.constant 1 : i32
          %add3A_80 = arith.addi %while3A_46, %add3A_79 : i32
          %dma_start3A_81 = arith.constant 0 : i32
          %dma_start3A_82 = tpu.memref_slice %arg8[%add3A_80, %dma_start3A_81] : memref<32x128xi32, #tpu.memory_space<vmem>> -> memref<1x128xi32, #tpu.memory_space<vmem>>
          %dma_start3A_83 = tpu.memref_squeeze %dma_start3A_82 : memref<1x128xi32, #tpu.memory_space<vmem>> -> memref<128xi32, #tpu.memory_space<vmem>>
          %dma_start3A_84 = arith.constant 0 : i32
          %dma_start3A_85 = arith.constant 0 : i32
          %dma_start3A_86 = tpu.memref_slice %arg3[%dma_start3A_84, %dma_start3A_85] : memref<16384x128xf32, #tpu.memory_space<hbm>> -> memref<16384x128xf32, #tpu.memory_space<hbm>>
          tpu.enqueue_indirect_dma source(%dma_start3A_86 : memref<16384x128xf32, #tpu.memory_space<hbm>>) target(%arg12 : memref<128x128xf32, #tpu.memory_space<vmem>>) offsets(%dma_start3A_83 : memref<128xi32, #tpu.memory_space<vmem>>) semaphore(%arg14 : memref<!tpu.dma_semaphore, #tpu.memory_space<semaphore_mem>>)
        } else {
        }
        %dma_start3A = arith.constant 0 : i32
        %dma_start3A_69 = tpu.memref_slice %arg9[%while3A_46, %dma_start3A] : memref<32x128xi32, #tpu.memory_space<vmem>> -> memref<1x128xi32, #tpu.memory_space<vmem>>
        %dma_start3A_70 = tpu.memref_squeeze %dma_start3A_69 : memref<1x128xi32, #tpu.memory_space<vmem>> -> memref<128xi32, #tpu.memory_space<vmem>>
        %dma_start3A_71 = arith.constant 0 : i32
        %dma_start3A_72 = arith.constant 0 : i32
        %dma_start3A_73 = tpu.memref_slice %arg7[%dma_start3A_71, %dma_start3A_72] : memref<100000x128xf32, #tpu.memory_space<hbm>> -> memref<100000x128xf32, #tpu.memory_space<hbm>>
        tpu.enqueue_indirect_dma source(%arg11 : memref<128x128xf32, #tpu.memory_space<vmem>>) target(%dma_start3A_73 : memref<100000x128xf32, #tpu.memory_space<hbm>>) offsets(%dma_start3A_70 : memref<128xi32, #tpu.memory_space<vmem>>) semaphore(%arg15 : memref<!tpu.dma_semaphore, #tpu.memory_space<semaphore_mem>>)
      } else {
      }
      %not3A = arith.constant true
      %not3A_54 = arith.xori %eq3A_50, %not3A : i1
      %convert_element_type3A_55 = arith.extui %not3A_54 : i1 to i32
      %cond3A_56 = arith.constant 0 : i32
      %cond3A_57 = arith.cmpi ne, %convert_element_type3A_55, %cond3A_56 : i32
      scf.if %cond3A_57 {
        %dma_wait3A = arith.constant 0 : i32
        %dma_wait3A_59 = tpu.memref_slice %arg8[%while3A_46, %dma_wait3A] : memref<32x128xi32, #tpu.memory_space<vmem>> -> memref<1x128xi32, #tpu.memory_space<vmem>>
        %dma_wait3A_60 = tpu.memref_squeeze %dma_wait3A_59 : memref<1x128xi32, #tpu.memory_space<vmem>> -> memref<128xi32, #tpu.memory_space<vmem>>
        %dma_wait3A_61 = arith.constant 0 : i32
        %dma_wait3A_62 = arith.constant 0 : i32
        %dma_wait3A_63 = tpu.memref_slice %arg3[%dma_wait3A_61, %dma_wait3A_62] : memref<16384x128xf32, #tpu.memory_space<hbm>> -> memref<16384x128xf32, #tpu.memory_space<hbm>>
        tpu.wait_indirect_dma semaphore(%arg14 : memref<!tpu.dma_semaphore, #tpu.memory_space<semaphore_mem>>) src(%dma_wait3A_63 : memref<16384x128xf32, #tpu.memory_space<hbm>>) dst(%arg12 : memref<128x128xf32, #tpu.memory_space<vmem>>)
        %add3A_64 = arith.constant 1 : i32
        %add3A_65 = arith.addi %while3A_46, %add3A_64 : i32
        %lt3A = arith.cmpi slt, %add3A_65, %select_n3A : i32
        %convert_element_type3A_66 = arith.extui %lt3A : i1 to i32
        %cond3A_67 = arith.constant 0 : i32
        %cond3A_68 = arith.cmpi ne, %convert_element_type3A_66, %cond3A_67 : i32
        scf.if %cond3A_68 {
          %sub3A_74 = arith.constant 1 : i32
          %sub3A_75 = arith.subi %while3A_46, %sub3A_74 : i32
          %dma_wait3A_76 = arith.constant 0 : i32
          %dma_wait3A_77 = tpu.memref_slice %arg9[%sub3A_75, %dma_wait3A_76] : memref<32x128xi32, #tpu.memory_space<vmem>> -> memref<1x128xi32, #tpu.memory_space<vmem>>
          %dma_wait3A_78 = tpu.memref_squeeze %dma_wait3A_77 : memref<1x128xi32, #tpu.memory_space<vmem>> -> memref<128xi32, #tpu.memory_space<vmem>>
          %dma_wait3A_79 = arith.constant 0 : i32
          %dma_wait3A_80 = arith.constant 0 : i32
          %dma_wait3A_81 = tpu.memref_slice %arg7[%dma_wait3A_79, %dma_wait3A_80] : memref<100000x128xf32, #tpu.memory_space<hbm>> -> memref<100000x128xf32, #tpu.memory_space<hbm>>
          tpu.wait_indirect_dma semaphore(%arg15 : memref<!tpu.dma_semaphore, #tpu.memory_space<semaphore_mem>>) src(%arg11 : memref<128x128xf32, #tpu.memory_space<vmem>>) dst(%dma_wait3A_81 : memref<100000x128xf32, #tpu.memory_space<hbm>>)
          %add3A_82 = arith.constant 1 : i32
          %add3A_83 = arith.addi %while3A_46, %add3A_82 : i32
          %dma_start3A_84 = arith.constant 0 : i32
          %dma_start3A_85 = tpu.memref_slice %arg8[%add3A_83, %dma_start3A_84] : memref<32x128xi32, #tpu.memory_space<vmem>> -> memref<1x128xi32, #tpu.memory_space<vmem>>
          %dma_start3A_86 = tpu.memref_squeeze %dma_start3A_85 : memref<1x128xi32, #tpu.memory_space<vmem>> -> memref<128xi32, #tpu.memory_space<vmem>>
          %dma_start3A_87 = arith.constant 0 : i32
          %dma_start3A_88 = arith.constant 0 : i32
          %dma_start3A_89 = tpu.memref_slice %arg3[%dma_start3A_87, %dma_start3A_88] : memref<16384x128xf32, #tpu.memory_space<hbm>> -> memref<16384x128xf32, #tpu.memory_space<hbm>>
          tpu.enqueue_indirect_dma source(%dma_start3A_89 : memref<16384x128xf32, #tpu.memory_space<hbm>>) target(%arg11 : memref<128x128xf32, #tpu.memory_space<vmem>>) offsets(%dma_start3A_86 : memref<128xi32, #tpu.memory_space<vmem>>) semaphore(%arg13 : memref<!tpu.dma_semaphore, #tpu.memory_space<semaphore_mem>>)
        } else {
        }
        %dma_start3A = arith.constant 0 : i32
        %dma_start3A_69 = tpu.memref_slice %arg9[%while3A_46, %dma_start3A] : memref<32x128xi32, #tpu.memory_space<vmem>> -> memref<1x128xi32, #tpu.memory_space<vmem>>
        %dma_start3A_70 = tpu.memref_squeeze %dma_start3A_69 : memref<1x128xi32, #tpu.memory_space<vmem>> -> memref<128xi32, #tpu.memory_space<vmem>>
        %dma_start3A_71 = arith.constant 0 : i32
        %dma_start3A_72 = arith.constant 0 : i32
        %dma_start3A_73 = tpu.memref_slice %arg7[%dma_start3A_71, %dma_start3A_72] : memref<100000x128xf32, #tpu.memory_space<hbm>> -> memref<100000x128xf32, #tpu.memory_space<hbm>>
        tpu.enqueue_indirect_dma source(%arg12 : memref<128x128xf32, #tpu.memory_space<vmem>>) target(%dma_start3A_73 : memref<100000x128xf32, #tpu.memory_space<hbm>>) offsets(%dma_start3A_70 : memref<128xi32, #tpu.memory_space<vmem>>) semaphore(%arg16 : memref<!tpu.dma_semaphore, #tpu.memory_space<semaphore_mem>>)
      } else {
      }
      %while3A_58 = arith.constant 0 : i32
      scf.yield %while3A_58 : i32
    }
    %gt3A_41 = arith.constant 0 : i32
    %gt3A_42 = arith.cmpi sgt, %select_n3A, %gt3A_41 : i32
    %convert_element_type3A_43 = arith.extui %gt3A_42 : i1 to i32
    %cond3A_44 = arith.constant 0 : i32
    %cond3A_45 = arith.cmpi ne, %convert_element_type3A_43, %cond3A_44 : i32
    scf.if %cond3A_45 {
      %sub3A_46 = arith.constant 1 : i32
      %sub3A_47 = arith.subi %select_n3A, %sub3A_46 : i32
      %rem3A_48 = arith.constant 2 : i32
      %rem3A_49 = arith.remsi %sub3A_47, %rem3A_48 : i32
      %eq3A = arith.constant 0 : i32
      %eq3A_50 = arith.cmpi eq, %rem3A_49, %eq3A : i32
      %convert_element_type3A_51 = arith.extui %eq3A_50 : i1 to i32
      %cond3A_52 = arith.constant 0 : i32
      %cond3A_53 = arith.cmpi ne, %convert_element_type3A_51, %cond3A_52 : i32
      scf.if %cond3A_53 {
        %sub3A_58 = arith.constant 1 : i32
        %sub3A_59 = arith.subi %select_n3A, %sub3A_58 : i32
        %dma_wait3A = arith.constant 0 : i32
        %dma_wait3A_60 = tpu.memref_slice %arg9[%sub3A_59, %dma_wait3A] : memref<32x128xi32, #tpu.memory_space<vmem>> -> memref<1x128xi32, #tpu.memory_space<vmem>>
        %dma_wait3A_61 = tpu.memref_squeeze %dma_wait3A_60 : memref<1x128xi32, #tpu.memory_space<vmem>> -> memref<128xi32, #tpu.memory_space<vmem>>
        %dma_wait3A_62 = arith.constant 0 : i32
        %dma_wait3A_63 = arith.constant 0 : i32
        %dma_wait3A_64 = tpu.memref_slice %arg7[%dma_wait3A_62, %dma_wait3A_63] : memref<100000x128xf32, #tpu.memory_space<hbm>> -> memref<100000x128xf32, #tpu.memory_space<hbm>>
        tpu.wait_indirect_dma semaphore(%arg15 : memref<!tpu.dma_semaphore, #tpu.memory_space<semaphore_mem>>) src(%arg11 : memref<128x128xf32, #tpu.memory_space<vmem>>) dst(%dma_wait3A_64 : memref<100000x128xf32, #tpu.memory_space<hbm>>)
        %gt3A_65 = arith.constant 1 : i32
        %gt3A_66 = arith.cmpi sgt, %select_n3A, %gt3A_65 : i32
        %convert_element_type3A_67 = arith.extui %gt3A_66 : i1 to i32
        %cond3A_68 = arith.constant 0 : i32
        %cond3A_69 = arith.cmpi ne, %convert_element_type3A_67, %cond3A_68 : i32
        scf.if %cond3A_69 {
          %sub3A_70 = arith.constant 2 : i32
          %sub3A_71 = arith.subi %select_n3A, %sub3A_70 : i32
          %dma_wait3A_72 = arith.constant 0 : i32
          %dma_wait3A_73 = tpu.memref_slice %arg9[%sub3A_71, %dma_wait3A_72] : memref<32x128xi32, #tpu.memory_space<vmem>> -> memref<1x128xi32, #tpu.memory_space<vmem>>
          %dma_wait3A_74 = tpu.memref_squeeze %dma_wait3A_73 : memref<1x128xi32, #tpu.memory_space<vmem>> -> memref<128xi32, #tpu.memory_space<vmem>>
          %dma_wait3A_75 = arith.constant 0 : i32
          %dma_wait3A_76 = arith.constant 0 : i32
          %dma_wait3A_77 = tpu.memref_slice %arg7[%dma_wait3A_75, %dma_wait3A_76] : memref<100000x128xf32, #tpu.memory_space<hbm>> -> memref<100000x128xf32, #tpu.memory_space<hbm>>
          tpu.wait_indirect_dma semaphore(%arg16 : memref<!tpu.dma_semaphore, #tpu.memory_space<semaphore_mem>>) src(%arg12 : memref<128x128xf32, #tpu.memory_space<vmem>>) dst(%dma_wait3A_77 : memref<100000x128xf32, #tpu.memory_space<hbm>>)
        } else {
        }
      } else {
      }
      %not3A = arith.constant true
      %not3A_54 = arith.xori %eq3A_50, %not3A : i1
      %convert_element_type3A_55 = arith.extui %not3A_54 : i1 to i32
      %cond3A_56 = arith.constant 0 : i32
      %cond3A_57 = arith.cmpi ne, %convert_element_type3A_55, %cond3A_56 : i32
      scf.if %cond3A_57 {
        %sub3A_58 = arith.constant 1 : i32
        %sub3A_59 = arith.subi %select_n3A, %sub3A_58 : i32
        %dma_wait3A = arith.constant 0 : i32
        %dma_wait3A_60 = tpu.memref_slice %arg9[%sub3A_59, %dma_wait3A] : memref<32x128xi32, #tpu.memory_space<vmem>> -> memref<1x128xi32, #tpu.memory_space<vmem>>
        %dma_wait3A_61 = tpu.memref_squeeze %dma_wait3A_60 : memref<1x128xi32, #tpu.memory_space<vmem>> -> memref<128xi32, #tpu.memory_space<vmem>>
        %dma_wait3A_62 = arith.constant 0 : i32
        %dma_wait3A_63 = arith.constant 0 : i32
        %dma_wait3A_64 = tpu.memref_slice %arg7[%dma_wait3A_62, %dma_wait3A_63] : memref<100000x128xf32, #tpu.memory_space<hbm>> -> memref<100000x128xf32, #tpu.memory_space<hbm>>
        tpu.wait_indirect_dma semaphore(%arg16 : memref<!tpu.dma_semaphore, #tpu.memory_space<semaphore_mem>>) src(%arg12 : memref<128x128xf32, #tpu.memory_space<vmem>>) dst(%dma_wait3A_64 : memref<100000x128xf32, #tpu.memory_space<hbm>>)
        %sub3A_65 = arith.constant 2 : i32
        %sub3A_66 = arith.subi %select_n3A, %sub3A_65 : i32
        %dma_wait3A_67 = arith.constant 0 : i32
        %dma_wait3A_68 = tpu.memref_slice %arg9[%sub3A_66, %dma_wait3A_67] : memref<32x128xi32, #tpu.memory_space<vmem>> -> memref<1x128xi32, #tpu.memory_space<vmem>>
        %dma_wait3A_69 = tpu.memref_squeeze %dma_wait3A_68 : memref<1x128xi32, #tpu.memory_space<vmem>> -> memref<128xi32, #tpu.memory_space<vmem>>
        %dma_wait3A_70 = arith.constant 0 : i32
        %dma_wait3A_71 = arith.constant 0 : i32
        %dma_wait3A_72 = tpu.memref_slice %arg7[%dma_wait3A_70, %dma_wait3A_71] : memref<100000x128xf32, #tpu.memory_space<hbm>> -> memref<100000x128xf32, #tpu.memory_space<hbm>>
        tpu.wait_indirect_dma semaphore(%arg15 : memref<!tpu.dma_semaphore, #tpu.memory_space<semaphore_mem>>) src(%arg11 : memref<128x128xf32, #tpu.memory_space<vmem>>) dst(%dma_wait3A_72 : memref<100000x128xf32, #tpu.memory_space<hbm>>)
      } else {
      }
    } else {
    }
    return
  }
}

#map = affine_map<(d0, d1) -> (0, 0)>
#map1 = affine_map<(d0, d1) -> (0)>
module attributes {stable_mosaic.version = 14 : i64} {
  func.func @sc_gather_rows(%arg0: i32, %arg1: i32, %arg2: memref<100000x128xf32, #tpu.memory_space<hbm>>, %arg3: memref<16384xi32, #tpu.memory_space<hbm>>, %arg4: memref<16384x128xf32, #tpu.memory_space<hbm>>, %arg5: memref<4x128xi32, #tpu.memory_space<vmem>>, %arg6: memref<512x128xf32, #tpu.memory_space<vmem>>, %arg7: memref<!tpu.dma_semaphore, #tpu.memory_space<semaphore_mem>>) attributes {dimension_semantics = [#tpu.dimension_semantics<core_parallel>, #tpu.dimension_semantics<subcore_parallel>], iteration_bounds = array<i64: 2, 16>, scalar_prefetch = 0 : i64, scratch_operands = 3 : i64, tpu.core_type = #tpu.core_type<sc_vector_subcore>, window_params = [{transform_indices = #map}, {transform_indices = #map1}, {transform_indices = #map}]} {
    %mul3A = arith.constant 2 : i32
    %mul3A_0 = arith.muli %arg1, %mul3A : i32
    %add3A = arith.addi %mul3A_0, %arg0 : i32
    %mul3A_1 = arith.constant 512 : i32
    %mul3A_2 = arith.muli %add3A, %mul3A_1 : i32
    %add3A_3 = arith.constant 0 : i32
    %add3A_4 = arith.addi %mul3A_2, %add3A_3 : i32
    %run_scoped3A = arith.constant 0 : i32
    "tpu.region"() ({
      %run_scoped3A_92 = tpu.sem_alloc : memref<!tpu.dma_semaphore, #tpu.memory_space<semaphore_mem>>
      %dma_start3A_93 = arith.constant 0 : i32
      %dma_start3A_94 = tpu.memref_slice %arg5[%run_scoped3A, %dma_start3A_93] : memref<4x128xi32, #tpu.memory_space<vmem>> -> memref<1x128xi32, #tpu.memory_space<vmem>>
      %dma_start3A_95 = tpu.memref_squeeze %dma_start3A_94 : memref<1x128xi32, #tpu.memory_space<vmem>> -> memref<128xi32, #tpu.memory_space<vmem>>
      %dma_start3A_96 = tpu.memref_slice %arg3[%add3A_4] : memref<16384xi32, #tpu.memory_space<hbm>> -> memref<128xi32, #tpu.memory_space<hbm>>
      %dma_start3A_97 = arith.constant 0 : i32
      %dma_start3A_98 = tpu.memref_slice %arg5[%run_scoped3A, %dma_start3A_97] : memref<4x128xi32, #tpu.memory_space<vmem>> -> memref<1x128xi32, #tpu.memory_space<vmem>>
      %dma_start3A_99 = tpu.memref_squeeze %dma_start3A_98 : memref<1x128xi32, #tpu.memory_space<vmem>> -> memref<128xi32, #tpu.memory_space<vmem>>
      %dma_start3A_100 = tpu.memref_slice %arg3[%add3A_4] : memref<16384xi32, #tpu.memory_space<hbm>> -> memref<128xi32, #tpu.memory_space<hbm>>
      tpu.enqueue_dma source(%dma_start3A_100 : memref<128xi32, #tpu.memory_space<hbm>>) target(%dma_start3A_99 : memref<128xi32, #tpu.memory_space<vmem>>) target_semaphore(%run_scoped3A_92 : memref<!tpu.dma_semaphore, #tpu.memory_space<semaphore_mem>>)
      %dma_wait3A_101 = arith.constant 0 : i32
      %dma_wait3A_102 = tpu.memref_slice %arg5[%run_scoped3A, %dma_wait3A_101] : memref<4x128xi32, #tpu.memory_space<vmem>> -> memref<1x128xi32, #tpu.memory_space<vmem>>
      %dma_wait3A_103 = tpu.memref_squeeze %dma_wait3A_102 : memref<1x128xi32, #tpu.memory_space<vmem>> -> memref<128xi32, #tpu.memory_space<vmem>>
      %dma_wait3A_104 = tpu.memref_slice %arg3[%add3A_4] : memref<16384xi32, #tpu.memory_space<hbm>> -> memref<128xi32, #tpu.memory_space<hbm>>
      %dma_wait3A_105 = arith.constant 0 : i32
      %dma_wait3A_106 = tpu.memref_slice %arg5[%run_scoped3A, %dma_wait3A_105] : memref<4x128xi32, #tpu.memory_space<vmem>> -> memref<1x128xi32, #tpu.memory_space<vmem>>
      %dma_wait3A_107 = tpu.memref_squeeze %dma_wait3A_106 : memref<1x128xi32, #tpu.memory_space<vmem>> -> memref<128xi32, #tpu.memory_space<vmem>>
      %dma_wait3A_108 = tpu.memref_slice %arg3[%add3A_4] : memref<16384xi32, #tpu.memory_space<hbm>> -> memref<128xi32, #tpu.memory_space<hbm>>
      tpu.wait_dma2 semaphore(%run_scoped3A_92 : memref<!tpu.dma_semaphore, #tpu.memory_space<semaphore_mem>>) src(%dma_wait3A_108 : memref<128xi32, #tpu.memory_space<hbm>>) dst(%dma_wait3A_107 : memref<128xi32, #tpu.memory_space<vmem>>)
      tpu.yield
    }) : () -> ()
    %add3A_5 = arith.constant 128 : i32
    %add3A_6 = arith.addi %mul3A_2, %add3A_5 : i32
    %run_scoped3A_7 = arith.constant 1 : i32
    "tpu.region"() ({
      %run_scoped3A_92 = tpu.sem_alloc : memref<!tpu.dma_semaphore, #tpu.memory_space<semaphore_mem>>
      %dma_start3A_93 = arith.constant 0 : i32
      %dma_start3A_94 = tpu.memref_slice %arg5[%run_scoped3A_7, %dma_start3A_93] : memref<4x128xi32, #tpu.memory_space<vmem>> -> memref<1x128xi32, #tpu.memory_space<vmem>>
      %dma_start3A_95 = tpu.memref_squeeze %dma_start3A_94 : memref<1x128xi32, #tpu.memory_space<vmem>> -> memref<128xi32, #tpu.memory_space<vmem>>
      %dma_start3A_96 = tpu.memref_slice %arg3[%add3A_6] : memref<16384xi32, #tpu.memory_space<hbm>> -> memref<128xi32, #tpu.memory_space<hbm>>
      %dma_start3A_97 = arith.constant 0 : i32
      %dma_start3A_98 = tpu.memref_slice %arg5[%run_scoped3A_7, %dma_start3A_97] : memref<4x128xi32, #tpu.memory_space<vmem>> -> memref<1x128xi32, #tpu.memory_space<vmem>>
      %dma_start3A_99 = tpu.memref_squeeze %dma_start3A_98 : memref<1x128xi32, #tpu.memory_space<vmem>> -> memref<128xi32, #tpu.memory_space<vmem>>
      %dma_start3A_100 = tpu.memref_slice %arg3[%add3A_6] : memref<16384xi32, #tpu.memory_space<hbm>> -> memref<128xi32, #tpu.memory_space<hbm>>
      tpu.enqueue_dma source(%dma_start3A_100 : memref<128xi32, #tpu.memory_space<hbm>>) target(%dma_start3A_99 : memref<128xi32, #tpu.memory_space<vmem>>) target_semaphore(%run_scoped3A_92 : memref<!tpu.dma_semaphore, #tpu.memory_space<semaphore_mem>>)
      %dma_wait3A_101 = arith.constant 0 : i32
      %dma_wait3A_102 = tpu.memref_slice %arg5[%run_scoped3A_7, %dma_wait3A_101] : memref<4x128xi32, #tpu.memory_space<vmem>> -> memref<1x128xi32, #tpu.memory_space<vmem>>
      %dma_wait3A_103 = tpu.memref_squeeze %dma_wait3A_102 : memref<1x128xi32, #tpu.memory_space<vmem>> -> memref<128xi32, #tpu.memory_space<vmem>>
      %dma_wait3A_104 = tpu.memref_slice %arg3[%add3A_6] : memref<16384xi32, #tpu.memory_space<hbm>> -> memref<128xi32, #tpu.memory_space<hbm>>
      %dma_wait3A_105 = arith.constant 0 : i32
      %dma_wait3A_106 = tpu.memref_slice %arg5[%run_scoped3A_7, %dma_wait3A_105] : memref<4x128xi32, #tpu.memory_space<vmem>> -> memref<1x128xi32, #tpu.memory_space<vmem>>
      %dma_wait3A_107 = tpu.memref_squeeze %dma_wait3A_106 : memref<1x128xi32, #tpu.memory_space<vmem>> -> memref<128xi32, #tpu.memory_space<vmem>>
      %dma_wait3A_108 = tpu.memref_slice %arg3[%add3A_6] : memref<16384xi32, #tpu.memory_space<hbm>> -> memref<128xi32, #tpu.memory_space<hbm>>
      tpu.wait_dma2 semaphore(%run_scoped3A_92 : memref<!tpu.dma_semaphore, #tpu.memory_space<semaphore_mem>>) src(%dma_wait3A_108 : memref<128xi32, #tpu.memory_space<hbm>>) dst(%dma_wait3A_107 : memref<128xi32, #tpu.memory_space<vmem>>)
      tpu.yield
    }) : () -> ()
    %add3A_8 = arith.constant 256 : i32
    %add3A_9 = arith.addi %mul3A_2, %add3A_8 : i32
    %run_scoped3A_10 = arith.constant 2 : i32
    "tpu.region"() ({
      %run_scoped3A_92 = tpu.sem_alloc : memref<!tpu.dma_semaphore, #tpu.memory_space<semaphore_mem>>
      %dma_start3A_93 = arith.constant 0 : i32
      %dma_start3A_94 = tpu.memref_slice %arg5[%run_scoped3A_10, %dma_start3A_93] : memref<4x128xi32, #tpu.memory_space<vmem>> -> memref<1x128xi32, #tpu.memory_space<vmem>>
      %dma_start3A_95 = tpu.memref_squeeze %dma_start3A_94 : memref<1x128xi32, #tpu.memory_space<vmem>> -> memref<128xi32, #tpu.memory_space<vmem>>
      %dma_start3A_96 = tpu.memref_slice %arg3[%add3A_9] : memref<16384xi32, #tpu.memory_space<hbm>> -> memref<128xi32, #tpu.memory_space<hbm>>
      %dma_start3A_97 = arith.constant 0 : i32
      %dma_start3A_98 = tpu.memref_slice %arg5[%run_scoped3A_10, %dma_start3A_97] : memref<4x128xi32, #tpu.memory_space<vmem>> -> memref<1x128xi32, #tpu.memory_space<vmem>>
      %dma_start3A_99 = tpu.memref_squeeze %dma_start3A_98 : memref<1x128xi32, #tpu.memory_space<vmem>> -> memref<128xi32, #tpu.memory_space<vmem>>
      %dma_start3A_100 = tpu.memref_slice %arg3[%add3A_9] : memref<16384xi32, #tpu.memory_space<hbm>> -> memref<128xi32, #tpu.memory_space<hbm>>
      tpu.enqueue_dma source(%dma_start3A_100 : memref<128xi32, #tpu.memory_space<hbm>>) target(%dma_start3A_99 : memref<128xi32, #tpu.memory_space<vmem>>) target_semaphore(%run_scoped3A_92 : memref<!tpu.dma_semaphore, #tpu.memory_space<semaphore_mem>>)
      %dma_wait3A_101 = arith.constant 0 : i32
      %dma_wait3A_102 = tpu.memref_slice %arg5[%run_scoped3A_10, %dma_wait3A_101] : memref<4x128xi32, #tpu.memory_space<vmem>> -> memref<1x128xi32, #tpu.memory_space<vmem>>
      %dma_wait3A_103 = tpu.memref_squeeze %dma_wait3A_102 : memref<1x128xi32, #tpu.memory_space<vmem>> -> memref<128xi32, #tpu.memory_space<vmem>>
      %dma_wait3A_104 = tpu.memref_slice %arg3[%add3A_9] : memref<16384xi32, #tpu.memory_space<hbm>> -> memref<128xi32, #tpu.memory_space<hbm>>
      %dma_wait3A_105 = arith.constant 0 : i32
      %dma_wait3A_106 = tpu.memref_slice %arg5[%run_scoped3A_10, %dma_wait3A_105] : memref<4x128xi32, #tpu.memory_space<vmem>> -> memref<1x128xi32, #tpu.memory_space<vmem>>
      %dma_wait3A_107 = tpu.memref_squeeze %dma_wait3A_106 : memref<1x128xi32, #tpu.memory_space<vmem>> -> memref<128xi32, #tpu.memory_space<vmem>>
      %dma_wait3A_108 = tpu.memref_slice %arg3[%add3A_9] : memref<16384xi32, #tpu.memory_space<hbm>> -> memref<128xi32, #tpu.memory_space<hbm>>
      tpu.wait_dma2 semaphore(%run_scoped3A_92 : memref<!tpu.dma_semaphore, #tpu.memory_space<semaphore_mem>>) src(%dma_wait3A_108 : memref<128xi32, #tpu.memory_space<hbm>>) dst(%dma_wait3A_107 : memref<128xi32, #tpu.memory_space<vmem>>)
      tpu.yield
    }) : () -> ()
    %add3A_11 = arith.constant 384 : i32
    %add3A_12 = arith.addi %mul3A_2, %add3A_11 : i32
    %run_scoped3A_13 = arith.constant 3 : i32
    "tpu.region"() ({
      %run_scoped3A_92 = tpu.sem_alloc : memref<!tpu.dma_semaphore, #tpu.memory_space<semaphore_mem>>
      %dma_start3A_93 = arith.constant 0 : i32
      %dma_start3A_94 = tpu.memref_slice %arg5[%run_scoped3A_13, %dma_start3A_93] : memref<4x128xi32, #tpu.memory_space<vmem>> -> memref<1x128xi32, #tpu.memory_space<vmem>>
      %dma_start3A_95 = tpu.memref_squeeze %dma_start3A_94 : memref<1x128xi32, #tpu.memory_space<vmem>> -> memref<128xi32, #tpu.memory_space<vmem>>
      %dma_start3A_96 = tpu.memref_slice %arg3[%add3A_12] : memref<16384xi32, #tpu.memory_space<hbm>> -> memref<128xi32, #tpu.memory_space<hbm>>
      %dma_start3A_97 = arith.constant 0 : i32
      %dma_start3A_98 = tpu.memref_slice %arg5[%run_scoped3A_13, %dma_start3A_97] : memref<4x128xi32, #tpu.memory_space<vmem>> -> memref<1x128xi32, #tpu.memory_space<vmem>>
      %dma_start3A_99 = tpu.memref_squeeze %dma_start3A_98 : memref<1x128xi32, #tpu.memory_space<vmem>> -> memref<128xi32, #tpu.memory_space<vmem>>
      %dma_start3A_100 = tpu.memref_slice %arg3[%add3A_12] : memref<16384xi32, #tpu.memory_space<hbm>> -> memref<128xi32, #tpu.memory_space<hbm>>
      tpu.enqueue_dma source(%dma_start3A_100 : memref<128xi32, #tpu.memory_space<hbm>>) target(%dma_start3A_99 : memref<128xi32, #tpu.memory_space<vmem>>) target_semaphore(%run_scoped3A_92 : memref<!tpu.dma_semaphore, #tpu.memory_space<semaphore_mem>>)
      %dma_wait3A_101 = arith.constant 0 : i32
      %dma_wait3A_102 = tpu.memref_slice %arg5[%run_scoped3A_13, %dma_wait3A_101] : memref<4x128xi32, #tpu.memory_space<vmem>> -> memref<1x128xi32, #tpu.memory_space<vmem>>
      %dma_wait3A_103 = tpu.memref_squeeze %dma_wait3A_102 : memref<1x128xi32, #tpu.memory_space<vmem>> -> memref<128xi32, #tpu.memory_space<vmem>>
      %dma_wait3A_104 = tpu.memref_slice %arg3[%add3A_12] : memref<16384xi32, #tpu.memory_space<hbm>> -> memref<128xi32, #tpu.memory_space<hbm>>
      %dma_wait3A_105 = arith.constant 0 : i32
      %dma_wait3A_106 = tpu.memref_slice %arg5[%run_scoped3A_13, %dma_wait3A_105] : memref<4x128xi32, #tpu.memory_space<vmem>> -> memref<1x128xi32, #tpu.memory_space<vmem>>
      %dma_wait3A_107 = tpu.memref_squeeze %dma_wait3A_106 : memref<1x128xi32, #tpu.memory_space<vmem>> -> memref<128xi32, #tpu.memory_space<vmem>>
      %dma_wait3A_108 = tpu.memref_slice %arg3[%add3A_12] : memref<16384xi32, #tpu.memory_space<hbm>> -> memref<128xi32, #tpu.memory_space<hbm>>
      tpu.wait_dma2 semaphore(%run_scoped3A_92 : memref<!tpu.dma_semaphore, #tpu.memory_space<semaphore_mem>>) src(%dma_wait3A_108 : memref<128xi32, #tpu.memory_space<hbm>>) dst(%dma_wait3A_107 : memref<128xi32, #tpu.memory_space<vmem>>)
      tpu.yield
    }) : () -> ()
    %dma_start3A = arith.constant 0 : i32
    %dma_start3A_14 = arith.constant 0 : i32
    %dma_start3A_15 = arith.constant 0 : i32
    %dma_start3A_16 = tpu.memref_slice %arg6[%dma_start3A_14, %dma_start3A_15] : memref<512x128xf32, #tpu.memory_space<vmem>> -> memref<128x128xf32, #tpu.memory_space<vmem>>
    %dma_start3A_17 = arith.constant 0 : i32
    %dma_start3A_18 = tpu.memref_slice %arg5[%dma_start3A, %dma_start3A_17] : memref<4x128xi32, #tpu.memory_space<vmem>> -> memref<1x128xi32, #tpu.memory_space<vmem>>
    %dma_start3A_19 = tpu.memref_squeeze %dma_start3A_18 : memref<1x128xi32, #tpu.memory_space<vmem>> -> memref<128xi32, #tpu.memory_space<vmem>>
    %dma_start3A_20 = arith.constant 0 : i32
    %dma_start3A_21 = arith.constant 0 : i32
    %dma_start3A_22 = tpu.memref_slice %arg2[%dma_start3A_20, %dma_start3A_21] : memref<100000x128xf32, #tpu.memory_space<hbm>> -> memref<100000x128xf32, #tpu.memory_space<hbm>>
    tpu.enqueue_indirect_dma source(%dma_start3A_22 : memref<100000x128xf32, #tpu.memory_space<hbm>>) target(%dma_start3A_16 : memref<128x128xf32, #tpu.memory_space<vmem>>) offsets(%dma_start3A_19 : memref<128xi32, #tpu.memory_space<vmem>>) semaphore(%arg7 : memref<!tpu.dma_semaphore, #tpu.memory_space<semaphore_mem>>)
    %dma_start3A_23 = arith.constant 1 : i32
    %dma_start3A_24 = arith.constant 128 : i32
    %dma_start3A_25 = arith.constant 0 : i32
    %dma_start3A_26 = tpu.memref_slice %arg6[%dma_start3A_24, %dma_start3A_25] : memref<512x128xf32, #tpu.memory_space<vmem>> -> memref<128x128xf32, #tpu.memory_space<vmem>>
    %dma_start3A_27 = arith.constant 0 : i32
    %dma_start3A_28 = tpu.memref_slice %arg5[%dma_start3A_23, %dma_start3A_27] : memref<4x128xi32, #tpu.memory_space<vmem>> -> memref<1x128xi32, #tpu.memory_space<vmem>>
    %dma_start3A_29 = tpu.memref_squeeze %dma_start3A_28 : memref<1x128xi32, #tpu.memory_space<vmem>> -> memref<128xi32, #tpu.memory_space<vmem>>
    %dma_start3A_30 = arith.constant 0 : i32
    %dma_start3A_31 = arith.constant 0 : i32
    %dma_start3A_32 = tpu.memref_slice %arg2[%dma_start3A_30, %dma_start3A_31] : memref<100000x128xf32, #tpu.memory_space<hbm>> -> memref<100000x128xf32, #tpu.memory_space<hbm>>
    tpu.enqueue_indirect_dma source(%dma_start3A_32 : memref<100000x128xf32, #tpu.memory_space<hbm>>) target(%dma_start3A_26 : memref<128x128xf32, #tpu.memory_space<vmem>>) offsets(%dma_start3A_29 : memref<128xi32, #tpu.memory_space<vmem>>) semaphore(%arg7 : memref<!tpu.dma_semaphore, #tpu.memory_space<semaphore_mem>>)
    %dma_start3A_33 = arith.constant 2 : i32
    %dma_start3A_34 = arith.constant 256 : i32
    %dma_start3A_35 = arith.constant 0 : i32
    %dma_start3A_36 = tpu.memref_slice %arg6[%dma_start3A_34, %dma_start3A_35] : memref<512x128xf32, #tpu.memory_space<vmem>> -> memref<128x128xf32, #tpu.memory_space<vmem>>
    %dma_start3A_37 = arith.constant 0 : i32
    %dma_start3A_38 = tpu.memref_slice %arg5[%dma_start3A_33, %dma_start3A_37] : memref<4x128xi32, #tpu.memory_space<vmem>> -> memref<1x128xi32, #tpu.memory_space<vmem>>
    %dma_start3A_39 = tpu.memref_squeeze %dma_start3A_38 : memref<1x128xi32, #tpu.memory_space<vmem>> -> memref<128xi32, #tpu.memory_space<vmem>>
    %dma_start3A_40 = arith.constant 0 : i32
    %dma_start3A_41 = arith.constant 0 : i32
    %dma_start3A_42 = tpu.memref_slice %arg2[%dma_start3A_40, %dma_start3A_41] : memref<100000x128xf32, #tpu.memory_space<hbm>> -> memref<100000x128xf32, #tpu.memory_space<hbm>>
    tpu.enqueue_indirect_dma source(%dma_start3A_42 : memref<100000x128xf32, #tpu.memory_space<hbm>>) target(%dma_start3A_36 : memref<128x128xf32, #tpu.memory_space<vmem>>) offsets(%dma_start3A_39 : memref<128xi32, #tpu.memory_space<vmem>>) semaphore(%arg7 : memref<!tpu.dma_semaphore, #tpu.memory_space<semaphore_mem>>)
    %dma_start3A_43 = arith.constant 3 : i32
    %dma_start3A_44 = arith.constant 384 : i32
    %dma_start3A_45 = arith.constant 0 : i32
    %dma_start3A_46 = tpu.memref_slice %arg6[%dma_start3A_44, %dma_start3A_45] : memref<512x128xf32, #tpu.memory_space<vmem>> -> memref<128x128xf32, #tpu.memory_space<vmem>>
    %dma_start3A_47 = arith.constant 0 : i32
    %dma_start3A_48 = tpu.memref_slice %arg5[%dma_start3A_43, %dma_start3A_47] : memref<4x128xi32, #tpu.memory_space<vmem>> -> memref<1x128xi32, #tpu.memory_space<vmem>>
    %dma_start3A_49 = tpu.memref_squeeze %dma_start3A_48 : memref<1x128xi32, #tpu.memory_space<vmem>> -> memref<128xi32, #tpu.memory_space<vmem>>
    %dma_start3A_50 = arith.constant 0 : i32
    %dma_start3A_51 = arith.constant 0 : i32
    %dma_start3A_52 = tpu.memref_slice %arg2[%dma_start3A_50, %dma_start3A_51] : memref<100000x128xf32, #tpu.memory_space<hbm>> -> memref<100000x128xf32, #tpu.memory_space<hbm>>
    tpu.enqueue_indirect_dma source(%dma_start3A_52 : memref<100000x128xf32, #tpu.memory_space<hbm>>) target(%dma_start3A_46 : memref<128x128xf32, #tpu.memory_space<vmem>>) offsets(%dma_start3A_49 : memref<128xi32, #tpu.memory_space<vmem>>) semaphore(%arg7 : memref<!tpu.dma_semaphore, #tpu.memory_space<semaphore_mem>>)
    %dma_wait3A = arith.constant 0 : i32
    %dma_wait3A_53 = arith.constant 0 : i32
    %dma_wait3A_54 = arith.constant 0 : i32
    %dma_wait3A_55 = tpu.memref_slice %arg6[%dma_wait3A_53, %dma_wait3A_54] : memref<512x128xf32, #tpu.memory_space<vmem>> -> memref<128x128xf32, #tpu.memory_space<vmem>>
    %dma_wait3A_56 = arith.constant 0 : i32
    %dma_wait3A_57 = tpu.memref_slice %arg5[%dma_wait3A, %dma_wait3A_56] : memref<4x128xi32, #tpu.memory_space<vmem>> -> memref<1x128xi32, #tpu.memory_space<vmem>>
    %dma_wait3A_58 = tpu.memref_squeeze %dma_wait3A_57 : memref<1x128xi32, #tpu.memory_space<vmem>> -> memref<128xi32, #tpu.memory_space<vmem>>
    %dma_wait3A_59 = arith.constant 0 : i32
    %dma_wait3A_60 = arith.constant 0 : i32
    %dma_wait3A_61 = tpu.memref_slice %arg2[%dma_wait3A_59, %dma_wait3A_60] : memref<100000x128xf32, #tpu.memory_space<hbm>> -> memref<100000x128xf32, #tpu.memory_space<hbm>>
    tpu.wait_indirect_dma semaphore(%arg7 : memref<!tpu.dma_semaphore, #tpu.memory_space<semaphore_mem>>) src(%dma_wait3A_61 : memref<100000x128xf32, #tpu.memory_space<hbm>>) dst(%dma_wait3A_55 : memref<128x128xf32, #tpu.memory_space<vmem>>)
    %dma_wait3A_62 = arith.constant 1 : i32
    %dma_wait3A_63 = arith.constant 128 : i32
    %dma_wait3A_64 = arith.constant 0 : i32
    %dma_wait3A_65 = tpu.memref_slice %arg6[%dma_wait3A_63, %dma_wait3A_64] : memref<512x128xf32, #tpu.memory_space<vmem>> -> memref<128x128xf32, #tpu.memory_space<vmem>>
    %dma_wait3A_66 = arith.constant 0 : i32
    %dma_wait3A_67 = tpu.memref_slice %arg5[%dma_wait3A_62, %dma_wait3A_66] : memref<4x128xi32, #tpu.memory_space<vmem>> -> memref<1x128xi32, #tpu.memory_space<vmem>>
    %dma_wait3A_68 = tpu.memref_squeeze %dma_wait3A_67 : memref<1x128xi32, #tpu.memory_space<vmem>> -> memref<128xi32, #tpu.memory_space<vmem>>
    %dma_wait3A_69 = arith.constant 0 : i32
    %dma_wait3A_70 = arith.constant 0 : i32
    %dma_wait3A_71 = tpu.memref_slice %arg2[%dma_wait3A_69, %dma_wait3A_70] : memref<100000x128xf32, #tpu.memory_space<hbm>> -> memref<100000x128xf32, #tpu.memory_space<hbm>>
    tpu.wait_indirect_dma semaphore(%arg7 : memref<!tpu.dma_semaphore, #tpu.memory_space<semaphore_mem>>) src(%dma_wait3A_71 : memref<100000x128xf32, #tpu.memory_space<hbm>>) dst(%dma_wait3A_65 : memref<128x128xf32, #tpu.memory_space<vmem>>)
    %dma_wait3A_72 = arith.constant 2 : i32
    %dma_wait3A_73 = arith.constant 256 : i32
    %dma_wait3A_74 = arith.constant 0 : i32
    %dma_wait3A_75 = tpu.memref_slice %arg6[%dma_wait3A_73, %dma_wait3A_74] : memref<512x128xf32, #tpu.memory_space<vmem>> -> memref<128x128xf32, #tpu.memory_space<vmem>>
    %dma_wait3A_76 = arith.constant 0 : i32
    %dma_wait3A_77 = tpu.memref_slice %arg5[%dma_wait3A_72, %dma_wait3A_76] : memref<4x128xi32, #tpu.memory_space<vmem>> -> memref<1x128xi32, #tpu.memory_space<vmem>>
    %dma_wait3A_78 = tpu.memref_squeeze %dma_wait3A_77 : memref<1x128xi32, #tpu.memory_space<vmem>> -> memref<128xi32, #tpu.memory_space<vmem>>
    %dma_wait3A_79 = arith.constant 0 : i32
    %dma_wait3A_80 = arith.constant 0 : i32
    %dma_wait3A_81 = tpu.memref_slice %arg2[%dma_wait3A_79, %dma_wait3A_80] : memref<100000x128xf32, #tpu.memory_space<hbm>> -> memref<100000x128xf32, #tpu.memory_space<hbm>>
    tpu.wait_indirect_dma semaphore(%arg7 : memref<!tpu.dma_semaphore, #tpu.memory_space<semaphore_mem>>) src(%dma_wait3A_81 : memref<100000x128xf32, #tpu.memory_space<hbm>>) dst(%dma_wait3A_75 : memref<128x128xf32, #tpu.memory_space<vmem>>)
    %dma_wait3A_82 = arith.constant 3 : i32
    %dma_wait3A_83 = arith.constant 384 : i32
    %dma_wait3A_84 = arith.constant 0 : i32
    %dma_wait3A_85 = tpu.memref_slice %arg6[%dma_wait3A_83, %dma_wait3A_84] : memref<512x128xf32, #tpu.memory_space<vmem>> -> memref<128x128xf32, #tpu.memory_space<vmem>>
    %dma_wait3A_86 = arith.constant 0 : i32
    %dma_wait3A_87 = tpu.memref_slice %arg5[%dma_wait3A_82, %dma_wait3A_86] : memref<4x128xi32, #tpu.memory_space<vmem>> -> memref<1x128xi32, #tpu.memory_space<vmem>>
    %dma_wait3A_88 = tpu.memref_squeeze %dma_wait3A_87 : memref<1x128xi32, #tpu.memory_space<vmem>> -> memref<128xi32, #tpu.memory_space<vmem>>
    %dma_wait3A_89 = arith.constant 0 : i32
    %dma_wait3A_90 = arith.constant 0 : i32
    %dma_wait3A_91 = tpu.memref_slice %arg2[%dma_wait3A_89, %dma_wait3A_90] : memref<100000x128xf32, #tpu.memory_space<hbm>> -> memref<100000x128xf32, #tpu.memory_space<hbm>>
    tpu.wait_indirect_dma semaphore(%arg7 : memref<!tpu.dma_semaphore, #tpu.memory_space<semaphore_mem>>) src(%dma_wait3A_91 : memref<100000x128xf32, #tpu.memory_space<hbm>>) dst(%dma_wait3A_85 : memref<128x128xf32, #tpu.memory_space<vmem>>)
    "tpu.region"() ({
      %run_scoped3A_92 = tpu.sem_alloc : memref<!tpu.dma_semaphore, #tpu.memory_space<semaphore_mem>>
      %dma_start3A_93 = arith.constant 0 : i32
      %dma_start3A_94 = tpu.memref_slice %arg4[%mul3A_2, %dma_start3A_93] : memref<16384x128xf32, #tpu.memory_space<hbm>> -> memref<512x128xf32, #tpu.memory_space<hbm>>
      %dma_start3A_95 = arith.constant 0 : i32
      %dma_start3A_96 = tpu.memref_slice %arg4[%mul3A_2, %dma_start3A_95] : memref<16384x128xf32, #tpu.memory_space<hbm>> -> memref<512x128xf32, #tpu.memory_space<hbm>>
      tpu.enqueue_dma source(%arg6 : memref<512x128xf32, #tpu.memory_space<vmem>>) target(%dma_start3A_96 : memref<512x128xf32, #tpu.memory_space<hbm>>) target_semaphore(%run_scoped3A_92 : memref<!tpu.dma_semaphore, #tpu.memory_space<semaphore_mem>>)
      %dma_wait3A_97 = arith.constant 0 : i32
      %dma_wait3A_98 = tpu.memref_slice %arg4[%mul3A_2, %dma_wait3A_97] : memref<16384x128xf32, #tpu.memory_space<hbm>> -> memref<512x128xf32, #tpu.memory_space<hbm>>
      %dma_wait3A_99 = arith.constant 0 : i32
      %dma_wait3A_100 = tpu.memref_slice %arg4[%mul3A_2, %dma_wait3A_99] : memref<16384x128xf32, #tpu.memory_space<hbm>> -> memref<512x128xf32, #tpu.memory_space<hbm>>
      tpu.wait_dma2 semaphore(%run_scoped3A_92 : memref<!tpu.dma_semaphore, #tpu.memory_space<semaphore_mem>>) src(%arg6 : memref<512x128xf32, #tpu.memory_space<vmem>>) dst(%dma_wait3A_100 : memref<512x128xf32, #tpu.memory_space<hbm>>)
      tpu.yield
    }) : () -> ()
    return
  }
}

module attributes {stable_mosaic.version = 14 : i64} {
  func.func @tc_gru(%arg0: i32, %arg1: memref<512x256xf32, #tpu.memory_space<vmem>>, %arg2: memref<512x128xf32, #tpu.memory_space<vmem>>, %arg3: memref<384x256xf32, #tpu.memory_space<vmem>>, %arg4: memref<384x128xf32, #tpu.memory_space<vmem>>, %arg5: memref<1x384xf32, #tpu.memory_space<vmem>>, %arg6: memref<1x384xf32, #tpu.memory_space<vmem>>, %arg7: memref<512x128xf32, #tpu.memory_space<vmem>>) attributes {dimension_semantics = [#tpu.dimension_semantics<arbitrary>], iteration_bounds = array<i64: 32>, scalar_prefetch = 0 : i64, scratch_operands = 0 : i64, tpu.core_type = #tpu.core_type<tc>, window_params = [{transform_indices = @transform_0, window_bounds = array<i64: 512, 256>}, {transform_indices = @transform_1, window_bounds = array<i64: 512, 128>}, {pipeline_mode = #tpu.pipeline_mode<synchronous>, transform_indices = @transform_2, window_bounds = array<i64: 384, 256>}, {pipeline_mode = #tpu.pipeline_mode<synchronous>, transform_indices = @transform_3, window_bounds = array<i64: 384, 128>}, {pipeline_mode = #tpu.pipeline_mode<synchronous>, transform_indices = @transform_4, window_bounds = array<i64: 1, 384>}, {pipeline_mode = #tpu.pipeline_mode<synchronous>, transform_indices = @transform_5, window_bounds = array<i64: 1, 384>}, {transform_indices = @transform_6, window_bounds = array<i64: 512, 128>}]} {
    %get3A = arith.constant 0 : index
    %get3A_0 = arith.constant 0 : index
    %get3A_1 = vector.load %arg2[%get3A, %get3A_0] : memref<512x128xf32, #tpu.memory_space<vmem>>, vector<512x128xf32>
    %get3A_2 = arith.constant 0 : index
    %get3A_3 = arith.constant 0 : index
    %get3A_4 = vector.load %arg1[%get3A_2, %get3A_3] : memref<512x256xf32, #tpu.memory_space<vmem>>, vector<512x256xf32>
    %get3A_5 = arith.constant 0 : index
    %get3A_6 = arith.constant 0 : index
    %get3A_7 = vector.load %arg3[%get3A_5, %get3A_6] : memref<384x256xf32, #tpu.memory_space<vmem>>, vector<384x256xf32>
    %dot_general3A = arith.constant dense<0.000000e+00> : vector<512x384xf32>
    %dot_general3A_8 = tpu.matmul %get3A_4, %get3A_7, %dot_general3A {dimension_numbers = #tpu.dot_dimension_numbers<[1], [1], [0], [0], [0, 0, 1, 0], [], []>, transpose_lhs_hint = false} : vector<512x256xf32>, vector<384x256xf32>, vector<512x384xf32> -> vector<512x384xf32>
    %get3A_9 = arith.constant 0 : index
    %get3A_10 = arith.constant 0 : index
    %get3A_11 = vector.load %arg5[%get3A_9, %get3A_10] : memref<1x384xf32, #tpu.memory_space<vmem>>, vector<1x384xf32>
    %add3A = vector.broadcast %get3A_11 : vector<1x384xf32> to vector<512x384xf32>
    %add3A_12 = arith.addf %dot_general3A_8, %add3A : vector<512x384xf32>
    %get3A_13 = arith.constant 0 : index
    %get3A_14 = arith.constant 0 : index
    %get3A_15 = vector.load %arg4[%get3A_13, %get3A_14] : memref<384x128xf32, #tpu.memory_space<vmem>>, vector<384x128xf32>
    %dot_general3A_16 = arith.constant dense<0.000000e+00> : vector<512x384xf32>
    %dot_general3A_17 = tpu.matmul %get3A_1, %get3A_15, %dot_general3A_16 {dimension_numbers = #tpu.dot_dimension_numbers<[1], [1], [0], [0], [0, 0, 1, 0], [], []>, transpose_lhs_hint = false} : vector<512x128xf32>, vector<384x128xf32>, vector<512x384xf32> -> vector<512x384xf32>
    %get3A_18 = arith.constant 0 : index
    %get3A_19 = arith.constant 0 : index
    %get3A_20 = vector.load %arg6[%get3A_18, %get3A_19] : memref<1x384xf32, #tpu.memory_space<vmem>>, vector<1x384xf32>
    %add3A_21 = vector.broadcast %get3A_20 : vector<1x384xf32> to vector<512x384xf32>
    %add3A_22 = arith.addf %dot_general3A_17, %add3A_21 : vector<512x384xf32>
    %slice3A = vector.extract_strided_slice %add3A_12 {offsets = [0, 0], sizes = [512, 128], strides = [1, 1]} : vector<512x384xf32> to vector<512x128xf32>
    %slice3A_23 = vector.extract_strided_slice %add3A_22 {offsets = [0, 0], sizes = [512, 128], strides = [1, 1]} : vector<512x384xf32> to vector<512x128xf32>
    %add3A_24 = arith.addf %slice3A, %slice3A_23 : vector<512x128xf32>
    %logistic3A = arith.negf %add3A_24 : vector<512x128xf32>
    %logistic3A_25 = math.exp %logistic3A : vector<512x128xf32>
    %logistic3A_26 = arith.constant 1.000000e+00 : f32
    %logistic3A_27 = vector.broadcast %logistic3A_26 : f32 to vector<512x128xf32>
    %logistic3A_28 = arith.addf %logistic3A_27, %logistic3A_25 : vector<512x128xf32>
    %logistic3A_29 = arith.divf %logistic3A_27, %logistic3A_28 : vector<512x128xf32>
    %slice3A_30 = vector.extract_strided_slice %add3A_12 {offsets = [0, 128], sizes = [512, 128], strides = [1, 1]} : vector<512x384xf32> to vector<512x128xf32>
    %slice3A_31 = vector.extract_strided_slice %add3A_22 {offsets = [0, 128], sizes = [512, 128], strides = [1, 1]} : vector<512x384xf32> to vector<512x128xf32>
    %add3A_32 = arith.addf %slice3A_30, %slice3A_31 : vector<512x128xf32>
    %logistic3A_33 = arith.negf %add3A_32 : vector<512x128xf32>
    %logistic3A_34 = math.exp %logistic3A_33 : vector<512x128xf32>
    %logistic3A_35 = arith.constant 1.000000e+00 : f32
    %logistic3A_36 = vector.broadcast %logistic3A_35 : f32 to vector<512x128xf32>
    %logistic3A_37 = arith.addf %logistic3A_36, %logistic3A_34 : vector<512x128xf32>
    %logistic3A_38 = arith.divf %logistic3A_36, %logistic3A_37 : vector<512x128xf32>
    %slice3A_39 = vector.extract_strided_slice %add3A_12 {offsets = [0, 256], sizes = [512, 128], strides = [1, 1]} : vector<512x384xf32> to vector<512x128xf32>
    %slice3A_40 = vector.extract_strided_slice %add3A_22 {offsets = [0, 256], sizes = [512, 128], strides = [1, 1]} : vector<512x384xf32> to vector<512x128xf32>
    %mul3A = arith.mulf %logistic3A_29, %slice3A_40 : vector<512x128xf32>
    %add3A_41 = arith.addf %slice3A_39, %mul3A : vector<512x128xf32>
    %tanh3A = math.tanh %add3A_41 : vector<512x128xf32>
    %sub3A = arith.constant 1.000000e+00 : f32
    %sub3A_42 = vector.broadcast %sub3A : f32 to vector<512x128xf32>
    %sub3A_43 = arith.subf %sub3A_42, %logistic3A_38 : vector<512x128xf32>
    %mul3A_44 = arith.mulf %sub3A_43, %tanh3A : vector<512x128xf32>
    %mul3A_45 = arith.mulf %logistic3A_38, %get3A_1 : vector<512x128xf32>
    %add3A_46 = arith.addf %mul3A_44, %mul3A_45 : vector<512x128xf32>
    %swap3A = arith.constant 0 : index
    %swap3A_47 = arith.constant 0 : index
    %swap3A_48 = vector.load %arg7[%swap3A, %swap3A_47] : memref<512x128xf32, #tpu.memory_space<vmem>>, vector<512x128xf32>
    tpu.vector_store %arg7[%swap3A, %swap3A_47], %add3A_46 {strides = array<i32>} : memref<512x128xf32, #tpu.memory_space<vmem>>, vector<512x128xf32>,
    return
  }
  func.func @transform_0(%arg0: i32) -> (i32, i32) {
    %c0_i32 = arith.constant 0 : i32
    %c0_i32_0 = arith.constant 0 : i32
    return %arg0, %c0_i32 : i32, i32
  }
  func.func @transform_1(%arg0: i32) -> (i32, i32) {
    %c0_i32 = arith.constant 0 : i32
    %c0_i32_0 = arith.constant 0 : i32
    return %arg0, %c0_i32 : i32, i32
  }
  func.func @transform_2(%arg0: i32) -> (i32, i32) {
    %c0_i32 = arith.constant 0 : i32
    %c0_i32_0 = arith.constant 0 : i32
    %c0_i32_1 = arith.constant 0 : i32
    return %c0_i32, %c0_i32_0 : i32, i32
  }
  func.func @transform_3(%arg0: i32) -> (i32, i32) {
    %c0_i32 = arith.constant 0 : i32
    %c0_i32_0 = arith.constant 0 : i32
    %c0_i32_1 = arith.constant 0 : i32
    return %c0_i32, %c0_i32_0 : i32, i32
  }
  func.func @transform_4(%arg0: i32) -> (i32, i32) {
    %c0_i32 = arith.constant 0 : i32
    %c0_i32_0 = arith.constant 0 : i32
    %c0_i32_1 = arith.constant 0 : i32
    return %c0_i32, %c0_i32_0 : i32, i32
  }
  func.func @transform_5(%arg0: i32) -> (i32, i32) {
    %c0_i32 = arith.constant 0 : i32
    %c0_i32_0 = arith.constant 0 : i32
    %c0_i32_1 = arith.constant 0 : i32
    return %c0_i32, %c0_i32_0 : i32, i32
  }
  func.func @transform_6(%arg0: i32) -> (i32, i32) {
    %c0_i32 = arith.constant 0 : i32
    %c0_i32_0 = arith.constant 0 : i32
    return %arg0, %c0_i32 : i32, i32
  }
}

</mosaic_0001>

<sc_bundles>
// kernel: sc_gather_rows.3.cloned.1.call-start
scs
__scs_entry_jumppad:
0x0: {  	(pc) =	sbr.rel $0x88, $3  }
0x1: {  	(tag) =	ssettag $0x0;
	lr =	simm.s32 $0x1  }
0x2: {  	[smem:$0x3F98] =	sst lr;
	_ =	strace $0xD0000000  }
0x3: {  	_ = 	snop  }
0x4: {  	_ = 	snop  }
0x5: {  	_ = 	snop  }
0x6: {  	_ = 	snop  }
0x7: {  	_ = 	snop  }
__scs_overlays_trampoline_lowered:
0x8: {  	[smem:$0x3FA7] =	sst s0  }
0x9: {  	[smem:$0x3FA8] =	sst s1  }
0xa: {  	[smem:$0x3FA9] =	sst s2  }
0xb: {  	[smem:$0x3FAA] =	sst s3  }
0xc: {  	[smem:$0x3FAB] =	sst s4  }
0xd: {  	[smem:$0x3FAC] =	sst s5  }
0xe: {  	[smem:$0x3FAD] =	sst s6  }
0xf: {  	[smem:$0x3FAE] =	sst s7  }
0x10: {  	[smem:$0x3FAF] =	sst s8  }
0x11: {  	[smem:$0x3FB0] =	sst s9;
	s0 =	simm.s32 @!p0 $0x0  }
0x12: {  	s1 =	sld [smem:$0x3F96];
	s0 =	simm.s32 @p0 $0x1  }
0x13: {  	[smem:$0x3FB1] =	sst s0;
	s0 =	simm.s32 @!p1 $0x0  }
0x14: {  	s2 =	sld [smem:$0x3F95];
	s0 =	simm.s32 @p1 $0x1  }
0x15: {  	[smem:$0x3FB2] =	sst s0;
	s0 =	simm.s32 @!p2 $0x0  }
0x16: {  	s3 =	sld [smem:$0x3FDB];
	s0 =	simm.s32 @p2 $0x1  }
0x17: {  	s4 =	simm.s32 $0x1BF5;
	[smem:$0x3FB4] =	sst s0  }
0x18: {  	s0 =	sld [smem:$0x3F97];
	_ =	swait.ge [sflag:s4], $0x0  }
0x19: {  	s7 =	sld [smem:$0x3F98]  }
0x1a: {  	s8 =	sadd.s32 $0xFFFFE003, lr  }
0x1b: {  	s9 =	sadd.s32 $0xFFFFFEF7, lr;
	s5 =	simm.s32 $0xFFFFFFFF;
	p2 =	slt.u32 s8, $0xFFFFF086  }
0x1c: {  	p1 =	slt.u32 s9, $0xF7A;
	s5 =	simm.s32 @!p2 $0x0  }
0x1d: {  	s5 =	simm.s32 @p1 $0x1;
	p0 =	seq.s32 s7, s2  }
0x1e: {  	s7 =	smul.u32 @!p0 $0xF7A, s2;
	p2 =	seq.s32 @!p0 s5, $0x0  }
0x1f: {  	s9 =	smul.u32 $0xF7A, s1;
	s8 =	simm.s32 @!p0 $0x1BF5;
	p2 =	por !p2, p0  }
0x20: {  	[sflag:s8] =	ssyncset.s32 @!p0 $0xFFFFF086;
	s6 =	sadd.s32 @!p0 s3, s7;
	s7 =	simm.s32 @!p0 $0x108  }
0x21: {  	s3 =	sadd.s32 s3, s9;
	s6 =	sadd.s32 @!p0 $0x88, s6;
	s7 =	simm.s32 @p2 $0x1082  }
0x22: {  	[simem:s7], [sflag:s8] =	dma.local @!p0 [hbm:s6], $0xF7A  }
0x23: {  	s9 =	sor.u32 $0xD0000000, s2;
	s6 =	simm.s32 $0x108;
	_ =	swait.ge @!p0 [sflag:s8], $0x0  }
0x24: {  	s3 =	sadd.s32 $0x88, s3;
	s6 =	simm.s32 @!p1 $0x1082;
	[sflag:s4] =	ssyncset.s32 $0xFFFFF086  }
0x25: {  	[simem:s6], [sflag:s4] =	dma.local [hbm:s3], $0xF7A  }
0x26: {  	[smem:$0x3F98] =	sst s1;
	(tag) =	ssettag s2;
	_ =	strace s9  }
0x27: {  	s1 =	sld [smem:$0x3FA8]  }
0x28: {  	s2 =	sld [smem:$0x3FA9]  }
0x29: {  	s4 =	sld [smem:$0x3FAB]  }
0x2a: {  	p0 =	seq.s32 s5, $0x0;
	s5 =	sld [smem:$0x3FAC]  }
0x2b: {  	s6 =	sld [smem:$0x3FAD]  }
0x2c: {  	s7 =	sld [smem:$0x3FAE]  }
0x2d: {  	s3 =	simm.s32 $0x108;
	s8 =	sld [smem:$0x3FAF]  }
0x2e: {  	s3 =	simm.s32 @!p0 $0x1082;
	s9 =	sld [smem:$0x3FB0]  }
0x2f: {  	lr =	sadd.s32 s0, s3;
	s0 =	sld [smem:$0x3FA7]  }
0x30: {  	s3 =	sld [smem:$0x3FAA]  }
0x31: {  	[smem:$0x3FB3] =	sst s10  }
0x32: {  	s10 =	sld [smem:$0x3FB1];
	_ =	sdelay $0x3  }
0x33: {  	p0 =	seq.s32 s10, $0x1;
	s10 =	sld [smem:$0x3FB3];
	_ =	sdelay $0x3  }
0x34: {  	[smem:$0x3FB3] =	sst s10  }
0x35: {  	s10 =	sld [smem:$0x3FB2];
	_ =	sdelay $0x3  }
0x36: {  	p1 =	seq.s32 s10, $0x1;
	s10 =	sld [smem:$0x3FB3];
	_ =	sdelay $0x3  }
0x37: {  	[smem:$0x3FB3] =	sst s10  }
0x38: {  	s10 =	sld [smem:$0x3FB4]  }
0x39: {  	_ = 	snop;
	(pc) =	sbr.ind lr, $3  }
0x3a: {  	_ = 	snop  }
0x3b: {  	_ = 	snop  }
0x3c: {  	p2 =	seq.s32 s10, $0x1;
	s10 =	sld [smem:$0x3FB3]  }
0x3d: {  	_ =	shalt  }
0x3e: {  	_ =	shalt  }
0x3f: {  	_ =	shalt  }
0x40: {  	_ =	shalt  }
0x41: {  	_ =	shalt  }
0x42: {  	_ =	shalt  }
0x43: {  	_ =	shalt  }
0x44: {  	_ =	shalt  }
0x45: {  	_ =	shalt  }
0x46: {  	_ =	shalt  }
0x47: {  	_ =	shalt  }
0x48: {  	_ =	shalt  }
0x49: {  	_ =	shalt  }
0x4a: {  	_ =	shalt  }
0x4b: {  	_ =	shalt  }
0x4c: {  	_ =	shalt  }
0x4d: {  	_ =	shalt  }
0x4e: {  	_ =	shalt  }
0x4f: {  	_ =	shalt  }
0x50: {  	_ =	shalt  }
0x51: {  	_ =	shalt  }
0x52: {  	_ =	shalt  }
0x53: {  	_ =	shalt  }
0x54: {  	_ =	shalt  }
0x55: {  	_ =	shalt  }
0x56: {  	_ =	shalt  }
0x57: {  	_ =	shalt  }
0x58: {  	_ =	shalt  }
0x59: {  	_ =	shalt  }
0x5a: {  	_ =	shalt  }
0x5b: {  	_ =	shalt  }
0x5c: {  	_ =	shalt  }
0x5d: {  	_ =	shalt  }
0x5e: {  	_ =	shalt  }
0x5f: {  	_ =	shalt  }
0x60: {  	_ =	shalt  }
0x61: {  	_ =	shalt  }
0x62: {  	_ =	shalt  }
0x63: {  	_ =	shalt  }
0x64: {  	_ =	shalt  }
0x65: {  	_ =	shalt  }
0x66: {  	_ =	shalt  }
0x67: {  	_ =	shalt  }
0x68: {  	_ =	shalt  }
0x69: {  	_ =	shalt  }
0x6a: {  	_ =	shalt  }
0x6b: {  	_ =	shalt  }
0x6c: {  	_ =	shalt  }
0x6d: {  	_ =	shalt  }
0x6e: {  	_ =	shalt  }
0x6f: {  	_ =	shalt  }
0x70: {  	_ =	shalt  }
0x71: {  	_ =	shalt  }
0x72: {  	_ =	shalt  }
0x73: {  	_ =	shalt  }
0x74: {  	_ =	shalt  }
0x75: {  	_ =	shalt  }
0x76: {  	_ =	shalt  }
0x77: {  	_ =	shalt  }
0x78: {  	_ =	shalt  }
0x79: {  	_ =	shalt  }
0x7a: {  	_ =	shalt  }
0x7b: {  	_ =	shalt  }
0x7c: {  	_ =	shalt  }
0x7d: {  	_ =	shalt  }
0x7e: {  	_ =	shalt  }
0x7f: {  	_ =	shalt  }
0x80: {  	_ =	shalt  }
0x81: {  	_ =	shalt  }
0x82: {  	_ =	shalt  }
0x83: {  	_ =	shalt  }
0x84: {  	_ =	shalt  }
0x85: {  	_ =	shalt  }
0x86: {  	_ =	shalt  }
0x87: {  	_ =	shalt  }
.Lfunc_end0:
.L_simem_size_0:
called_computation_lowered:
.L_overlay_start_0:
0x88: {  	s2 =	sld [smem:$0x3FD9]  }
0x89: {  	s3 =	sld [smem:$0x3FFE];
	_ =	sdelay $0x1  }
0x8a: {  	s1 =	srdreg.scid  }
0x8b: {  	s0 =	sand.u32 $0x1, s1  }
0x8c: {  	s14 =	sshll.u32 s0, $0xA;
	s2 =	sadd.s32 s3, s2  }
0x8d: {  	s2 =	sadd.s32 s2, s14  }
0x8e: {  	[smem:$0x3FBF] =	sst s2  }
0x8f: {  	_ = 	snop  }
0x90: {  	s2 =	sld [smem:$0x3FD0];
	_ =	sdelay $0x2  }
0x91: {  	s4 =	simm.s32 $0xB;
	s5 =	simm.s32 $0x10;
	s15 =	sld [smem:$0x3FC7]  }
0x92: {  	[smem:s5], [sflag:s4] =	dma.local [hbm:s2], $0x1  }
0x93: {  	_ =	swait.eq [sflag:s4], $0x1  }
0x94: {  	[sflag:s4] =	ssyncset.done $0x0  }
0x95: {  	[sflag:s4] =	ssyncadd.s32 $0xFFFFFFFF  }
0x96: {  	s16 =	sld [smem:$0x10];
	(tm) =	ssettm $0x1  }
0x97: {  	s17 =	sld [smem:$0x3FFB];
	_ =	sdelay $0x3  }
0x98: {  	_ =	strace s17  }
0x99: {  	s4 =	sld [smem:$0x3FFC];
	_ =	sdelay $0x3  }
0x9a: {  	_ =	strace s4  }
0x9b: {  	s4 =	sld [smem:$0x3FFD];
	_ =	sdelay $0x3  }
0x9c: {  	_ =	strace s4  }
0x9d: {  	_ =	strace $0x8FFFFFFF  }
0x9e: {  	s18 =	sld [smem:$0x3FDB];
	_ =	sdelay $0x1  }
0x9f: {  	s19 =	simm.s32 $_scs_section_size  }
0xa0: {  	s6 =	simm.s32 $_size__tile_overlayer_lowered;
	s7 =	simm.s32 $_tile_overlayer_lowered  }
0xa1: {  	s22 =	simm.s32 $0x1BFF;
	s21 =	sshll.u32 s7, $0x1;
	s4 =	sadd.s32 s19, s18  }
0xa2: {  	s8 =	simm.s32 $0x0;
	s20 =	sshll.u32 s6, $0x1;
	s6 =	sadd.s32 s21, s4  }
0xa3: {  	[timem:s8], [sflag:s22] =	dma.local [hbm:s6], s20  }
0xa4: {  	_ =	swait.ge [sflag:s22], s20  }
0xa5: {  	s5 =	ssub.s32 $0x0, s20;
	[sflag:s22] =	ssyncset.done $0x0  }
0xa6: {  	[sflag:s22] =	ssyncadd.s32 s5;
	_ =	sdelay $0x1  }
0xa7: {  	s23 =	simm.s32 $0x1B8B  }
0xa8: {  	_ =	swait.ge [sflag:s23], $0x1  }
0xa9: {  	[sflag:s23] =	ssyncset.done $0x0  }
0xaa: {  	s25 =	simm.s32 $0x1B8E;
	s24 =	sld [smem:$0x3FFE];
	[sflag:s23] =	ssyncadd.s32 $0xFFFFFFFF  }
0xab: {  	s26 =	simm.s32 $execute0_lowered;
	[smem:$0x3FD2] =	sst s25  }
0xac: {  	s6 =	sshll.u32 s26, $0x1;
	_ =	strace $0x80000046;
	[dreg:$0x1] =	wrdreg $0xFFFFFFFF  }
0xad: {  	s28 =	simm.s32 $_size_execute0_lowered;
	s4 =	sadd.s32 s4, s6;
	[dreg:$0x0] =	wrdreg $0x0  }
0xae: {  	s6 =	sshll.u32 s28, $0x1;
	[dreg:$0x2] =	wrdreg s4  }
0xaf: {  	[dreg:$0x3] =	wrdreg s6  }
0xb0: {  	[dreg:$0x4] =	wrdreg $0xC0  }
0xb1: {  	_ =	task [dreg:s8], $0x5FFFF  }
0xb2: {  	[dreg:$0x1] =	wrdreg $0xFFFFFFFF  }
0xb3: {  	[dreg:$0x0] =	wrdreg $0x60  }
0xb4: {  	[dreg:$0x2] =	wrdreg s16  }
0xb5: {  	[dreg:$0x3] =	wrdreg s15  }
0xb6: {  	[dreg:$0x4] =	wrdreg s24  }
0xb7: {  	[dreg:$0x5] =	wrdreg $0x9  }
0xb8: {  	_ =	task.clear_ibuf [dreg:s8], $0x6FFFF;
	_ =	strace $0x90000046  }
0xb9: {  	s29 =	simm.s32 $0x9;
	_ =	strace $0x80000048  }
0xba: {  	_ =	swait.ge [sflag:s29], $0x1  }
0xbb: {  	[sflag:s29] =	ssyncadd.s32 $0xFFFFFFFF  }
0xbc: {  	_ =	strace $0x90000048  }
0xbd: {  	_ =	sfence  }
0xbe: {  	s30 =	sld [smem:$0x0];
	_ =	sdelay $0x2  }
0xbf: {  	s31 =	sshll.u32 s1, $0xD;
	s1 =	sshrl.u32 s1, $0x2  }
0xc0: {  	s3 =	sand.u32 $0x4000, s31;
	s1 =	sadd.s32 s1, s30  }
0xc1: {  	s0 =	sor.u32 s3, s0;
	s1 =	sshll.u32 s1, $0x11  }
0xc2: {  	s0 =	sor.u32 s1, s0  }
0xc3: {  	s0 =	sadd.s32 $0x8F2B, s0  }
0xc4: {  	[sflag:s0] =	ssyncadd.remote.s32 $0x1  }
0xc5: {  	_ =	sfence.sel $0xFFFF  }
0xc6: {  	[dreg:$0x0] =	wrdreg $0xFFFFFFFF;
	(pc) =	sbr.abs _section_cstart, $3  }
0xc7: {  	[dreg:$0x1] =	wrdreg $0xFFFFFFFF  }
0xc8: {  	_ =	task.clear_ibuf [dreg:s8], $0x2FFFF;
	_ =	strace $0x9FFFFFFF  }
0xc9: {  	(tm) =	ssettm $0x7FFFFFFF  }
tec
execute0_lowered:
.L_overlay_start_1:
0x0: {  	(tag) =	ssettag $0x1  }
0x1: {  	s1 =	rddreg [dreg:$0x0];
	s2 =	srdreg.scid  }
0x2: {  	s4 =	rddreg [dreg:$0x1];
	s0 =	stileid.u32;
	s17 =	sand.u32 $0x1, s2  }
0x3: {  	s18 =	rddreg [dreg:$0x2];
	s5 =	sshll.u32 s0, $0xA;
	s6 =	sshll.u32 s17, $0x9  }
0x4: {  	s3 =	simm.s32 $0x0;
	s2 =	rddreg [dreg:$0x3];
	s19 =	sor.u32 s6, s5  }
0x5: {  	[smem:$0x7FF] =	sst s3;
	s5 =	sshrl.u32 s19, $0x3  }
0x6: {  	_ =	strace $0x80000047;
	s5 =	sadd.s32 s4, s5;
	s4 =	simm.s32 $0x2  }
0x7: {  	[tilespmem:s3], [sflag:$0x2] =	stream.linear.gather [hbm4b:s5+s3], $0x80, $0x38;
	[tilespmem:$0x10200] =	vst v63  }
0x8: {  	_ =	swait.ge [sflag:s4], $0x80  }
0x9: {  	[sflag:s4] =	ssyncset.done $0x0  }
0xa: {  	s7 =	simm.s32 $0x80;
	s6 =	sadd.s32 $0x10, s5;
	[sflag:s4] =	ssyncadd.s32 $0xFFFFFF80  }
0xb: {  	[tilespmem:s7], [sflag:$0x2] =	stream.linear.gather [hbm4b:s6+s3], $0x80, $0x38;
	[tilespmem:$0x10200] =	vst v63  }
0xc: {  	_ =	swait.ge [sflag:s4], $0x80  }
0xd: {  	[sflag:s4] =	ssyncset.done $0x0  }
0xe: {  	s9 =	simm.s32 $0x100;
	s8 =	sadd.s32 $0x20, s5;
	[sflag:s4] =	ssyncadd.s32 $0xFFFFFF80  }
0xf: {  	[tilespmem:s9], [sflag:$0x2] =	stream.linear.gather [hbm4b:s8+s3], $0x80, $0x38;
	[tilespmem:$0x10200] =	vst v63  }
0x10: {  	_ =	swait.ge [sflag:s4], $0x80  }
0x11: {  	[sflag:s4] =	ssyncset.done $0x0  }
0x12: {  	s11 =	simm.s32 $0x180;
	s10 =	sadd.s32 $0x30, s5;
	[sflag:s4] =	ssyncadd.s32 $0xFFFFFF80  }
0x13: {  	[tilespmem:s11], [sflag:$0x2] =	stream.linear.gather [hbm4b:s10+s3], $0x80, $0x38;
	[tilespmem:$0x10200] =	vst v63  }
0x14: {  	_ =	swait.ge [sflag:s4], $0x80  }
0x15: {  	[sflag:s4] =	ssyncset.done $0x0  }
0x16: {  	s12 =	simm.s32 $0x200;
	[sflag:s4] =	ssyncadd.s32 $0xFFFFFF80  }
0x17: {  	[tilespmem:s12], [sflag:$0x1] =	stream.indirect.gather [hbm4b:s1+s7], $0x80, s3, s7, $0xb8;
	[tilespmem:$0x10200] =	vst v63  }
0x18: {  	s13 =	simm.s32 $0x4200  }
0x19: {  	[tilespmem:s13], [sflag:$0x1] =	stream.indirect.gather [hbm4b:s1+s7], $0x80, s7, s7, $0xb8;
	[tilespmem:$0x10200] =	vst v63  }
0x1a: {  	s14 =	simm.s32 $0x8200  }
0x1b: {  	[tilespmem:s14], [sflag:$0x1] =	stream.indirect.gather [hbm4b:s1+s7], $0x80, s9, s7, $0xb8;
	[tilespmem:$0x10200] =	vst v63  }
0x1c: {  	s15 =	simm.s32 $0xC200;
	s16 =	simm.s32 $0x1  }
0x1d: {  	[tilespmem:s15], [sflag:$0x1] =	stream.indirect.gather [hbm4b:s1+s7], $0x80, s11, s7, $0xb8;
	[tilespmem:$0x10200] =	vst v63  }
0x1e: {  	_ =	swait.ge [sflag:s16], $0x4000  }
0x1f: {  	[sflag:s16] =	ssyncset.done $0x0  }
0x20: {  	[sflag:s16] =	ssyncadd.s32 $0xFFFFC000  }
0x21: {  	_ =	swait.ge [sflag:s16], $0x4000  }
0x22: {  	[sflag:s16] =	ssyncset.done $0x0  }
0x23: {  	s17 =	ssub.s32 $0x2, s17;
	[sflag:s16] =	ssyncadd.s32 $0xFFFFC000  }
0x24: {  	s20 =	sshrl.u32 s17, $0x1;
	_ =	swait.ge [sflag:s16], $0x4000  }
0x25: {  	s30 =	ssub.s32 s17, s20;
	[sflag:s16] =	ssyncset.done $0x0  }
0x26: {  	s31 =	smax.u32 s30, $0x1;
	[sflag:s16] =	ssyncadd.s32 $0xFFFFC000  }
0x27: {  	s19 =	sshll.u32 s19, $0x4;
	p0 =	sne.s32 s31, $0x1;
	_ =	swait.ge [sflag:s16], $0x4000  }
.Ltmp0:
0x28: {  	s18 =	sadd.s32 s19, s18;
	[sflag:s16] =	ssyncset.done $0x0;
	(pc) =	sbr.rel @!p0 .LBB2_2-.Ltmp0, $4  }
0x29: {  	s17 =	sadd.s32 $0x1C00, s18;
	[sflag:s16] =	ssyncadd.s32 $0xFFFFC000  }
0x2a: {  	[hbm4b:s17+s3] =	stream.linear.scatter [tilespmem:s12], [sflag:$0x2], $0x10000, $0x38;
	[tilespmem:$0x10200] =	vst v63  }
0x2b: {  	_ =	swait.ge [sflag:s4], $0x10000  }
0x2c: {  	s18 =	sadd.s32 $0xFFFFFFFF, s31;
	[sflag:s4] =	ssyncset.done $0x0  }
.LBB2_1:
0x2d: {  	p0 =	sne.s32 s18, $0x1;
	s18 =	sadd.s32 $0xFFFFFFFF, s18;
	[sflag:s4] =	ssyncadd.s32 $0xFFFF0000  }
0x2e: {  	[tilespmem:s3], [sflag:$0x2] =	stream.linear.gather [hbm4b:s5+s3], $0x80, $0x38;
	[tilespmem:$0x10200] =	vst v63  }
0x2f: {  	_ =	swait.ge [sflag:s4], $0x80  }
0x30: {  	[sflag:s4] =	ssyncset.done $0x0  }
0x31: {  	[sflag:s4] =	ssyncadd.s32 $0xFFFFFF80  }
0x32: {  	[tilespmem:s7], [sflag:$0x2] =	stream.linear.gather [hbm4b:s6+s3], $0x80, $0x38;
	[tilespmem:$0x10200] =	vst v63  }
0x33: {  	_ =	swait.ge [sflag:s4], $0x80  }
0x34: {  	[sflag:s4] =	ssyncset.done $0x0  }
0x35: {  	[sflag:s4] =	ssyncadd.s32 $0xFFFFFF80  }
0x36: {  	[tilespmem:s9], [sflag:$0x2] =	stream.linear.gather [hbm4b:s8+s3], $0x80, $0x38;
	[tilespmem:$0x10200] =	vst v63  }
0x37: {  	_ =	swait.ge [sflag:s4], $0x80  }
0x38: {  	[sflag:s4] =	ssyncset.done $0x0  }
0x39: {  	[sflag:s4] =	ssyncadd.s32 $0xFFFFFF80  }
0x3a: {  	[tilespmem:s11], [sflag:$0x2] =	stream.linear.gather [hbm4b:s10+s3], $0x80, $0x38;
	[tilespmem:$0x10200] =	vst v63  }
0x3b: {  	_ =	swait.ge [sflag:s4], $0x80  }
0x3c: {  	[sflag:s4] =	ssyncset.done $0x0  }
0x3d: {  	[sflag:s4] =	ssyncadd.s32 $0xFFFFFF80  }
0x3e: {  	[tilespmem:s12], [sflag:$0x1] =	stream.indirect.gather [hbm4b:s1+s7], $0x80, s3, s7, $0xb8;
	[tilespmem:$0x10200] =	vst v63  }
0x3f: {  	_ = 	snop  }
0x40: {  	[tilespmem:s13], [sflag:$0x1] =	stream.indirect.gather [hbm4b:s1+s7], $0x80, s7, s7, $0xb8;
	[tilespmem:$0x10200] =	vst v63  }
0x41: {  	_ = 	snop  }
0x42: {  	[tilespmem:s14], [sflag:$0x1] =	stream.indirect.gather [hbm4b:s1+s7], $0x80, s9, s7, $0xb8;
	[tilespmem:$0x10200] =	vst v63  }
0x43: {  	_ = 	snop  }
0x44: {  	[tilespmem:s15], [sflag:$0x1] =	stream.indirect.gather [hbm4b:s1+s7], $0x80, s11, s7, $0xb8;
	[tilespmem:$0x10200] =	vst v63  }
0x45: {  	_ =	swait.ge [sflag:s16], $0x4000  }
0x46: {  	[sflag:s16] =	ssyncset.done $0x0  }
0x47: {  	[sflag:s16] =	ssyncadd.s32 $0xFFFFC000  }
0x48: {  	_ =	swait.ge [sflag:s16], $0x4000  }
0x49: {  	[sflag:s16] =	ssyncset.done $0x0  }
0x4a: {  	[sflag:s16] =	ssyncadd.s32 $0xFFFFC000  }
0x4b: {  	_ =	swait.ge [sflag:s16], $0x4000  }
0x4c: {  	[sflag:s16] =	ssyncset.done $0x0  }
0x4d: {  	[sflag:s16] =	ssyncadd.s32 $0xFFFFC000  }
0x4e: {  	_ =	swait.ge [sflag:s16], $0x4000  }
.Ltmp1:
0x4f: {  	[sflag:s16] =	ssyncset.done $0x0;
	(pc) =	sbr.rel @p0 .LBB2_1-.Ltmp1, $4  }
0x50: {  	[sflag:s16] =	ssyncadd.s32 $0xFFFFC000  }
0x51: {  	[hbm4b:s17+s3] =	stream.linear.scatter [tilespmem:s12], [sflag:$0x2], $0x10000, $0x38;
	[tilespmem:$0x10200] =	vst v63  }
0x52: {  	_ =	swait.ge [sflag:s4], $0x10000  }
0x53: {  	[sflag:s4] =	ssyncset.done $0x0  }
.LBB2_2:
0x54: {  	[sflag:s4] =	ssyncadd.s32 $0xFFFF0000  }
0x55: {  	_ =	sfence.sel $0x180000  }
0x56: {  	[bflag:$0x0] =	sbarrier.arrive $0xFFFF  }
0x57: {  	p0 =	sne.s32 s0, $0x0;
	_ =	strace $0x90000047  }
0x58: {  	s0 =	sadd.s32 @!p0 $0x100000, s2;
	[bflag:$0x2] =	sbarrier.arrive $0xFFFF  }
0x59: {  	[sflag:s0] =	ssyncadd.tile.s32 @!p0 $0x1;
	_ =	shalt  }
.Lfunc_end2:
_tile_overlayer_lowered:
.L_overlay_start_2:
0x5a: {  	(tag) =	ssettag $0x2  }
0x5b: {  	s0 =	rddreg [dreg:$0x0];
	s2 =	stileid.u32  }
0x5c: {  	s1 =	rddreg [dreg:$0x1];
	p0 =	sne.s32 s2, $0x0  }
0x5d: {  	s3 =	rddreg [dreg:$0x2];
	[bflag:$0x3] =	sbarrier.arrive $0xFFFF;
	s2 =	simm.s32 @!p0 $0x1C02  }
0x5e: {  	[timem:s3], [sflag:s2] =	dma.local @!p0 [hbm:s0], s1  }
0x5f: {  	s0 =	simm.s32 @!p0 $0x2  }
0x60: {  	_ =	swait.ge @!p0 [sflag:s0], s1  }
0x61: {  	s1 =	ssub.s32 @!p0 $0x0, s1;
	[sflag:s0] =	ssyncset.done @!p0 $0x0  }
0x62: {  	[sflag:s0] =	ssyncadd.s32 @!p0 s1  }
0x63: {  	[bflag:$0x3] =	sbarrier.arrive $0xFFFF  }
0x64: {  	_ =	shalt  }

// kernel: sc_move_rows.3.cloned.1.call-start
scs
__scs_entry_jumppad:
0x0: {  	(pc) =	sbr.rel $0x88, $3  }
0x1: {  	(tag) =	ssettag $0x0;
	lr =	simm.s32 $0x1  }
0x2: {  	[smem:$0x3F98] =	sst lr;
	_ =	strace $0xD0000000  }
0x3: {  	_ = 	snop  }
0x4: {  	_ = 	snop  }
0x5: {  	_ = 	snop  }
0x6: {  	_ = 	snop  }
0x7: {  	_ = 	snop  }
__scs_overlays_trampoline_lowered:
0x8: {  	[smem:$0x3FA7] =	sst s0  }
0x9: {  	[smem:$0x3FA8] =	sst s1  }
0xa: {  	[smem:$0x3FA9] =	sst s2  }
0xb: {  	[smem:$0x3FAA] =	sst s3  }
0xc: {  	[smem:$0x3FAB] =	sst s4  }
0xd: {  	[smem:$0x3FAC] =	sst s5  }
0xe: {  	[smem:$0x3FAD] =	sst s6  }
0xf: {  	[smem:$0x3FAE] =	sst s7  }
0x10: {  	[smem:$0x3FAF] =	sst s8  }
0x11: {  	[smem:$0x3FB0] =	sst s9;
	s0 =	simm.s32 @!p0 $0x0  }
0x12: {  	s1 =	sld [smem:$0x3F96];
	s0 =	simm.s32 @p0 $0x1  }
0x13: {  	[smem:$0x3FB1] =	sst s0;
	s0 =	simm.s32 @!p1 $0x0  }
0x14: {  	s2 =	sld [smem:$0x3F95];
	s0 =	simm.s32 @p1 $0x1  }
0x15: {  	[smem:$0x3FB2] =	sst s0;
	s0 =	simm.s32 @!p2 $0x0  }
0x16: {  	s3 =	sld [smem:$0x3FDB];
	s0 =	simm.s32 @p2 $0x1  }
0x17: {  	s4 =	simm.s32 $0x1BF5;
	[smem:$0x3FB4] =	sst s0  }
0x18: {  	s0 =	sld [smem:$0x3F97];
	_ =	swait.ge [sflag:s4], $0x0  }
0x19: {  	s7 =	sld [smem:$0x3F98]  }
0x1a: {  	s8 =	sadd.s32 $0xFFFFE003, lr  }
0x1b: {  	s9 =	sadd.s32 $0xFFFFFEF7, lr;
	s5 =	simm.s32 $0xFFFFFFFF;
	p2 =	slt.u32 s8, $0xFFFFF086  }
0x1c: {  	p1 =	slt.u32 s9, $0xF7A;
	s5 =	simm.s32 @!p2 $0x0  }
0x1d: {  	s5 =	simm.s32 @p1 $0x1;
	p0 =	seq.s32 s7, s2  }
0x1e: {  	s7 =	smul.u32 @!p0 $0xF7A, s2;
	p2 =	seq.s32 @!p0 s5, $0x0  }
0x1f: {  	s9 =	smul.u32 $0xF7A, s1;
	s8 =	simm.s32 @!p0 $0x1BF5;
	p2 =	por !p2, p0  }
0x20: {  	[sflag:s8] =	ssyncset.s32 @!p0 $0xFFFFF086;
	s6 =	sadd.s32 @!p0 s3, s7;
	s7 =	simm.s32 @!p0 $0x108  }
0x21: {  	s3 =	sadd.s32 s3, s9;
	s6 =	sadd.s32 @!p0 $0x88, s6;
	s7 =	simm.s32 @p2 $0x1082  }
0x22: {  	[simem:s7], [sflag:s8] =	dma.local @!p0 [hbm:s6], $0xF7A  }
0x23: {  	s9 =	sor.u32 $0xD0000000, s2;
	s6 =	simm.s32 $0x108;
	_ =	swait.ge @!p0 [sflag:s8], $0x0  }
0x24: {  	s3 =	sadd.s32 $0x88, s3;
	s6 =	simm.s32 @!p1 $0x1082;
	[sflag:s4] =	ssyncset.s32 $0xFFFFF086  }
0x25: {  	[simem:s6], [sflag:s4] =	dma.local [hbm:s3], $0xF7A  }
0x26: {  	[smem:$0x3F98] =	sst s1;
	(tag) =	ssettag s2;
	_ =	strace s9  }
0x27: {  	s1 =	sld [smem:$0x3FA8]  }
0x28: {  	s2 =	sld [smem:$0x3FA9]  }
0x29: {  	s4 =	sld [smem:$0x3FAB]  }
0x2a: {  	p0 =	seq.s32 s5, $0x0;
	s5 =	sld [smem:$0x3FAC]  }
0x2b: {  	s6 =	sld [smem:$0x3FAD]  }
0x2c: {  	s7 =	sld [smem:$0x3FAE]  }
0x2d: {  	s3 =	simm.s32 $0x108;
	s8 =	sld [smem:$0x3FAF]  }
0x2e: {  	s3 =	simm.s32 @!p0 $0x1082;
	s9 =	sld [smem:$0x3FB0]  }
0x2f: {  	lr =	sadd.s32 s0, s3;
	s0 =	sld [smem:$0x3FA7]  }
0x30: {  	s3 =	sld [smem:$0x3FAA]  }
0x31: {  	[smem:$0x3FB3] =	sst s10  }
0x32: {  	s10 =	sld [smem:$0x3FB1];
	_ =	sdelay $0x3  }
0x33: {  	p0 =	seq.s32 s10, $0x1;
	s10 =	sld [smem:$0x3FB3];
	_ =	sdelay $0x3  }
0x34: {  	[smem:$0x3FB3] =	sst s10  }
0x35: {  	s10 =	sld [smem:$0x3FB2];
	_ =	sdelay $0x3  }
0x36: {  	p1 =	seq.s32 s10, $0x1;
	s10 =	sld [smem:$0x3FB3];
	_ =	sdelay $0x3  }
0x37: {  	[smem:$0x3FB3] =	sst s10  }
0x38: {  	s10 =	sld [smem:$0x3FB4]  }
0x39: {  	_ = 	snop;
	(pc) =	sbr.ind lr, $3  }
0x3a: {  	_ = 	snop  }
0x3b: {  	_ = 	snop  }
0x3c: {  	p2 =	seq.s32 s10, $0x1;
	s10 =	sld [smem:$0x3FB3]  }
0x3d: {  	_ =	shalt  }
0x3e: {  	_ =	shalt  }
0x3f: {  	_ =	shalt  }
0x40: {  	_ =	shalt  }
0x41: {  	_ =	shalt  }
0x42: {  	_ =	shalt  }
0x43: {  	_ =	shalt  }
0x44: {  	_ =	shalt  }
0x45: {  	_ =	shalt  }
0x46: {  	_ =	shalt  }
0x47: {  	_ =	shalt  }
0x48: {  	_ =	shalt  }
0x49: {  	_ =	shalt  }
0x4a: {  	_ =	shalt  }
0x4b: {  	_ =	shalt  }
0x4c: {  	_ =	shalt  }
0x4d: {  	_ =	shalt  }
0x4e: {  	_ =	shalt  }
0x4f: {  	_ =	shalt  }
0x50: {  	_ =	shalt  }
0x51: {  	_ =	shalt  }
0x52: {  	_ =	shalt  }
0x53: {  	_ =	shalt  }
0x54: {  	_ =	shalt  }
0x55: {  	_ =	shalt  }
0x56: {  	_ =	shalt  }
0x57: {  	_ =	shalt  }
0x58: {  	_ =	shalt  }
0x59: {  	_ =	shalt  }
0x5a: {  	_ =	shalt  }
0x5b: {  	_ =	shalt  }
0x5c: {  	_ =	shalt  }
0x5d: {  	_ =	shalt  }
0x5e: {  	_ =	shalt  }
0x5f: {  	_ =	shalt  }
0x60: {  	_ =	shalt  }
0x61: {  	_ =	shalt  }
0x62: {  	_ =	shalt  }
0x63: {  	_ =	shalt  }
0x64: {  	_ =	shalt  }
0x65: {  	_ =	shalt  }
0x66: {  	_ =	shalt  }
0x67: {  	_ =	shalt  }
0x68: {  	_ =	shalt  }
0x69: {  	_ =	shalt  }
0x6a: {  	_ =	shalt  }
0x6b: {  	_ =	shalt  }
0x6c: {  	_ =	shalt  }
0x6d: {  	_ =	shalt  }
0x6e: {  	_ =	shalt  }
0x6f: {  	_ =	shalt  }
0x70: {  	_ =	shalt  }
0x71: {  	_ =	shalt  }
0x72: {  	_ =	shalt  }
0x73: {  	_ =	shalt  }
0x74: {  	_ =	shalt  }
0x75: {  	_ =	shalt  }
0x76: {  	_ =	shalt  }
0x77: {  	_ =	shalt  }
0x78: {  	_ =	shalt  }
0x79: {  	_ =	shalt  }
0x7a: {  	_ =	shalt  }
0x7b: {  	_ =	shalt  }
0x7c: {  	_ =	shalt  }
0x7d: {  	_ =	shalt  }
0x7e: {  	_ =	shalt  }
0x7f: {  	_ =	shalt  }
0x80: {  	_ =	shalt  }
0x81: {  	_ =	shalt  }
0x82: {  	_ =	shalt  }
0x83: {  	_ =	shalt  }
0x84: {  	_ =	shalt  }
0x85: {  	_ =	shalt  }
0x86: {  	_ =	shalt  }
0x87: {  	_ =	shalt  }
.Lfunc_end0:
.L_simem_size_0:
called_computation.2_lowered:
.L_overlay_start_0:
0x88: {  	s2 =	sld [smem:$0x3FD9]  }
0x89: {  	s3 =	sld [smem:$0x3FFE];
	_ =	sdelay $0x1  }
0x8a: {  	s1 =	srdreg.scid  }
0x8b: {  	s0 =	sand.u32 $0x1, s1  }
0x8c: {  	s14 =	sshll.u32 s0, $0xA;
	s2 =	sadd.s32 s3, s2  }
0x8d: {  	s2 =	sadd.s32 s2, s14  }
0x8e: {  	[smem:$0x3FBF] =	sst s2  }
0x8f: {  	_ = 	snop  }
0x90: {  	s2 =	sld [smem:$0x3FD0];
	_ =	sdelay $0x2  }
0x91: {  	s15 =	simm.s32 $0xB;
	s4 =	simm.s32 $0x10  }
0x92: {  	[smem:s4], [sflag:s15] =	dma.local [hbm:s2], $0x1  }
0x93: {  	_ =	swait.eq [sflag:s15], $0x1  }
0x94: {  	[sflag:s15] =	ssyncset.done $0x0  }
0x95: {  	[sflag:s15] =	ssyncadd.s32 $0xFFFFFFFF  }
0x96: {  	s16 =	sld [smem:$0x10];
	(tm) =	ssettm $0x1  }
0x97: {  	s17 =	sld [smem:$0x3FFB];
	_ =	sdelay $0x3  }
0x98: {  	_ =	strace s17  }
0x99: {  	s3 =	sld [smem:$0x3FFC];
	_ =	sdelay $0x3  }
0x9a: {  	_ =	strace s3  }
0x9b: {  	s3 =	sld [smem:$0x3FFD];
	_ =	sdelay $0x3  }
0x9c: {  	_ =	strace s3  }
0x9d: {  	_ =	strace $0x8FFFFFFF  }
0x9e: {  	s18 =	sld [smem:$0x3FDB];
	_ =	sdelay $0x1  }
0x9f: {  	s19 =	simm.s32 $_scs_section_size  }
0xa0: {  	s5 =	simm.s32 $_size__tile_overlayer_lowered;
	s6 =	simm.s32 $_tile_overlayer_lowered  }
0xa1: {  	s22 =	simm.s32 $0x1BFF;
	s21 =	sshll.u32 s6, $0x1;
	s3 =	sadd.s32 s19, s18  }
0xa2: {  	s7 =	simm.s32 $0x0;
	s20 =	sshll.u32 s5, $0x1;
	s5 =	sadd.s32 s21, s3  }
0xa3: {  	[timem:s7], [sflag:s22] =	dma.local [hbm:s5], s20  }
0xa4: {  	_ =	swait.ge [sflag:s22], s20  }
0xa5: {  	s4 =	ssub.s32 $0x0, s20;
	[sflag:s22] =	ssyncset.done $0x0  }
0xa6: {  	[sflag:s22] =	ssyncadd.s32 s4;
	_ =	sdelay $0x1  }
0xa7: {  	s23 =	simm.s32 $0x1B8B  }
0xa8: {  	_ =	swait.ge [sflag:s23], $0x1  }
0xa9: {  	[sflag:s23] =	ssyncset.done $0x0  }
0xaa: {  	s25 =	simm.s32 $0x1B8E;
	s24 =	sld [smem:$0x3FFE];
	[sflag:s23] =	ssyncadd.s32 $0xFFFFFFFF  }
0xab: {  	s26 =	simm.s32 $execute0_lowered;
	[smem:$0x3FD2] =	sst s25  }
0xac: {  	s5 =	sshll.u32 s26, $0x1;
	_ =	strace $0x8000004C;
	[dreg:$0x1] =	wrdreg $0xFFFFFFFF  }
0xad: {  	s28 =	simm.s32 $_size_execute0_lowered;
	s3 =	sadd.s32 s3, s5;
	[dreg:$0x0] =	wrdreg $0x0  }
0xae: {  	s5 =	sshll.u32 s28, $0x1;
	[dreg:$0x2] =	wrdreg s3  }
0xaf: {  	[dreg:$0x3] =	wrdreg s5  }
0xb0: {  	[dreg:$0x4] =	wrdreg $0xC0  }
0xb1: {  	_ =	task [dreg:s7], $0x5FFFF  }
0xb2: {  	[dreg:$0x1] =	wrdreg $0xFFFFFFFF  }
0xb3: {  	[dreg:$0x0] =	wrdreg $0x60  }
0xb4: {  	[dreg:$0x2] =	wrdreg s24  }
0xb5: {  	[dreg:$0x3] =	wrdreg s16  }
0xb6: {  	[dreg:$0x4] =	wrdreg $0x9  }
0xb7: {  	_ =	task.clear_ibuf [dreg:s7], $0x5FFFF;
	_ =	strace $0x9000004C  }
0xb8: {  	s29 =	simm.s32 $0x9;
	_ =	strace $0x8000004E  }
0xb9: {  	_ =	swait.ge [sflag:s29], $0x1  }
0xba: {  	[sflag:s29] =	ssyncadd.s32 $0xFFFFFFFF  }
0xbb: {  	_ =	strace $0x9000004E  }
0xbc: {  	_ =	sfence  }
0xbd: {  	s30 =	sld [smem:$0x0];
	_ =	sdelay $0x2  }
0xbe: {  	s31 =	sshll.u32 s1, $0xD;
	s1 =	sshrl.u32 s1, $0x2  }
0xbf: {  	s3 =	sand.u32 $0x4000, s31;
	s1 =	sadd.s32 s1, s30  }
0xc0: {  	s0 =	sor.u32 s3, s0;
	s1 =	sshll.u32 s1, $0x11  }
0xc1: {  	s0 =	sor.u32 s1, s0  }
0xc2: {  	s0 =	sadd.s32 $0x8F2B, s0  }
0xc3: {  	[sflag:s0] =	ssyncadd.remote.s32 $0x1  }
0xc4: {  	_ =	sfence.sel $0xFFFF  }
0xc5: {  	[dreg:$0x0] =	wrdreg $0xFFFFFFFF;
	(pc) =	sbr.abs _section_cstart, $3  }
0xc6: {  	[dreg:$0x1] =	wrdreg $0xFFFFFFFF  }
0xc7: {  	_ =	task.clear_ibuf [dreg:s7], $0x2FFFF;
	_ =	strace $0x9FFFFFFF  }
0xc8: {  	(tm) =	ssettm $0x7FFFFFFF  }
0xc9: {  	_ =	shalt  }
tec
execute0_lowered:
.L_overlay_start_1:
0x0: {  	(tag) =	ssettag $0x1  }
0x1: {  	s5 =	rddreg [dreg:$0x0]  }
0x2: {  	s2 =	rddreg [dreg:$0x1]  }
0x3: {  	s0 =	rddreg [dreg:$0x2];
	s3 =	simm.s32 $0x0  }
0x4: {  	s4 =	srdreg.scid;
	s1 =	stileid.u32;
	s10 =	simm.s32 $0x1000  }
0x5: {  	s11 =	simm.s32 $0x2000;
	s12 =	simm.s32 $0x1;
	s13 =	simm.s32 $0x80  }
0x6: {  	s14 =	simm.s32 $0x2080;
	s15 =	simm.s32 $0x3;
	s16 =	simm.s32 $0x6080  }
0x7: {  	s17 =	simm.s32 $0x4;
	s18 =	simm.s32 $0x0;
	[smem:$0x7FF] =	sst s3  }
0x8: {  	s6 =	sand.u32 $0x1, s4;
	s7 =	sshll.u32 s1, $0x1;
	s4 =	sadd.s32 $0x1C00, s5  }
.Ltmp0:
0x9: {  	_ =	strace $0x8000004D;
	s7 =	sor.u32 s6, s7;
	(pc) =	sbr.rel .LBB2_1-.Ltmp0, $4  }
0xa: {  	s6 =	ssub.s32 $0x2, s6;
	s8 =	sshll.u32 s7, $0x9;
	s7 =	sshll.u32 s7, $0x1  }
0xb: {  	s31 =	sshrl.u32 s6, $0x1;
	s8 =	sadd.s32 s8, s5;
	s7 =	sadd.s32 s7, s5  }
0xc: {  	s9 =	ssub.s32 s6, s31;
	s5 =	sadd.s32 $0x41C00, s8;
	s6 =	sadd.s32 $0x45C00, s8  }
0xd: {  	s7 =	sadd.s32 $0x49C00, s7;
	s8 =	smax.u32 s9, $0x1;
	s9 =	simm.s32 $0x5  }
.LBB2_8:
0xe: {  	_ =	swait.ge [sflag:s17], $0x4000  }
0xf: {  	[sflag:s17] =	ssyncset.done $0x0  }
0x10: {  	s19 =	simm.s32 $0x3;
	[sflag:s17] =	ssyncadd.s32 $0xFFFFC000  }
.LBB2_9:
0x11: {  	_ =	swait.ge [sflag:s19], $0x4000  }
0x12: {  	[sflag:s19] =	ssyncset.done $0x0  }
0x13: {  	[sflag:s19] =	ssyncadd.s32 $0xFFFFC000  }
.LBB2_10:
0x14: {  	s18 =	sadd.s32 $0x1, s18  }
0x15: {  	p0 =	sne.s32 s18, s8  }
.Ltmp1:
0x16: {  	_ = 	snop;
	(pc) =	sbr.rel @!p0 .LBB2_11-.Ltmp1, $1  }
0x17: {  	_ =	sdelay $0x3  }
.LBB2_1:
0x18: {  	[tilespmem:s3], [sflag:$0x5] =	stream.linear.gather [hbm4b:s5+s3], $0x1000, $0x38;
	[tilespmem:$0xA080] =	vst v63  }
0x19: {  	_ =	swait.ge [sflag:s9], $0x1000  }
0x1a: {  	[sflag:s9] =	ssyncset.done $0x0  }
0x1b: {  	[sflag:s9] =	ssyncadd.s32 $0xFFFFF000  }
0x1c: {  	[tilespmem:s10], [sflag:$0x5] =	stream.linear.gather [hbm4b:s6+s3], $0x1000, $0x38;
	[tilespmem:$0xA080] =	vst v63  }
0x1d: {  	_ =	swait.ge [sflag:s9], $0x1000  }
0x1e: {  	[sflag:s9] =	ssyncset.done $0x0  }
0x1f: {  	[sflag:s9] =	ssyncadd.s32 $0xFFFFF000  }
0x20: {  	[tilespmem:s11], [sflag:$0x5] =	stream.linear.gather [hbm4b:s7+s3], $0x10, $0x38;
	[tilespmem:$0xA080] =	vst v63  }
0x21: {  	_ =	swait.ge [sflag:s9], $0x10  }
0x22: {  	[sflag:s9] =	ssyncset.done $0x0  }
0x23: {  	[sflag:s9] =	ssyncadd.s32 $0xFFFFFFF0  }
0x24: {  	v0 =	vld [tilespmem:$0x2000];
	_ =	sdelay $0x4  }
0x25: {  	(v2sf) =	vpush v0, $0x0;
	_ =	sdelay $0xe  }
0x26: {  	s19 =	spop (v2sf)  }
0x27: {  	s19 =	sadd.s32 $0x7F, s19  }
0x28: {  	s20 =	sand.u32 $0x7F, s19  }
0x29: {  	s31 =	sshra.s32 s19, $0x1F;
	p1 =	slt.s32 s19, $0x1;
	p0 =	sne.s32 s20, $0x0  }
0x2a: {  	s20 =	sshrl.u32 s31, $0x19;
	p0 =	por !p1, !p0  }
0x2b: {  	s19 =	sadd.s32 s20, s19;
	s20 =	simm.s32 $0x1;
	p0 =	por !p0, !p0  }
0x2c: {  	s19 =	sshra.s32 s19, $0x7;
	s20 =	simm.s32 @!p0 $0x0  }
0x2d: {  	s19 =	ssub.s32 s19, s20  }
0x2e: {  	p0 =	slt.s32 s19, $0x1  }
.Ltmp2:
0x2f: {  	_ = 	snop;
	(pc) =	sbr.rel @p0 .LBB2_10-.Ltmp2, $1  }
0x30: {  	_ =	sdelay $0x3  }
0x31: {  	p0 =	sne.s32 s19, $0x1  }
.Ltmp3:
0x32: {  	_ = 	snop;
	(pc) =	sbr.rel @p0 .LBB2_4-.Ltmp3, $4  }
0x33: {  	[tilespmem:s14], [sflag:$0x1] =	stream.indirect.gather [hbm4b:s4+s13], $0x80, s3, s13, $0xb8;
	[tilespmem:$0xA080] =	vst v63  }
0x34: {  	_ =	swait.ge [sflag:s12], $0x4000  }
0x35: {  	[sflag:s12] =	ssyncset.done $0x0  }
0x36: {  	[sflag:s12] =	ssyncadd.s32 $0xFFFFC000  }
.Ltmp4:
0x37: {  	(pc) =	sbr.rel .LBB2_7-.Ltmp4, $2  }
0x38: {  	_ =	sdelay $0x2  }
0x39: {  	[hbm4b:s2+s13] =	stream.indirect.scatter [tilespmem:s14], [sflag:$0x3], $0x80, s10, s13, $0xb8;
	[tilespmem:$0xA080] =	vst v63  }
.LBB2_4:
0x3a: {  	[tilespmem:s16], [sflag:$0x2] =	stream.indirect.gather [hbm4b:s4+s13], $0x80, s13, s13, $0xb8;
	[tilespmem:$0xA080] =	vst v63  }
0x3b: {  	s20 =	simm.s32 $0x1  }
0x3c: {  	[hbm4b:s2+s13] =	stream.indirect.scatter [tilespmem:s14], [sflag:$0x3], $0x80, s10, s13, $0xb8;
	[tilespmem:$0xA080] =	vst v63  }
.LBB2_5:
0x3d: {  	s21 =	sand.u32 $0x1, s20  }
0x3e: {  	p0 =	seq.s32 s21, $0x1  }
0x3f: {  	s21 =	simm.s32 @p0 $0x2;
	s22 =	sadd.s32 @p0 $0x1, s20  }
0x40: {  	_ =	swait.ge @p0 [sflag:s21], $0x4000;
	p1 =	sge.s32 @p0 s22, s19  }
0x41: {  	[sflag:s21] =	ssyncset.done @p0 $0x0;
	p1 =	por p1, !p0  }
0x42: {  	[sflag:s21] =	ssyncadd.s32 @p0 $0xFFFFC000;
	s21 =	simm.s32 @!p1 $0x3  }
0x43: {  	_ =	swait.ge @!p1 [sflag:s21], $0x4000  }
0x44: {  	[sflag:s21] =	ssyncset.done @!p1 $0x0  }
0x45: {  	[sflag:s21] =	ssyncadd.s32 @!p1 $0xFFFFC000;
	s21 =	sshll.u32 @!p1 s22, $0x9  }
0x46: {  	s23 =	simm.s32 @!p1 $0x80;
	s24 =	simm.s32 @!p1 $0x2080;
	s21 =	sshra.s32 @!p1 s21, $0x2  }
0x47: {  	[tilespmem:s24], [sflag:$0x1] =	stream.indirect.gather @!p1 [hbm4b:s4+s23], $0x80, s21, s23, $0xb8;
	[tilespmem:$0xA080] =	vst v63  }
0x48: {  	s21 =	sshll.u32 @p0 s20, $0x9  }
0x49: {  	s21 =	sshra.s32 @p0 s21, $0x2  }
0x4a: {  	s23 =	simm.s32 @p0 $0x80;
	s24 =	simm.s32 @p0 $0x6080;
	s21 =	sadd.s32 @p0 $0x1000, s21  }
0x4b: {  	[hbm4b:s2+s23] =	stream.indirect.scatter @p0 [tilespmem:s24], [sflag:$0x4], $0x80, s21, s23, $0xb8;
	[tilespmem:$0xA080] =	vst v63  }
0x4c: {  	s21 =	simm.s32 @!p0 $0x1;
	s23 =	sor.u32 @!p0 $0x1, s20  }
0x4d: {  	_ =	swait.ge @!p0 [sflag:s21], $0x4000;
	p1 =	sge.s32 @!p0 s23, s19  }
0x4e: {  	[sflag:s21] =	ssyncset.done @!p0 $0x0;
	p1 =	por p1, p0  }
0x4f: {  	[sflag:s21] =	ssyncadd.s32 @!p0 $0xFFFFC000;
	s21 =	simm.s32 @!p1 $0x4  }
0x50: {  	s20 =	sshll.u32 @!p0 s20, $0x9;
	_ =	swait.ge @!p1 [sflag:s21], $0x4000  }
0x51: {  	s20 =	sshra.s32 @!p0 s20, $0x2;
	[sflag:s21] =	ssyncset.done @!p1 $0x0  }
0x52: {  	s20 =	sadd.s32 @!p0 $0x1000, s20;
	[sflag:s21] =	ssyncadd.s32 @!p1 $0xFFFFC000;
	s21 =	sshll.u32 @!p1 s23, $0x9  }
0x53: {  	s24 =	simm.s32 @!p1 $0x80;
	s25 =	simm.s32 @!p1 $0x6080;
	s21 =	sshra.s32 @!p1 s21, $0x2  }
0x54: {  	[tilespmem:s25], [sflag:$0x2] =	stream.indirect.gather @!p1 [hbm4b:s4+s24], $0x80, s21, s24, $0xb8;
	[tilespmem:$0xA080] =	vst v63  }
0x55: {  	s23 =	smov.u32 @p0 s22;
	s21 =	simm.s32 @!p0 $0x80;
	s24 =	simm.s32 @!p0 $0x2080  }
0x56: {  	[hbm4b:s2+s21] =	stream.indirect.scatter @!p0 [tilespmem:s24], [sflag:$0x3], $0x80, s20, s21, $0xb8;
	[tilespmem:$0xA080] =	vst v63  }
0x57: {  	p0 =	sne.s32 s23, s19  }
.Ltmp5:
0x58: {  	_ = 	snop;
	(pc) =	sbr.rel @p0 .LBB2_5-.Ltmp5, $2  }
0x59: {  	_ =	sdelay $0x2  }
0x5a: {  	s20 =	smov.u32 s23  }
0x5b: {  	s20 =	sand.u32 $0x1, s19  }
0x5c: {  	p0 =	seq.s32 s20, $0x0  }
.Ltmp6:
0x5d: {  	_ = 	snop;
	(pc) =	sbr.rel @p0 .LBB2_8-.Ltmp6, $1  }
0x5e: {  	_ =	sdelay $0x3  }
.LBB2_7:
0x5f: {  	p0 =	seq.s32 s19, $0x1  }
.Ltmp7:
0x60: {  	_ = 	snop;
	(pc) =	sbr.rel @p0 .LBB2_10-.Ltmp7, $4  }
.Ltmp8:
0x61: {  	_ = 	snop;
	(pc) =	sbr.rel @!p0 .LBB2_9-.Ltmp8, $4  }
0x62: {  	_ =	swait.ge [sflag:s15], $0x4000  }
0x63: {  	[sflag:s15] =	ssyncset.done $0x0  }
0x64: {  	s19 =	simm.s32 $0x4;
	[sflag:s15] =	ssyncadd.s32 $0xFFFFC000  }
0x65: {  	_ = 	snop  }
.LBB2_11:
0x66: {  	_ =	sfence.sel $0x180000  }
0x67: {  	[bflag:$0x0] =	sbarrier.arrive $0xFFFF  }
0x68: {  	p0 =	sne.s32 s1, $0x0;
	_ =	strace $0x9000004D  }
0x69: {  	s0 =	sadd.s32 @!p0 $0x100000, s0;
	[bflag:$0x2] =	sbarrier.arrive $0xFFFF  }
0x6a: {  	[sflag:s0] =	ssyncadd.tile.s32 @!p0 $0x1;
	_ =	shalt  }
.Lfunc_end2:
_tile_overlayer_lowered:
.L_overlay_start_2:
0x6b: {  	(tag) =	ssettag $0x2  }
0x6c: {  	s0 =	rddreg [dreg:$0x0];
	s2 =	stileid.u32  }
0x6d: {  	s1 =	rddreg [dreg:$0x1];
	p0 =	sne.s32 s2, $0x0  }
0x6e: {  	s3 =	rddreg [dreg:$0x2];
	[bflag:$0x3] =	sbarrier.arrive $0xFFFF;
	s2 =	simm.s32 @!p0 $0x1C05  }
0x6f: {  	[timem:s3], [sflag:s2] =	dma.local @!p0 [hbm:s0], s1  }
0x70: {  	s0 =	simm.s32 @!p0 $0x5  }
0x71: {  	_ =	swait.ge @!p0 [sflag:s0], s1  }
0x72: {  	s1 =	ssub.s32 @!p0 $0x0, s1;
	[sflag:s0] =	ssyncset.done @!p0 $0x0  }
0x73: {  	[sflag:s0] =	ssyncadd.s32 @!p0 s1  }
0x74: {  	[bflag:$0x3] =	sbarrier.arrive $0xFFFF  }
0x75: {  	_ =	shalt  }

// kernel: sc_prep.3.cloned.1.call-start
scs
__scs_entry_jumppad:
0x0: {  	(pc) =	sbr.rel $0x88, $3  }
0x1: {  	(tag) =	ssettag $0x0;
	lr =	simm.s32 $0x1  }
0x2: {  	[smem:$0x3F98] =	sst lr;
	_ =	strace $0xD0000000  }
0x3: {  	_ = 	snop  }
0x4: {  	_ = 	snop  }
0x5: {  	_ = 	snop  }
0x6: {  	_ = 	snop  }
0x7: {  	_ = 	snop  }
__scs_overlays_trampoline_lowered:
0x8: {  	[smem:$0x3FA7] =	sst s0  }
0x9: {  	[smem:$0x3FA8] =	sst s1  }
0xa: {  	[smem:$0x3FA9] =	sst s2  }
0xb: {  	[smem:$0x3FAA] =	sst s3  }
0xc: {  	[smem:$0x3FAB] =	sst s4  }
0xd: {  	[smem:$0x3FAC] =	sst s5  }
0xe: {  	[smem:$0x3FAD] =	sst s6  }
0xf: {  	[smem:$0x3FAE] =	sst s7  }
0x10: {  	[smem:$0x3FAF] =	sst s8  }
0x11: {  	[smem:$0x3FB0] =	sst s9;
	s0 =	simm.s32 @!p0 $0x0  }
0x12: {  	s1 =	sld [smem:$0x3F96];
	s0 =	simm.s32 @p0 $0x1  }
0x13: {  	[smem:$0x3FB1] =	sst s0;
	s0 =	simm.s32 @!p1 $0x0  }
0x14: {  	s2 =	sld [smem:$0x3F95];
	s0 =	simm.s32 @p1 $0x1  }
0x15: {  	[smem:$0x3FB2] =	sst s0;
	s0 =	simm.s32 @!p2 $0x0  }
0x16: {  	s3 =	sld [smem:$0x3FDB];
	s0 =	simm.s32 @p2 $0x1  }
0x17: {  	s4 =	simm.s32 $0x1BF5;
	[smem:$0x3FB4] =	sst s0  }
0x18: {  	s0 =	sld [smem:$0x3F97];
	_ =	swait.ge [sflag:s4], $0x0  }
0x19: {  	s7 =	sld [smem:$0x3F98]  }
0x1a: {  	s8 =	sadd.s32 $0xFFFFE003, lr  }
0x1b: {  	s9 =	sadd.s32 $0xFFFFFEF7, lr;
	s5 =	simm.s32 $0xFFFFFFFF;
	p2 =	slt.u32 s8, $0xFFFFF086  }
0x1c: {  	p1 =	slt.u32 s9, $0xF7A;
	s5 =	simm.s32 @!p2 $0x0  }
0x1d: {  	s5 =	simm.s32 @p1 $0x1;
	p0 =	seq.s32 s7, s2  }
0x1e: {  	s7 =	smul.u32 @!p0 $0xF7A, s2;
	p2 =	seq.s32 @!p0 s5, $0x0  }
0x1f: {  	s9 =	smul.u32 $0xF7A, s1;
	s8 =	simm.s32 @!p0 $0x1BF5;
	p2 =	por !p2, p0  }
0x20: {  	[sflag:s8] =	ssyncset.s32 @!p0 $0xFFFFF086;
	s6 =	sadd.s32 @!p0 s3, s7;
	s7 =	simm.s32 @!p0 $0x108  }
0x21: {  	s3 =	sadd.s32 s3, s9;
	s6 =	sadd.s32 @!p0 $0x88, s6;
	s7 =	simm.s32 @p2 $0x1082  }
0x22: {  	[simem:s7], [sflag:s8] =	dma.local @!p0 [hbm:s6], $0xF7A  }
0x23: {  	s9 =	sor.u32 $0xD0000000, s2;
	s6 =	simm.s32 $0x108;
	_ =	swait.ge @!p0 [sflag:s8], $0x0  }
0x24: {  	s3 =	sadd.s32 $0x88, s3;
	s6 =	simm.s32 @!p1 $0x1082;
	[sflag:s4] =	ssyncset.s32 $0xFFFFF086  }
0x25: {  	[simem:s6], [sflag:s4] =	dma.local [hbm:s3], $0xF7A  }
0x26: {  	[smem:$0x3F98] =	sst s1;
	(tag) =	ssettag s2;
	_ =	strace s9  }
0x27: {  	s1 =	sld [smem:$0x3FA8]  }
0x28: {  	s2 =	sld [smem:$0x3FA9]  }
0x29: {  	s4 =	sld [smem:$0x3FAB]  }
0x2a: {  	p0 =	seq.s32 s5, $0x0;
	s5 =	sld [smem:$0x3FAC]  }
0x2b: {  	s6 =	sld [smem:$0x3FAD]  }
0x2c: {  	s7 =	sld [smem:$0x3FAE]  }
0x2d: {  	s3 =	simm.s32 $0x108;
	s8 =	sld [smem:$0x3FAF]  }
0x2e: {  	s3 =	simm.s32 @!p0 $0x1082;
	s9 =	sld [smem:$0x3FB0]  }
0x2f: {  	lr =	sadd.s32 s0, s3;
	s0 =	sld [smem:$0x3FA7]  }
0x30: {  	s3 =	sld [smem:$0x3FAA]  }
0x31: {  	[smem:$0x3FB3] =	sst s10  }
0x32: {  	s10 =	sld [smem:$0x3FB1];
	_ =	sdelay $0x3  }
0x33: {  	p0 =	seq.s32 s10, $0x1;
	s10 =	sld [smem:$0x3FB3];
	_ =	sdelay $0x3  }
0x34: {  	[smem:$0x3FB3] =	sst s10  }
0x35: {  	s10 =	sld [smem:$0x3FB2];
	_ =	sdelay $0x3  }
0x36: {  	p1 =	seq.s32 s10, $0x1;
	s10 =	sld [smem:$0x3FB3];
	_ =	sdelay $0x3  }
0x37: {  	[smem:$0x3FB3] =	sst s10  }
0x38: {  	s10 =	sld [smem:$0x3FB4]  }
0x39: {  	_ = 	snop;
	(pc) =	sbr.ind lr, $3  }
0x3a: {  	_ = 	snop  }
0x3b: {  	_ = 	snop  }
0x3c: {  	p2 =	seq.s32 s10, $0x1;
	s10 =	sld [smem:$0x3FB3]  }
0x3d: {  	_ =	shalt  }
0x3e: {  	_ =	shalt  }
0x3f: {  	_ =	shalt  }
0x40: {  	_ =	shalt  }
0x41: {  	_ =	shalt  }
0x42: {  	_ =	shalt  }
0x43: {  	_ =	shalt  }
0x44: {  	_ =	shalt  }
0x45: {  	_ =	shalt  }
0x46: {  	_ =	shalt  }
0x47: {  	_ =	shalt  }
0x48: {  	_ =	shalt  }
0x49: {  	_ =	shalt  }
0x4a: {  	_ =	shalt  }
0x4b: {  	_ =	shalt  }
0x4c: {  	_ =	shalt  }
0x4d: {  	_ =	shalt  }
0x4e: {  	_ =	shalt  }
0x4f: {  	_ =	shalt  }
0x50: {  	_ =	shalt  }
0x51: {  	_ =	shalt  }
0x52: {  	_ =	shalt  }
0x53: {  	_ =	shalt  }
0x54: {  	_ =	shalt  }
0x55: {  	_ =	shalt  }
0x56: {  	_ =	shalt  }
0x57: {  	_ =	shalt  }
0x58: {  	_ =	shalt  }
0x59: {  	_ =	shalt  }
0x5a: {  	_ =	shalt  }
0x5b: {  	_ =	shalt  }
0x5c: {  	_ =	shalt  }
0x5d: {  	_ =	shalt  }
0x5e: {  	_ =	shalt  }
0x5f: {  	_ =	shalt  }
0x60: {  	_ =	shalt  }
0x61: {  	_ =	shalt  }
0x62: {  	_ =	shalt  }
0x63: {  	_ =	shalt  }
0x64: {  	_ =	shalt  }
0x65: {  	_ =	shalt  }
0x66: {  	_ =	shalt  }
0x67: {  	_ =	shalt  }
0x68: {  	_ =	shalt  }
0x69: {  	_ =	shalt  }
0x6a: {  	_ =	shalt  }
0x6b: {  	_ =	shalt  }
0x6c: {  	_ =	shalt  }
0x6d: {  	_ =	shalt  }
0x6e: {  	_ =	shalt  }
0x6f: {  	_ =	shalt  }
0x70: {  	_ =	shalt  }
0x71: {  	_ =	shalt  }
0x72: {  	_ =	shalt  }
0x73: {  	_ =	shalt  }
0x74: {  	_ =	shalt  }
0x75: {  	_ =	shalt  }
0x76: {  	_ =	shalt  }
0x77: {  	_ =	shalt  }
0x78: {  	_ =	shalt  }
0x79: {  	_ =	shalt  }
0x7a: {  	_ =	shalt  }
0x7b: {  	_ =	shalt  }
0x7c: {  	_ =	shalt  }
0x7d: {  	_ =	shalt  }
0x7e: {  	_ =	shalt  }
0x7f: {  	_ =	shalt  }
0x80: {  	_ =	shalt  }
0x81: {  	_ =	shalt  }
0x82: {  	_ =	shalt  }
0x83: {  	_ =	shalt  }
0x84: {  	_ =	shalt  }
0x85: {  	_ =	shalt  }
0x86: {  	_ =	shalt  }
0x87: {  	_ =	shalt  }
.Lfunc_end0:
.L_simem_size_0:
called_computation.1_lowered:
.L_overlay_start_0:
0x88: {  	s2 =	sld [smem:$0x3FD9]  }
0x89: {  	s3 =	sld [smem:$0x3FFE];
	_ =	sdelay $0x1  }
0x8a: {  	s1 =	srdreg.scid  }
0x8b: {  	s0 =	sand.u32 $0x1, s1  }
0x8c: {  	s15 =	sshll.u32 s0, $0xA;
	s2 =	sadd.s32 s3, s2  }
0x8d: {  	s2 =	sadd.s32 s2, s15  }
0x8e: {  	[smem:$0x3FBF] =	sst s2  }
0x8f: {  	_ = 	snop  }
0x90: {  	s5 =	sld [smem:$0x3FD0]  }
0x91: {  	s2 =	sld [smem:$0x3FC8]  }
0x92: {  	s16 =	sld [smem:$0x3FC7]  }
0x93: {  	s6 =	simm.s32 $0xB;
	s7 =	simm.s32 $0x10;
	s4 =	sld [smem:$0x3FC5]  }
0x94: {  	[smem:s7], [sflag:s6] =	dma.local [hbm:s5], $0x1  }
0x95: {  	_ =	swait.eq [sflag:s6], $0x1  }
0x96: {  	[sflag:s6] =	ssyncset.done $0x0  }
0x97: {  	[sflag:s6] =	ssyncadd.s32 $0xFFFFFFFF  }
0x98: {  	s17 =	sld [smem:$0x11];
	(tm) =	ssettm $0x1  }
0x99: {  	s18 =	sld [smem:$0x3FFB];
	_ =	sdelay $0x3  }
0x9a: {  	_ =	strace s18  }
0x9b: {  	s5 =	sld [smem:$0x3FFC];
	_ =	sdelay $0x3  }
0x9c: {  	_ =	strace s5  }
0x9d: {  	s5 =	sld [smem:$0x3FFD];
	_ =	sdelay $0x3  }
0x9e: {  	_ =	strace s5  }
0x9f: {  	_ =	strace $0x8FFFFFFF  }
0xa0: {  	s19 =	sld [smem:$0x3FDB];
	_ =	sdelay $0x1  }
0xa1: {  	s20 =	simm.s32 $_scs_section_size  }
0xa2: {  	s8 =	simm.s32 $_size__tile_overlayer_lowered;
	s9 =	simm.s32 $_tile_overlayer_lowered  }
0xa3: {  	s10 =	simm.s32 $0x1BFF;
	s21 =	sshll.u32 s9, $0x1;
	s7 =	sadd.s32 s20, s19  }
0xa4: {  	s22 =	simm.s32 $0x0;
	s8 =	sshll.u32 s8, $0x1;
	s9 =	sadd.s32 s21, s7  }
0xa5: {  	[timem:s22], [sflag:s10] =	dma.local [hbm:s9], s8  }
0xa6: {  	_ =	swait.ge [sflag:s10], s8  }
0xa7: {  	s8 =	ssub.s32 $0x0, s8;
	[sflag:s10] =	ssyncset.done $0x0  }
0xa8: {  	[sflag:s10] =	ssyncadd.s32 s8;
	_ =	sdelay $0x1  }
0xa9: {  	s23 =	simm.s32 $0x1B8B  }
0xaa: {  	_ =	swait.ge [sflag:s23], $0x1  }
0xab: {  	[sflag:s23] =	ssyncset.done $0x0  }
0xac: {  	[sflag:s23] =	ssyncadd.s32 $0xFFFFFFFF  }
0xad: {  	s8 =	sld [smem:$0x0]  }
0xae: {  	s9 =	sand.u32 $0xFFFFFFFE, s1  }
0xaf: {  	p0 =	sne.s32 s1, s9  }
0xb0: {  	s9 =	sshll.u32 @p0 s9, $0xE  }
0xb1: {  	s9 =	sadd.s32 @p0 $0x11B8D, s9;
	s10 =	sshll.u32 @p0 s8, $0x11  }
0xb2: {  	s9 =	sor.u32 @p0 s10, s9  }
0xb3: {  	[sflag:s9] =	ssyncadd.remote.s32 @p0 $0x1;
	_ =	sdelay $0x1  }
0xb4: {  	s9 =	simm.s32 @p0 $0x1B8D  }
0xb5: {  	_ =	swait.eq @p0 [sflag:s9], $0x1  }
0xb6: {  	[sflag:s9] =	ssyncadd.s32 @p0 $0xFFFFFFFF  }
0xb7: {  	s10 =	sshll.u32 @!p0 s1, $0xE  }
0xb8: {  	s10 =	sor.u32 @!p0 $0x4000, s10;
	s9 =	simm.s32 @!p0 $0x1B8D  }
0xb9: {  	s8 =	sshll.u32 @!p0 s8, $0x11;
	s10 =	sadd.s32 @!p0 $0x11B8D, s10;
	_ =	swait.eq @!p0 [sflag:s9], $0x1  }
0xba: {  	s8 =	sor.u32 @!p0 s8, s10;
	[sflag:s9] =	ssyncadd.s32 @!p0 $0xFFFFFFFF  }
0xbb: {  	s25 =	simm.s32 $0x1B8E;
	s24 =	sld [smem:$0x3FFE];
	[sflag:s8] =	ssyncadd.remote.s32 @!p0 $0x1  }
0xbc: {  	s26 =	simm.s32 $execute0_lowered;
	[smem:$0x3FD2] =	sst s25  }
0xbd: {  	s9 =	sshll.u32 s26, $0x1;
	_ =	strace $0x80000049;
	[dreg:$0x1] =	wrdreg $0xFFFFFFFF  }
0xbe: {  	s28 =	simm.s32 $_size_execute0_lowered;
	s7 =	sadd.s32 s7, s9;
	[dreg:$0x0] =	wrdreg $0x0  }
0xbf: {  	s9 =	sshll.u32 s28, $0x1;
	[dreg:$0x2] =	wrdreg s7  }
0xc0: {  	[dreg:$0x3] =	wrdreg s9  }
0xc1: {  	[dreg:$0x4] =	wrdreg $0xC0  }
0xc2: {  	_ =	task [dreg:s22], $0x5FFFF  }
0xc3: {  	[dreg:$0x1] =	wrdreg $0xFFFFFFFF  }
0xc4: {  	[dreg:$0x0] =	wrdreg $0x60  }
0xc5: {  	[dreg:$0x2] =	wrdreg s2  }
0xc6: {  	[dreg:$0x3] =	wrdreg s16  }
0xc7: {  	[dreg:$0x4] =	wrdreg s4  }
0xc8: {  	[dreg:$0x5] =	wrdreg s17  }
0xc9: {  	[dreg:$0x6] =	wrdreg s24  }
0xca: {  	[dreg:$0x7] =	wrdreg $0xA  }
0xcb: {  	_ =	task.clear_ibuf [dreg:s22], $0x8FFFF;
	_ =	strace $0x90000049  }
0xcc: {  	s29 =	simm.s32 $0xA;
	_ =	strace $0x8000004B  }
0xcd: {  	_ =	swait.ge [sflag:s29], $0x1  }
0xce: {  	[sflag:s29] =	ssyncadd.s32 $0xFFFFFFFF  }
0xcf: {  	_ =	strace $0x9000004B  }
0xd0: {  	_ =	sfence  }
0xd1: {  	s30 =	sld [smem:$0x0];
	_ =	sdelay $0x2  }
0xd2: {  	s31 =	sshll.u32 s1, $0xD;
	s1 =	sshrl.u32 s1, $0x2  }
0xd3: {  	s3 =	sand.u32 $0x4000, s31;
	s1 =	sadd.s32 s1, s30  }
0xd4: {  	s0 =	sor.u32 s3, s0;
	s1 =	sshll.u32 s1, $0x11  }
0xd5: {  	s0 =	sor.u32 s1, s0  }
0xd6: {  	s0 =	sadd.s32 $0x8F2B, s0  }
0xd7: {  	[sflag:s0] =	ssyncadd.remote.s32 $0x1  }
0xd8: {  	_ =	sfence.sel $0xFFFF  }
0xd9: {  	[dreg:$0x0] =	wrdreg $0xFFFFFFFF;
	(pc) =	sbr.abs _section_cstart, $3  }
0xda: {  	[dreg:$0x1] =	wrdreg $0xFFFFFFFF  }
0xdb: {  	_ =	task.clear_ibuf [dreg:s22], $0x2FFFF;
	_ =	strace $0x9FFFFFFF  }
0xdc: {  	(tm) =	ssettm $0x7FFFFFFF  }
0xdd: {  	_ =	shalt  }
tec
execute0_lowered:
.L_overlay_start_1:
0x0: {  	(tag) =	ssettag $0x1  }
0x1: {  	s0 =	rddreg [dreg:$0x0]  }
0x2: {  	s1 =	rddreg [dreg:$0x3]  }
0x3: {  	s3 =	rddreg [dreg:$0x4]  }
0x4: {  	s4 =	simm.s32 $0x0;
	s5 =	srdreg.scid;
	s2 =	stileid.u32  }
0x5: {  	s15 =	simm.s32 $0x1;
	s16 =	simm.s32 $0x4000;
	s17 =	simm.s32 $0x8000  }
0x6: {  	s18 =	simm.s32 $0xC080;
	[smem:$0x7FF] =	sst s4;
	s10 =	sand.u32 $0x1, s5  }
0x7: {  	s20 =	sshll.u32 s2, $0x1;
	s25 =	smul.u32 $0x1880, s2;
	_ =	strace $0x8000004A  }
0x8: {  	s6 =	sor.u32 s10, s20;
	s21 =	ssub.s32 $0x2, s10;
	s28 =	smul.u32 $0xC40, s10  }
0x9: {  	s20 =	simm.s32 $0xDA00;
	s7 =	sshll.u32 s6, $0x9;
	s8 =	sshll.u32 s6, $0x1  }
0xa: {  	s5 =	smul.u32 $0xC40, s6;
	s22 =	sshrl.u32 s21, $0x1;
	s11 =	sadd.s32 s7, s3  }
0xb: {  	p0 =	seq.s32 s6, $0x1F;
	s3 =	sadd.s32 s8, s3;
	s29 =	sadd.s32 $0x41C00, s11  }
0xc: {  	s13 =	ssub.s32 s21, s22;
	s30 =	sadd.s32 $0x45C00, s11;
	[dreg:$0xa] =	wrdreg s29  }
0xd: {  	s23 =	sshrl.u32 s5, $0x3;
	s31 =	sadd.s32 $0x49C00, s3;
	[dreg:$0xb] =	wrdreg s30  }
0xe: {  	s14 =	sadd.s32 s28, s25;
	s24 =	sadd.s32 s0, s23;
	[dreg:$0xc] =	wrdreg s31  }
0xf: {  	s19 =	sadd.s32 $0xC40, s5;
	s0 =	sadd.s32 $0x2F78, s0;
	[dreg:$0x6] =	wrdreg s24  }
0x10: {  	v1 =	vlaneseq.u32;
	v4 =	vimm.s32 $0x0;
	s13 =	smax.u32 s13, $0x1;
	s26 =	sadd.s32 s1, s23;
	[dreg:$0x7] =	wrdreg s0  }
0x11: {  	v5 =	vimm.s32 $0xFFFFFFFF;
	vm15 =	vmxor vm15, vm15;
	vm11 =	vmmov $0x1;
	s19 =	simm.s32 @p0 $0x186A0;
	s1 =	sadd.s32 $0x2F78, s1;
	[dreg:$0x8] =	wrdreg s26  }
0x12: {  	v3 =	vmul.u32 $0x20000, v1;
	v0 =	vmov s5;
	[dreg:$0x9] =	wrdreg s1;
	v2 =	vmov s19;
	s19 =	simm.s32 $0xCD00;
	s24 =	simm.s32 $0x0  }
.LBB2_1:
0x13: {  	s0 =	rddreg [dreg:$0x1]  }
0x14: {  	[tilespmem:s4], [sflag:$0x1] =	stream.linear.gather [hbm4b:s0+s4], $0x4000, $0x38;
	[tilespmem:$0x11400] =	vst v63  }
0x15: {  	_ =	swait.ge [sflag:s15], $0x4000  }
0x16: {  	[sflag:s15] =	ssyncset.done $0x0  }
0x17: {  	[sflag:s15] =	ssyncadd.s32 $0xFFFFC000  }
0x18: {  	s31 =	rddreg [dreg:$0x2]  }
0x19: {  	[tilespmem:s16], [sflag:$0x1] =	stream.linear.gather [hbm4b:s31+s4], $0x4000, $0x38;
	[tilespmem:$0x11400] =	vst v63  }
0x1a: {  	_ =	swait.ge [sflag:s15], $0x4000  }
0x1b: {  	[sflag:s15] =	ssyncset.done $0x0  }
0x1c: {  	[sflag:s15] =	ssyncadd.s32 $0xFFFFC000  }
0x1d: {  	v6 =	vld [tilespmem:s4+$0x0];
	_ =	sdelay $0x4  }
0x1e: {  	vm0 =	vge.s32 v6, v0;
	vm1 =	vlt.s32 v6, v2  }
0x1f: {  	vm0 =	vmand vm0, vm1  }
0x20: {  	v7 =	vsel vm0, $0x1, v4  }
0x21: {  	(xrf0) =	vadd.scan.msk.s32 $0xffff, v7;
	_ =	sdelay $0x2  }
0x22: {  	v7 =	vmov s4  }
0x23: {  	v7 =	vadd.s32 $0xFFFFFFFF, v7  }
0x24: {  	v7 =	vbroadcast v7, $0x0  }
0x25: {  	v8, _, _ =	vpop (xrf0)  }
0x26: {  	v7 =	vadd.s32 v8, v7;
	(v2sf) =	vpush v8, $0xF  }
0x27: {  	v9 =	vmov s4  }
0x28: {  	v9 =	vshll.u32 v9, $0x11  }
0x29: {  	v9 =	vor.u32 v3, v9  }
0x2a: {  	v6 =	vor.u32 v9, v6  }
0x2b: {  	s0 =	simm.s32 $0x10;
	[tilespmem:v7+s17+$0x0] =	vst.idx.msk vm0, v6  }
0x2c: {  	s3 =	simm.s32 $0x20;
	s1 =	simm.s32 $0x0;
	s25 =	simm.s32 $0x10;
	v6 =	vld [tilespmem:s0+$0x0]  }
.LBB2_2:
0x2d: {  	p1 =	sne.s32 s3, $0x3FF0  }
0x2e: {  	v7 =	vmov s0;
	s0 =	smov.u32 s3  }
0x2f: {  	v7 =	vshll.u32 v7, $0x11  }
0x30: {  	v7 =	vor.u32 v3, v7  }
0x31: {  	vm0 =	vge.s32 v6, v0;
	vm1 =	vlt.s32 v6, v2;
	v6 =	vor.u32 v7, v6  }
0x32: {  	vm0 =	vmand vm0, vm1  }
0x33: {  	v7 =	vsel vm0, $0x1, v4  }
0x34: {  	(xrf0) =	vadd.scan.msk.s32 $0xffff, v7  }
0x35: {  	s26 =	spop (v2sf)  }
0x36: {  	s1 =	sadd.s32 s1, s26  }
0x37: {  	v7 =	vmov s1  }
0x38: {  	v7 =	vadd.s32 $0xFFFFFFFF, v7  }
0x39: {  	v7 =	vbroadcast v7, $0x0  }
0x3a: {  	v8, _, _ =	vpop (xrf0)  }
0x3b: {  	v7 =	vadd.s32 v8, v7;
	(v2sf) =	vpush v8, $0xF;
	_ =	sdelay $0x1  }
.Ltmp0:
0x3c: {  	(pc) =	sbr.rel @p1 .LBB2_2-.Ltmp0, $3  }
0x3d: {  	_ =	sdelay $0x1  }
0x3e: {  	s25 =	sadd.s32 $0x10, s25;
	[tilespmem:v7+s17+$0x0] =	vst.idx.msk vm0, v6  }
0x3f: {  	s3 =	sadd.s32 $0x10, s3;
	v6 =	vld [tilespmem:s25+$0x0]  }
0x40: {  	_ =	sdelay $0x3  }
0x41: {  	vm0 =	vge.s32 v6, v0;
	vm1 =	vlt.s32 v6, v2  }
0x42: {  	vm0 =	vmand vm0, vm1  }
0x43: {  	v7 =	vsel vm0, $0x1, v4  }
0x44: {  	(xrf0) =	vadd.scan.msk.s32 $0xffff, v7;
	_ =	sdelay $0x5  }
0x45: {  	v7, _, _ =	vpop (xrf0)  }
0x46: {  	(v2sf) =	vpush v7, $0xF;
	_ =	sdelay $0x4  }
0x47: {  	s3 =	spop (v2sf)  }
0x48: {  	s1 =	sadd.s32 s1, s3  }
0x49: {  	v8 =	vmov s1  }
0x4a: {  	v8 =	vadd.s32 $0xFFFFFFFF, v8  }
0x4b: {  	v8 =	vbroadcast v8, $0x0;
	_ =	sdelay $0x1  }
0x4c: {  	v7 =	vadd.s32 v7, v8  }
0x4d: {  	v63 =	vmov s0  }
0x4e: {  	v8 =	vshll.u32 v63, $0x11  }
0x4f: {  	v8 =	vor.u32 v3, v8  }
0x50: {  	v6 =	vor.u32 v8, v6;
	s31 =	spop (v2sf)  }
0x51: {  	s0 =	simm.s32 $0x40;
	[tilespmem:v7+s17+$0x0] =	vst.idx.msk vm0, v6;
	s25 =	sadd.s32 s1, s31;
	s1 =	simm.s32 $0x0  }
.LBB2_4:
0x52: {  	p1 =	sne.s32 s0, $0x30C0;
	[tilespmem:s1+$0xC080] =	vst v5;
	s1 =	smov.u32 s0;
	s0 =	sadd.s32 $0x40, s0  }
.Ltmp1:
0x53: {  	(pc) =	sbr.rel @p1 .LBB2_4-.Ltmp1, $2  }
0x54: {  	_ =	sdelay $0x2  }
0x55: {  	s1 =	sshra.s32 s1, $0x2  }
0x56: {  	s0 =	sadd.s32 $0xF, s25  }
0x57: {  	s3 =	sand.u32 $0xF, s0  }
0x58: {  	s26 =	sshra.s32 s0, $0x1F;
	p1 =	slt.s32 s0, $0x1;
	p2 =	sne.s32 s3, $0x0  }
0x59: {  	s31 =	sshrl.u32 s26, $0x1C;
	p1 =	por !p1, !p2  }
0x5a: {  	s3 =	simm.s32 $0x1;
	s0 =	sadd.s32 s31, s0;
	p1 =	por !p1, !p1  }
0x5b: {  	s0 =	sshra.s32 s0, $0x4;
	s3 =	simm.s32 @!p1 $0x0  }
0x5c: {  	s0 =	ssub.s32 s0, s3  }
0x5d: {  	p1 =	slt.s32 s0, $0x1  }
.Ltmp2:
0x5e: {  	_ = 	snop;
	(pc) =	sbr.rel @p1 .LBB2_9-.Ltmp2, $2  }
0x5f: {  	_ =	sdelay $0x2  }
0x60: {  	[tilespmem:s1+$0xC080] =	vst v5  }
0x61: {  	vm2 =	vmmov vm15  }
0x62: {  	p1 =	sgt.s32 s25, $0x0;
	vm4 =	vmmov vm15;
	vm9 =	vmmov vm15;
	vm10 =	vmmov vm15  }
0x63: {  	vm12 =	vmmov vm15;
	vm3 =	vmmov vm15;
	vm2 =	vmneg @p1 vm2  }
0x64: {  	p2 =	sgt.s32 s25, $0x1;
	vm0 =	vmmov vm15;
	v7 =	vimm.s32 $0x0;
	vm2 =	vmmov vm2  }
0x65: {  	vm5 =	vmmov vm15;
	vm4 =	vmneg @p2 vm4;
	v7 =	vsel vm2, $0xFFFFFFFF, v7  }
0x66: {  	vm1 =	vmmov vm15;
	p1 =	sgt.s32 s25, $0x2;
	vm2 =	vmmov vm4;
	[tilespmem:$0x1FF60] =	vst v7;
	v7 =	vimm.s32 $0x0  }
0x67: {  	vm6 =	vmmov vm15;
	vm9 =	vmneg @p1 vm9;
	v7 =	vsel vm2, $0xFFFFFFFF, v7  }
0x68: {  	p3 =	sgt.s32 s25, $0x3;
	vm7 =	vmmov vm15;
	vm2 =	vmmov vm9;
	[tilespmem:$0x1FF70] =	vst v7;
	v7 =	vimm.s32 $0x0  }
0x69: {  	vm8 =	vmmov vm15;
	vm10 =	vmneg @p3 vm10;
	p2 =	sgt.s32 s25, $0x5;
	v7 =	vsel vm2, $0xFFFFFFFF, v7  }
0x6a: {  	p3 =	sgt.s32 s25, $0x6;
	p1 =	sgt.s32 s25, $0x4;
	vm3 =	vmneg @p2 vm3;
	vm2 =	vmmov vm10;
	[tilespmem:$0x1FF80] =	vst v7;
	v7 =	vimm.s32 $0x0  }
0x6b: {  	vm0 =	vmneg @p3 vm0;
	p2 =	sgt.s32 s25, $0x8;
	vm12 =	vmneg @p1 vm12;
	v7 =	vsel vm2, $0xFFFFFFFF, v7  }
0x6c: {  	p3 =	sgt.s32 s25, $0x9;
	vm1 =	vmneg @p2 vm1;
	vm4 =	vmmov vm12;
	[tilespmem:$0x1FF90] =	vst v7;
	v7 =	vimm.s32 $0x0  }
0x6d: {  	s26 =	simm.s32 $0x8000;
	p1 =	sgt.s32 s25, $0x7;
	vm6 =	vmneg @p3 vm6;
	vm3 =	vmmov vm3;
	v7 =	vsel vm4, $0xFFFFFFFF, v7  }
0x6e: {  	v6 =	vld [tilespmem:s26+$0x0];
	vm0 =	vmmov vm0;
	vm5 =	vmneg @p1 vm5;
	p1 =	sgt.s32 s25, $0xA;
	[tilespmem:$0x1FFA0] =	vst v7;
	v7 =	vimm.s32 $0x0  }
0x6f: {  	vm7 =	vmneg @p1 vm7;
	p1 =	sgt.s32 s25, $0xC;
	vm2 =	vmmov vm15;
	v7 =	vsel vm3, $0xFFFFFFFF, v7  }
0x70: {  	p2 =	sgt.s32 s25, $0xB;
	vm9 =	vmmov vm15;
	vm2 =	vmneg @p1 vm2;
	p1 =	sgt.s32 s25, $0xD;
	[tilespmem:$0x1FFB0] =	vst v7;
	v7 =	vimm.s32 $0x0  }
0x71: {  	vm8 =	vmneg @p2 vm8;
	vm9 =	vmneg @p1 vm9;
	v7 =	vsel vm0, $0xFFFFFFFF, v7  }
0x72: {  	p1 =	sgt.s32 s25, $0xE;
	vm4 =	vmmov vm15;
	vm0 =	vmmov vm5;
	[tilespmem:$0x1FFC0] =	vst v7;
	v7 =	vimm.s32 $0x0  }
0x73: {  	(v2sf) =	vpush v6, $0x8;
	vm4 =	vmneg @p1 vm4;
	p1 =	sne.s32 s0, $0x1;
	v7 =	vsel vm0, $0xFFFFFFFF, v7  }
.Ltmp3:
0x74: {  	(v2sf) =	vpush v6, $0x4;
	vm0 =	vmmov vm1;
	[tilespmem:$0x1FFD0] =	vst v7;
	v7 =	vimm.s32 $0x0;
	(pc) =	sbr.rel @!p1 .LBB2_8-.Ltmp3, $4  }
0x75: {  	vm12 =	vmmov vm8;
	(v2sf) =	vpush v6, $0x3;
	v7 =	vsel vm0, $0xFFFFFFFF, v7  }
0x76: {  	(v2sf) =	vpush v6, $0x1;
	vm0 =	vmmov vm6;
	[tilespmem:$0x1FFE0] =	vst v7;
	v7 =	vimm.s32 $0x0  }
0x77: {  	p2 =	sgt.s32 s25, $0xF;
	(v2sf) =	vpush v6, $0x0;
	vm3 =	vmmov vm15;
	v7 =	vsel vm0, $0xFFFFFFFF, v7  }
0x78: {  	s28 =	simm.s32 $0xF;
	s29 =	sadd.s32 $0xFFFFFFFF, s0;
	vm13 =	vmmov vm7;
	(v2sf) =	vpush v6, $0xA;
	vm3 =	vmneg @p2 vm3;
	[tilespmem:$0x1FFF0] =	vst v7  }
.LBB2_7:
0x79: {  	v7 =	vimm.s32 $0x0;
	(v2sf) =	vpush v6, $0x2  }
0x7a: {  	s28 =	sadd.s32 $0x10, s28;
	vm1 =	vmmov vm15;
	vm6 =	vmmov vm15;
	vm5 =	vmmov vm15  }
0x7b: {  	vm0 =	vmmov vm15;
	v7 =	vsel vm13, $0xFFFFFFFF, v7;
	s0 =	sadd.s32 $0xFFFFFFF1, s28;
	s1 =	sadd.s32 $0xFFFFFFF2, s28;
	(v2sf) =	vpush v6, $0x5;
	s12 =	sadd.s32 $0xFFFFFFF3, s28  }
0x7c: {  	vm7 =	vmmov vm15;
	s22 =	sadd.s32 $0xFFFFFFF5, s28;
	[tilespmem:$0x1FEE0] =	vst v7;
	v7 =	vimm.s32 $0x0;
	p2 =	slt.s32 s0, s25;
	p3 =	slt.s32 s1, s25;
	(v2sf) =	vpush v6, $0x6  }
0x7d: {  	s21 =	sadd.s32 $0xFFFFFFF4, s28;
	v7 =	vsel vm12, $0xFFFFFFFF, v7;
	vm1 =	vmneg @p2 vm1;
	vm6 =	vmneg @p3 vm6;
	p2 =	slt.s32 s12, s25;
	p3 =	slt.s32 s22, s25  }
0x7e: {  	s23 =	sadd.s32 $0xFFFFFFF6, s28;
	[tilespmem:$0x1FEF0] =	vst v7;
	vm5 =	vmneg @p2 vm5;
	p2 =	slt.s32 s21, s25;
	vm7 =	vmneg @p3 vm7;
	v7 =	vimm.s32 $0x0  }
0x7f: {  	vm0 =	vmneg @p2 vm0;
	v7 =	vsel vm7, $0xFFFFFFFF, v7;
	p2 =	slt.s32 s23, s25;
	vm7 =	vmmov vm15  }
0x80: {  	s30 =	sadd.s32 $0xFFFFFFF7, s28;
	(v2sf) =	vpush v6, $0x7;
	[tilespmem:$0x1FF00] =	vst v7;
	vm7 =	vmneg @p2 vm7;
	v7 =	vimm.s32 $0x0  }
0x81: {  	(v2sf) =	vpush v6, $0x9;
	p2 =	slt.s32 s30, s25;
	v7 =	vsel vm7, $0xFFFFFFFF, v7;
	vm7 =	vmmov vm15  }
0x82: {  	s31 =	sadd.s32 $0xFFFFFFF8, s28;
	(v2sf) =	vpush v6, $0xB;
	[tilespmem:$0x1FF10] =	vst v7;
	vm7 =	vmneg @p2 vm7;
	v7 =	vimm.s32 $0x0;
	s8 =	spop (v2sf)  }
0x83: {  	s2 =	sadd.s32 $0xFFFFFFF9, s28;
	p3 =	slt.s32 s31, s25;
	v7 =	vsel vm7, $0xFFFFFFFF, v7;
	vm7 =	vmmov vm15;
	(v2sf) =	vpush v6, $0xC;
	s9 =	spop (v2sf)  }
0x84: {  	p2 =	slt.s32 s2, s25;
	[tilespmem:$0x1FF30] =	vst v7;
	vm7 =	vmneg @p3 vm7;
	v7 =	vimm.s32 $0x0;
	(v2sf) =	vpush v6, $0xD;
	s2 =	spop (v2sf)  }
0x85: {  	s6 =	sadd.s32 $0xFFFFFFFB, s28;
	v7 =	vsel vm7, $0xFFFFFFFF, v7;
	vm7 =	vmmov vm15;
	s23 =	spop (v2sf);
	(v2sf) =	vpush v6, $0xE  }
0x86: {  	p3 =	slt.s32 s6, s25;
	[tilespmem:$0x1FF40] =	vst v7;
	vm7 =	vmneg @p2 vm7;
	v7 =	vimm.s32 $0x0;
	s6 =	spop (v2sf);
	(v2sf) =	vpush v6, $0xF;
	v6 =	vld [tilespmem:$0x1FF60]  }
0x87: {  	s3 =	sadd.s32 $0xFFFFFFFA, s28;
	v7 =	vsel vm7, $0xFFFFFFFF, v7  }
0x88: {  	s10 =	sand.u32 $0x1FFFF, s9;
	p2 =	slt.s32 s3, s25;
	[tilespmem:$0x1FF50] =	vst v7;
	v7 =	vld [tilespmem:$0x1FF70]  }
0x89: {  	v45 =	vimm.s32 $0x0;
	vm13 =	vmmov vm15;
	s3 =	sand.u32 $0x1FFFF, s8;
	s21 =	sand.u32 $0x1FFFF, s2;
	s22 =	ssub.s32 s10, s5  }
0x8a: {  	v8 =	vld [tilespmem:$0x1FF80];
	v47 =	vimm.s32 $0x0;
	s7 =	sadd.s32 $0xFFFFFFFC, s28;
	vm13 =	vmneg @p2 vm13;
	s21 =	ssub.s32 s21, s5;
	v11 =	vmov s22;
	s3 =	ssub.s32 s3, s5  }
0x8b: {  	p2 =	slt.s32 s7, s25;
	s7 =	sand.u32 $0x1FFFF, s6;
	s6 =	sshra.s32 s6, $0x11;
	v46 =	vmov s21;
	v53 =	vmov s3;
	vm7 =	vnez.u8 v6  }
0x8c: {  	v9 =	vld [tilespmem:$0x1FF90];
	v48 =	vmov s6;
	v6 =	vimm.s32 $0x0;
	vm10 =	vmand vm7, vm11  }
0x8d: {  	vm7 =	vmmov vm1;
	vm1 =	vnez.u8 v7;
	v7 =	vimm.s32 $0x0  }
0x8e: {  	v10 =	vld [tilespmem:$0x1FFA0];
	s1 =	spop (v2sf);
	s7 =	ssub.s32 s7, s5;
	v6 =	vsel vm7, $0xFFFFFFFF, v6;
	vm8 =	vmand vm1, vm11;
	vm1 =	vmmov vm6  }
0x8f: {  	v12 =	vld [tilespmem:$0x1FFB0];
	s0 =	sshra.s32 s9, $0x11;
	s11 =	sand.u32 $0x1FFFF, s23;
	s9 =	spop (v2sf);
	[tilespmem:$0x1FF60] =	vst v6;
	v6 =	vmov s7;
	v7 =	vsel vm1, $0xFFFFFFFF, v7;
	vm1 =	vnez.u8 v8  }
0x90: {  	v50 =	vld [tilespmem:$0x1FFC0];
	s30 =	sshra.s32 s8, $0x11;
	s8 =	ssub.s32 s11, s5;
	s12 =	sand.u32 $0x1FFFF, s9;
	v8 =	vimm.s32 $0x0;
	vm6 =	vmand vm1, vm11;
	vm1 =	vmmov vm5  }
0x91: {  	v51 =	vld [tilespmem:$0x1FFD0];
	s7 =	sshra.s32 s23, $0x11;
	s23 =	ssub.s32 s12, s5;
	[tilespmem:$0x1FF70] =	vst v7;
	v7 =	vmov s8;
	v8 =	vsel vm1, $0xFFFFFFFF, v8;
	vm1 =	vnez.u8 v9  }
0x92: {  	s10 =	spop (v2sf);
	[tilespmem:$0x1FF80] =	vst v8;
	v8 =	vmov s23;
	vm5 =	vmand vm1, vm11;
	vm1 =	vmmov vm0  }
0x93: {  	v52 =	vld [tilespmem:$0x1FFE0];
	s12 =	sand.u32 $0x1FFFF, s10;
	vm0 =	vnez.u8 v10;
	v9 =	vsel vm1, $0xFFFFFFFF, v45;
	vm1 =	vmand vm9, vm11  }
0x94: {  	v54 =	vld [tilespmem:$0x1FFF0];
	s11 =	spop (v2sf);
	s8 =	ssub.s32 s12, s5;
	vm0 =	vmand vm0, vm11;
	v10 =	vsel vm1, $0xFFFFFFFF, v47;
	vm1 =	vnez.u8 v12  }
0x95: {  	v56 =	vld [tilespmem:$0x1FEE0];
	s9 =	sshra.s32 s9, $0x11;
	s12 =	spop (v2sf);
	v49 =	vmov s8;
	s23 =	sand.u32 $0x1FFFF, s11;
	[tilespmem:v6+s18+$0x0] =	vst.idx.msk vm10, v48;
	v6 =	vmov s7;
	vm7 =	vmand vm1, vm11  }
0x96: {  	v58 =	vld [tilespmem:$0x1FEF0];
	s21 =	ssub.s32 s23, s5;
	s23 =	sand.u32 $0x1FFFF, s12;
	vm1 =	vnez.u8 v50;
	[tilespmem:v7+s18+$0x0] =	vst.idx.msk vm8, v6;
	v6 =	vmov s9;
	vm8 =	vnez.u8 v51  }
0x97: {  	s2 =	sshra.s32 s2, $0x11;
	s22 =	ssub.s32 s23, s5;
	v7 =	vmov s21;
	s9 =	spop (v2sf);
	vm1 =	vmand vm1, vm11;
	vm9 =	vmand vm8, vm11  }
0x98: {  	s7 =	sshra.s32 s12, $0x11;
	s12 =	sand.u32 $0x1FFFF, s9;
	[tilespmem:v8+s18+$0x0] =	vst.idx.msk vm6, v6;
	v6 =	vmov s2;
	v8 =	vmov s22;
	vm6 =	vnez.u8 v52  }
0x99: {  	s6 =	sshra.s32 s10, $0x11;
	s21 =	ssub.s32 s12, s5;
	vm8 =	vmand vm6, vm11;
	[tilespmem:v46+s18+$0x0] =	vst.idx.msk vm5, v6;
	v6 =	vmov s0;
	vm5 =	vnez.u8 v54  }
0x9a: {  	s10 =	sshra.s32 s11, $0x11;
	s23 =	sand.u32 $0x1FFFF, s1;
	s11 =	spop (v2sf);
	v55 =	vmov s21;
	vm6 =	vmand vm5, vm11;
	[tilespmem:v11+s18+$0x0] =	vst.idx.msk vm0, v6;
	vm0 =	vnez.u8 v56  }
0x9b: {  	s8 =	ssub.s32 s23, s5;
	s22 =	sand.u32 $0x1FFFF, s11;
	v6 =	vmov s6;
	vm5 =	vmand vm0, vm11;
	vm0 =	vnez.u8 v58  }
0x9c: {  	v57 =	vmov s8;
	s23 =	ssub.s32 s22, s5;
	[tilespmem:v49+s18+$0x0] =	vst.idx.msk vm7, v6;
	v6 =	vmov s10;
	vm0 =	vmand vm0, vm11  }
0x9d: {  	s3 =	spop (v2sf);
	[tilespmem:v7+s18+$0x0] =	vst.idx.msk vm1, v6;
	v6 =	vmov s7;
	v7 =	vmov s23  }
0x9e: {  	s12 =	spop (v2sf);
	s23 =	sshra.s32 s9, $0x11;
	[tilespmem:v8+s18+$0x0] =	vst.idx.msk vm9, v6;
	v6 =	vmov s30  }
0x9f: {  	s1 =	sshra.s32 s1, $0x11;
	s21 =	sand.u32 $0x1FFFF, s12;
	[tilespmem:v53+s18+$0x0] =	vst.idx.msk vm8, v6;
	v6 =	vmov s23  }
0xa0: {  	v62 =	vld [tilespmem:$0x1FF00];
	s22 =	ssub.s32 s21, s5;
	s21 =	sshra.s32 s11, $0x11;
	[tilespmem:v55+s18+$0x0] =	vst.idx.msk vm6, v6;
	v6 =	vmov s1  }
0xa1: {  	[tilespmem:v57+s18+$0x0] =	vst.idx.msk vm5, v6;
	v6 =	vmov s21  }
0xa2: {  	[tilespmem:v7+s18+$0x0] =	vst.idx.msk vm0, v6;
	v7 =	vld [tilespmem:$0x1FF10];
	_ =	sdelay $0x2  }
0xa3: {  	vm7 =	vmand vm4, vm11;
	vm4 =	vnez.u8 v62  }
0xa4: {  	v63 =	vimm.s32 $0x0;
	vm6 =	vmand vm3, vm11;
	vm3 =	vmmov vm4  }
0xa5: {  	v12 =	vsel vm3, $0xFFFFFFFF, v63;
	vm3 =	vnez.u8 v7  }
0xa6: {  	v7 =	vimm.s32 $0x0;
	vm0 =	vmmov vm3  }
0xa7: {  	[tilespmem:$0x1FF20] =	vst v10;
	v7 =	vsel vm0, $0xFFFFFFFF, v7  }
0xa8: {  	[tilespmem:$0x1FFB0] =	vst v7;
	v7 =	vld [tilespmem:$0x1FF20];
	_ =	sdelay $0x2  }
0xa9: {  	s6 =	sand.u32 $0x1FFFF, s3  }
0xaa: {  	s2 =	ssub.s32 s6, s5;
	vm1 =	vmand vm2, vm11  }
0xab: {  	v8 =	vmov s2;
	vm0 =	vnez.u8 v7;
	v7 =	vld [tilespmem:$0x1FF30]  }
0xac: {  	v59 =	vmov s22;
	s7 =	spop (v2sf)  }
0xad: {  	s30 =	sand.u32 $0x1FFFF, s7  }
0xae: {  	s2 =	ssub.s32 s30, s5;
	s30 =	sshra.s32 s3, $0x11  }
0xaf: {  	s6 =	sshra.s32 s12, $0x11;
	v6 =	vmov s30  }
0xb0: {  	vm14 =	vmmov vm15;
	s31 =	sadd.s32 $0xFFFFFFFD, s28;
	[tilespmem:v8+s18+$0x0] =	vst.idx.msk vm1, v6;
	v6 =	vmov s6;
	vm1 =	vnez.u8 v7  }
0xb1: {  	vm14 =	vmneg @p2 vm14;
	p2 =	slt.s32 s31, s25;
	s31 =	spop (v2sf);
	v7 =	vimm.s32 $0x0;
	[tilespmem:v59+s18+$0x0] =	vst.idx.msk vm0, v6;
	vm0 =	vmmov vm1  }
0xb2: {  	s8 =	sand.u32 $0x1FFFF, s31;
	v7 =	vsel vm0, $0xFFFFFFFF, v7  }
0xb3: {  	v60 =	vmov s2;
	s22 =	ssub.s32 s8, s5;
	[tilespmem:$0x1FFC0] =	vst v7;
	v7 =	vld [tilespmem:$0x1FF40]  }
0xb4: {  	v61 =	vmov s22;
	_ =	sdelay $0x1  }
0xb5: {  	s10 =	sshra.s32 s31, $0x11;
	s31 =	sshra.s32 s7, $0x11  }
0xb6: {  	v6 =	vmov s31  }
0xb7: {  	[tilespmem:v60+s18+$0x0] =	vst.idx.msk vm7, v6;
	v6 =	vmov s10;
	vm1 =	vnez.u8 v7  }
0xb8: {  	s26 =	sadd.s32 $0x10, s26;
	[tilespmem:v61+s18+$0x0] =	vst.idx.msk vm6, v6;
	v7 =	vimm.s32 $0x0;
	vm0 =	vmmov vm1  }
0xb9: {  	v6 =	vld [tilespmem:s26+$0x0];
	v7 =	vsel vm0, $0xFFFFFFFF, v7  }
0xba: {  	[tilespmem:$0x1FFD0] =	vst v7;
	v7 =	vld [tilespmem:$0x1FF50];
	_ =	sdelay $0x1  }
0xbb: {  	s12 =	sadd.s32 $0xFFFFFFFE, s28;
	vm2 =	vmmov vm15  }
0xbc: {  	vm12 =	vmmov vm15;
	vm2 =	vmneg @p2 vm2;
	p2 =	slt.s32 s12, s25;
	vm9 =	vmmov vm15;
	s23 =	sadd.s32 $0xFFFFFFFF, s28  }
0xbd: {  	vm12 =	vmneg @p3 vm12;
	vm9 =	vmneg @p2 vm9;
	p2 =	slt.s32 s23, s25;
	vm4 =	vmmov vm15  }
0xbe: {  	p1 =	sne.s32 s29, $0x1;
	vm4 =	vmneg @p2 vm4;
	(v2sf) =	vpush v6, $0x8;
	vm1 =	vnez.u8 v7  }
.Ltmp4:
0xbf: {  	(v2sf) =	vpush v6, $0x4;
	v7 =	vimm.s32 $0x0;
	vm0 =	vmmov vm1;
	(pc) =	sbr.rel @p1 .LBB2_7-.Ltmp4, $4  }
0xc0: {  	[tilespmem:$0x1FF90] =	vst v9;
	vm3 =	vmmov vm15;
	(v2sf) =	vpush v6, $0x3;
	v7 =	vsel vm0, $0xFFFFFFFF, v7  }
0xc1: {  	p3 =	slt.s32 s28, s25;
	(v2sf) =	vpush v6, $0x1;
	vm0 =	vmmov vm13;
	[tilespmem:$0x1FFE0] =	vst v7;
	v7 =	vimm.s32 $0x0  }
0xc2: {  	[tilespmem:$0x1FFA0] =	vst v12;
	vm3 =	vmneg @p3 vm3;
	(v2sf) =	vpush v6, $0x0;
	v7 =	vsel vm0, $0xFFFFFFFF, v7  }
0xc3: {  	s29 =	sadd.s32 $0xFFFFFFFF, s29;
	(v2sf) =	vpush v6, $0xA;
	vm13 =	vmmov vm12;
	vm12 =	vmmov vm14;
	[tilespmem:$0x1FFF0] =	vst v7  }
.LBB2_8:
0xc4: {  	_ =	sdelay $0x3  }
0xc5: {  	(v2sf) =	vpush v6, $0x2  }
0xc6: {  	(v2sf) =	vpush v6, $0x5  }
0xc7: {  	(v2sf) =	vpush v6, $0x6  }
0xc8: {  	(v2sf) =	vpush v6, $0x7  }
0xc9: {  	(v2sf) =	vpush v6, $0x9  }
0xca: {  	(v2sf) =	vpush v6, $0xB;
	s0 =	spop (v2sf)  }
0xcb: {  	(v2sf) =	vpush v6, $0xC;
	s1 =	spop (v2sf)  }
0xcc: {  	(v2sf) =	vpush v6, $0xD;
	s3 =	spop (v2sf)  }
0xcd: {  	v7 =	vld [tilespmem:$0x1FF70];
	s6 =	spop (v2sf);
	(v2sf) =	vpush v6, $0xE  }
0xce: {  	s8 =	spop (v2sf);
	(v2sf) =	vpush v6, $0xF;
	v6 =	vld [tilespmem:$0x1FF60]  }
0xcf: {  	v8 =	vld [tilespmem:$0x1FF80]  }
0xd0: {  	v10 =	vld [tilespmem:$0x1FFA0]  }
0xd1: {  	v9 =	vld [tilespmem:$0x1FF90]  }
0xd2: {  	v52 =	vld [tilespmem:$0x1FFC0];
	s2 =	sand.u32 $0x1FFFF, s0;
	s25 =	sshra.s32 s0, $0x11  }
0xd3: {  	v12 =	vld [tilespmem:$0x1FFB0];
	s12 =	sand.u32 $0x1FFFF, s1;
	s9 =	sand.u32 $0x1FFFF, s8;
	s26 =	spop (v2sf);
	vm0 =	vnez.u8 v6  }
0xd4: {  	vm1 =	vnez.u8 v7;
	vm5 =	vnez.u8 v8;
	s10 =	sand.u32 $0x1FFFF, s6;
	s9 =	ssub.s32 s9, s5;
	s11 =	spop (v2sf);
	vm0 =	vmand vm0, vm11  }
0xd5: {  	vm6 =	vnez.u8 v10;
	vm1 =	vmand vm1, vm11;
	s1 =	sshra.s32 s1, $0x11;
	s10 =	ssub.s32 s10, s5;
	s21 =	sand.u32 $0x1FFFF, s11;
	v6 =	vmov s9  }
0xd6: {  	v53 =	vld [tilespmem:$0x1FFD0];
	vm10 =	vmand vm5, vm11;
	vm5 =	vnez.u8 v9;
	s2 =	ssub.s32 s2, s5;
	s7 =	sand.u32 $0x1FFFF, s3;
	v7 =	vmov s10;
	s9 =	ssub.s32 s21, s5  }
0xd7: {  	v55 =	vld [tilespmem:$0x1FFE0];
	vm7 =	vnez.u8 v52;
	vm5 =	vmand vm5, vm11;
	s0 =	ssub.s32 s12, s5;
	s7 =	ssub.s32 s7, s5;
	s12 =	spop (v2sf);
	v48 =	vmov s9  }
0xd8: {  	v57 =	vld [tilespmem:$0x1FFF0];
	vm8 =	vmand vm6, vm11;
	vm6 =	vnez.u8 v12;
	s8 =	sshra.s32 s8, $0x11;
	v49 =	vmov s7;
	s22 =	sand.u32 $0x1FFFF, s12;
	s21 =	spop (v2sf)  }
0xd9: {  	vm7 =	vmand vm7, vm11;
	vm6 =	vmand vm6, vm11;
	s6 =	sshra.s32 s6, $0x11;
	v50 =	vmov s8;
	s9 =	ssub.s32 s22, s5;
	s23 =	sand.u32 $0x1FFFF, s21  }
0xda: {  	v11 =	vmov s0;
	s28 =	sshra.s32 s11, $0x11;
	s22 =	spop (v2sf);
	s10 =	ssub.s32 s23, s5;
	v51 =	vmov s9;
	[tilespmem:v6+s18+$0x0] =	vst.idx.msk vm0, v50;
	v6 =	vmov s6  }
0xdb: {  	s3 =	sshra.s32 s3, $0x11;
	s30 =	sshra.s32 s12, $0x11;
	s29 =	sand.u32 $0x1FFFF, s22;
	vm0 =	vnez.u8 v53;
	[tilespmem:v7+s18+$0x0] =	vst.idx.msk vm1, v6;
	v6 =	vmov s28;
	v7 =	vmov s10  }
0xdc: {  	s12 =	sand.u32 $0x1FFFF, s26;
	s7 =	spop (v2sf);
	s11 =	ssub.s32 s29, s5;
	vm1 =	vmand vm0, vm11;
	vm0 =	vnez.u8 v55;
	[tilespmem:v48+s18+$0x0] =	vst.idx.msk vm10, v6;
	v6 =	vmov s3  }
0xdd: {  	s31 =	sshra.s32 s21, $0x11;
	s9 =	spop (v2sf);
	v54 =	vmov s11;
	s11 =	sand.u32 $0x1FFFF, s7;
	vm0 =	vmand vm0, vm11;
	[tilespmem:v49+s18+$0x0] =	vst.idx.msk vm5, v6;
	vm5 =	vnez.u8 v57  }
0xde: {  	v56 =	vmov s2;
	s23 =	sand.u32 $0x1FFFF, s9;
	s21 =	ssub.s32 s11, s5;
	s2 =	spop (v2sf);
	v6 =	vmov s1;
	vm5 =	vmand vm5, vm11  }
0xdf: {  	v58 =	vmov s21;
	s6 =	sshra.s32 s22, $0x11;
	s22 =	ssub.s32 s12, s5;
	s0 =	spop (v2sf);
	[tilespmem:v11+s18+$0x0] =	vst.idx.msk vm8, v6;
	v6 =	vmov s30;
	vm8 =	vmand vm13, vm11  }
0xe0: {  	s29 =	sand.u32 $0x1FFFF, s2;
	s12 =	sshra.s32 s7, $0x11;
	s28 =	ssub.s32 s23, s5;
	v59 =	vmov s22;
	[tilespmem:v51+s18+$0x0] =	vst.idx.msk vm6, v6;
	v6 =	vmov s31;
	vm6 =	vmand vm12, vm11  }
0xe1: {  	vm2 =	vmand vm2, vm11;
	s11 =	spop (v2sf);
	s30 =	sand.u32 $0x1FFFF, s0;
	s31 =	ssub.s32 s29, s5;
	[tilespmem:v7+s18+$0x0] =	vst.idx.msk vm7, v6;
	v6 =	vmov s6;
	v7 =	vmov s28  }
0xe2: {  	s21 =	sand.u32 $0x1FFFF, s11;
	s22 =	spop (v2sf);
	s10 =	ssub.s32 s30, s5;
	v60 =	vmov s31;
	[tilespmem:v54+s18+$0x0] =	vst.idx.msk vm1, v6;
	vm1 =	vmand vm9, vm11;
	v6 =	vmov s25  }
0xe3: {  	s23 =	sshra.s32 s26, $0x11;
	s26 =	sand.u32 $0x1FFFF, s22;
	v61 =	vmov s10;
	vm7 =	vmand vm4, vm11;
	s25 =	ssub.s32 s21, s5;
	[tilespmem:v56+s18+$0x0] =	vst.idx.msk vm0, v6;
	v6 =	vmov s12  }
0xe4: {  	vm3 =	vmand vm3, vm11;
	s29 =	ssub.s32 s26, s5;
	s28 =	sshra.s32 s9, $0x11;
	v62 =	vmov s25;
	[tilespmem:v58+s18+$0x0] =	vst.idx.msk vm5, v6;
	v6 =	vmov s23  }
0xe5: {  	s2 =	sshra.s32 s2, $0x11;
	v63 =	vmov s29;
	[tilespmem:v59+s18+$0x0] =	vst.idx.msk vm8, v6;
	v6 =	vmov s28  }
0xe6: {  	s0 =	sshra.s32 s0, $0x11;
	[tilespmem:v7+s18+$0x0] =	vst.idx.msk vm6, v6;
	v6 =	vmov s2  }
0xe7: {  	s30 =	sshra.s32 s11, $0x11;
	[tilespmem:v60+s18+$0x0] =	vst.idx.msk vm2, v6;
	v6 =	vmov s0  }
0xe8: {  	s31 =	sshra.s32 s22, $0x11;
	[tilespmem:v61+s18+$0x0] =	vst.idx.msk vm1, v6;
	v6 =	vmov s30  }
0xe9: {  	[tilespmem:v62+s18+$0x0] =	vst.idx.msk vm7, v6;
	v6 =	vmov s31  }
0xea: {  	[tilespmem:v63+s18+$0x0] =	vst.idx.msk vm3, v6  }
.LBB2_9:
0xeb: {  	s0 =	simm.s32 @p0 $0x0;
	s1 =	simm.s32 @p0 $0x10700;
	s2 =	rddreg [dreg:$0x7]  }
0xec: {  	[tilespmem:s1], [sflag:$0x1] =	stream.linear.gather @p0 [hbm4b:s2+s0], $0xAE0, $0x38;
	[tilespmem:$0x11400] =	vst v63  }
0xed: {  	s0 =	simm.s32 @p0 $0x1  }
0xee: {  	_ =	swait.ge @p0 [sflag:s0], $0xAE0  }
0xef: {  	s1 =	simm.s32 @!p0 $0x10700;
	[sflag:s0] =	ssyncset.done @p0 $0x0  }
0xf0: {  	s2 =	rddreg [dreg:$0x6];
	[sflag:s0] =	ssyncadd.s32 @p0 $0xFFFFF520;
	s0 =	simm.s32 @!p0 $0x0  }
0xf1: {  	[tilespmem:s1], [sflag:$0x1] =	stream.linear.gather @!p0 [hbm4b:s2+s0], $0xC40, $0x38;
	[tilespmem:$0x11400] =	vst v63  }
0xf2: {  	s0 =	simm.s32 @!p0 $0x1  }
0xf3: {  	_ =	swait.ge @!p0 [sflag:s0], $0xC40  }
0xf4: {  	[sflag:s0] =	ssyncset.done @!p0 $0x0  }
0xf5: {  	s25 =	simm.s32 $0x0;
	[sflag:s0] =	ssyncadd.s32 @!p0 $0xFFFFF3C0  }
0xf6: {  	v6 =	vld [tilespmem:s25+$0xC080];
	_ =	sdelay $0x4  }
0xf7: {  	vm0 =	vgt.s32 v6, $0xFFFFFFFF  }
0xf8: {  	v7 =	vsel vm0, $0x1, v4  }
0xf9: {  	(xrf0) =	vadd.scan.msk.s32 $0xffff, v7;
	_ =	sdelay $0x1  }
0xfa: {  	s0 =	simm.s32 $0x0  }
0xfb: {  	v7 =	vmov s0  }
0xfc: {  	v7 =	vadd.s32 $0xFFFFFFFF, v7  }
0xfd: {  	v7 =	vbroadcast v7, $0x0  }
0xfe: {  	vm0 =	vmmov vm0;
	v8, _, _ =	vpop (xrf0)  }
0xff: {  	v7 =	vadd.s32 v8, v7;
	_ =	sdelay $0x1  }
0x100: {  	(v2sf) =	vpush v8, $0xF;
	_ =	sdelay $0x1  }
0x101: {  	vm1 =	vgt.s32 v6, $0x0  }
0x102: {  	[tilespmem:v7+s19+$0x0] =	vst.idx.msk vm0, v6;
	v6 =	vnsel vm1, $0x0, v6;
	_ =	sdelay $0x1  }
0x103: {  	v9 =	vor.u32 s14, v1  }
0x104: {  	s26 =	simm.s32 $0x80;
	s3 =	smov.u32 s14;
	s1 =	simm.s32 $0x10;
	[tilespmem:v7+s20+$0x0] =	vst.idx.msk vm0, v9  }
.LBB2_10:
0x105: {  	p1 =	sne.s32 s26, $0x30C0;
	v7 =	vld [tilespmem:s1+$0xC080]  }
0x106: {  	v8 =	vld.idx.msk [tilespmem:v6+s16+$0x0], $0xffff  }
0x107: {  	v9 =	vld [tilespmem:s25+$0x10700];
	_ =	sdelay $0x2  }
0x108: {  	vm1 =	vgt.s32 v7, $0xFFFFFFFF;
	vm2 =	vgt.s32 v7, $0x0  }
0x109: {  	v10 =	vsel vm1, $0x1, v4;
	v6 =	vnsel vm2, $0x0, v7  }
0x10a: {  	(xrf0) =	vadd.scan.msk.s32 $0xffff, v10;
	v8 =	vsel vm0, v8, v9;
	vm0 =	vmmov vm1  }
0x10b: {  	[tilespmem:s25+$0x10700] =	vst v8;
	s2 =	spop (v2sf);
	s25 =	smov.u32 s1  }
0x10c: {  	s0 =	sadd.s32 s0, s2  }
0x10d: {  	v8 =	vmov s0  }
0x10e: {  	v8 =	vadd.s32 $0xFFFFFFFF, v8  }
0x10f: {  	v8 =	vbroadcast v8, $0x0  }
0x110: {  	v9, _, _ =	vpop (xrf0)  }
0x111: {  	v8 =	vadd.s32 v9, v8;
	(v2sf) =	vpush v9, $0xF;
	_ =	sdelay $0x1  }
.Ltmp5:
0x112: {  	(pc) =	sbr.rel @p1 .LBB2_10-.Ltmp5, $4  }
0x113: {  	_ = 	snop  }
0x114: {  	s3 =	sadd.s32 $0x10, s3  }
0x115: {  	v9 =	vor.u32 s3, v1;
	[tilespmem:v8+s19+$0x0] =	vst.idx.msk vm1, v7  }
0x116: {  	s1 =	sshra.s32 s26, $0x2;
	s26 =	sadd.s32 $0x40, s26;
	[tilespmem:v8+s20+$0x0] =	vst.idx.msk vm1, v9  }
0x117: {  	v7 =	vld [tilespmem:s1+$0xC080];
	_ =	sdelay $0x4  }
0x118: {  	vm1 =	vgt.s32 v7, $0xFFFFFFFF  }
0x119: {  	v8 =	vsel vm1, $0x1, v4  }
0x11a: {  	(xrf0) =	vadd.scan.msk.s32 $0xffff, v8  }
0x11b: {  	s2 =	spop (v2sf)  }
0x11c: {  	s0 =	sadd.s32 s0, s2  }
0x11d: {  	v8 =	vmov s0  }
0x11e: {  	v6 =	vld.idx.msk [tilespmem:v6+s16+$0x0], $0xffff;
	v8 =	vadd.s32 $0xFFFFFFFF, v8  }
0x11f: {  	v9 =	vld [tilespmem:s25+$0x10700];
	v8 =	vbroadcast v8, $0x0  }
0x120: {  	vm1 =	vmmov vm1;
	v10, _, _ =	vpop (xrf0)  }
0x121: {  	v8 =	vadd.s32 v10, v8  }
0x122: {  	vm2 =	vgt.s32 v7, $0x0;
	(v2sf) =	vpush v10, $0xF  }
0x123: {  	v10 =	vnsel vm2, $0x0, v7  }
0x124: {  	v6 =	vsel vm0, v6, v9  }
0x125: {  	[tilespmem:s25+$0x10700] =	vst v6;
	s25 =	sadd.s32 $0x10, s3  }
0x126: {  	v6 =	vor.u32 s25, v1;
	[tilespmem:v8+s19+$0x0] =	vst.idx.msk vm1, v7  }
0x127: {  	[tilespmem:v8+s20+$0x0] =	vst.idx.msk vm1, v6  }
0x128: {  	v6 =	vld.idx.msk [tilespmem:v10+s16+$0x0], $0xffff  }
0x129: {  	v7 =	vld [tilespmem:s1+$0x10700];
	_ =	sdelay $0x4  }
0x12a: {  	v6 =	vsel vm1, v6, v7  }
0x12b: {  	s3 =	rddreg [dreg:$0x9];
	s2 =	simm.s32 @p0 $0x10700;
	[tilespmem:s1+$0x10700] =	vst v6;
	s1 =	simm.s32 @p0 $0x0  }
0x12c: {  	[hbm4b:s3+s1] =	stream.linear.scatter @p0 [tilespmem:s2], [sflag:$0x1], $0xAE0, $0x38;
	[tilespmem:$0x11400] =	vst v63  }
0x12d: {  	s2 =	simm.s32 @p0 $0x1;
	s26 =	spop (v2sf)  }
0x12e: {  	_ =	swait.ge @p0 [sflag:s2], $0xAE0  }
0x12f: {  	s3 =	simm.s32 @!p0 $0x10700;
	[sflag:s2] =	ssyncset.done @p0 $0x0  }
0x130: {  	s6 =	rddreg [dreg:$0x8];
	[sflag:s2] =	ssyncadd.s32 @p0 $0xFFFFF520;
	s2 =	simm.s32 @!p0 $0x0  }
0x131: {  	[hbm4b:s6+s2] =	stream.linear.scatter @!p0 [tilespmem:s3], [sflag:$0x1], $0xC40, $0x38;
	[tilespmem:$0x11400] =	vst v63  }
0x132: {  	s2 =	simm.s32 @!p0 $0x1  }
0x133: {  	_ =	swait.ge @!p0 [sflag:s2], $0xC40  }
0x134: {  	[sflag:s2] =	ssyncset.done @!p0 $0x0  }
0x135: {  	[sflag:s2] =	ssyncadd.s32 @!p0 $0xFFFFF3C0  }
0x136: {  	v7 =	vld.msk [tilespmem:$0xCD00 ss:$0x0], $0xffff  }
0x137: {  	s29 =	simm.s32 $0xCD00;
	v8 =	vld.msk [tilespmem:$0xDA00 ss:$0x0], $0xffff  }
0x138: {  	s30 =	simm.s32 $0xDA00;
	v9 =	vld [tilespmem:s29+$0x0]  }
0x139: {  	v10 =	vld [tilespmem:s30+$0x0]  }
0x13a: {  	s31 =	simm.s32 $0x0;
	s0 =	sadd.s32 s0, s26  }
0x13b: {  	v11 =	vor.u32 s31, v1;
	v6 =	vmov s0  }
0x13c: {  	vm7 =	vlt.s32 v11, v6  }
0x13d: {  	s1 =	simm.s32 $0xE700;
	v9 =	vsel vm7, v9, v7  }
0x13e: {  	s0 =	simm.s32 $0xF700;
	v10 =	vsel vm7, v10, v8;
	[tilespmem:s1+$0x0] =	vst v9  }
0x13f: {  	s3 =	simm.s32 $0xCD10;
	[tilespmem:s0+$0x0] =	vst v10  }
0x140: {  	s25 =	simm.s32 $0xDA10;
	v9 =	vld [tilespmem:s3+$0x0]  }
0x141: {  	s28 =	simm.s32 $0x20;
	s26 =	simm.s32 $0x10;
	v10 =	vld [tilespmem:s25+$0x0]  }
.LBB2_12:
0x142: {  	p1 =	sne.s32 s28, $0xC70  }
0x143: {  	v11 =	vor.u32 s26, v1;
	s26 =	smov.u32 s28  }
0x144: {  	vm0 =	vlt.s32 v11, v6  }
.Ltmp6:
0x145: {  	s1 =	sadd.s32 $0x10, s1;
	v9 =	vsel vm0, v9, v7;
	(pc) =	sbr.rel @p1 .LBB2_12-.Ltmp6, $4  }
0x146: {  	s0 =	sadd.s32 $0x10, s0;
	v10 =	vsel vm0, v10, v8;
	[tilespmem:s1+$0x0] =	vst v9  }
0x147: {  	s3 =	sadd.s32 $0x10, s3;
	[tilespmem:s0+$0x0] =	vst v10  }
0x148: {  	s25 =	sadd.s32 $0x10, s25;
	v9 =	vld [tilespmem:s3+$0x0]  }
0x149: {  	s28 =	sadd.s32 $0x10, s28;
	v10 =	vld [tilespmem:s25+$0x0]  }
0x14a: {  	_ = 	snop  }
0x14b: {  	v11 =	vor.u32 s26, v1  }
0x14c: {  	vm0 =	vlt.s32 v11, v6  }
0x14d: {  	s1 =	sadd.s32 $0x10, s1;
	v7 =	vsel vm0, v9, v7  }
0x14e: {  	s0 =	sadd.s32 $0x10, s0;
	v8 =	vsel vm0, v10, v8;
	[tilespmem:s1+$0x0] =	vst v7  }
0x14f: {  	s25 =	rddreg [dreg:$0xa];
	s26 =	simm.s32 $0xE700;
	[tilespmem:s0+$0x0] =	vst v8  }
0x150: {  	[hbm4b:s25+s4] =	stream.linear.scatter [tilespmem:s26], [sflag:$0x1], $0x1000, $0x38;
	[tilespmem:$0x11400] =	vst v63  }
0x151: {  	_ =	swait.ge [sflag:s15], $0x1000  }
0x152: {  	[sflag:s15] =	ssyncset.done $0x0  }
0x153: {  	s29 =	simm.s32 $0xF700;
	s28 =	rddreg [dreg:$0xb];
	[sflag:s15] =	ssyncadd.s32 $0xFFFFF000  }
0x154: {  	[hbm4b:s28+s4] =	stream.linear.scatter [tilespmem:s29], [sflag:$0x1], $0x1000, $0x38;
	[tilespmem:$0x11400] =	vst v63  }
0x155: {  	_ =	swait.ge [sflag:s15], $0x1000  }
0x156: {  	s24 =	sadd.s32 $0x1, s24;
	[sflag:s15] =	ssyncset.done $0x0  }
0x157: {  	p1 =	sne.s32 s24, s13;
	[sflag:s15] =	ssyncadd.s32 $0xFFFFF000  }
.Ltmp7:
0x158: {  	s31 =	simm.s32 $0x11380;
	s30 =	rddreg [dreg:$0xc];
	[tilespmem:$0x11380] =	vst v6;
	(pc) =	sbr.rel @p1 .LBB2_1-.Ltmp7, $4  }
0x159: {  	[hbm4b:s30+s4] =	stream.linear.scatter [tilespmem:s31], [sflag:$0x1], $0x10, $0x38;
	[tilespmem:$0x11400] =	vst v63  }
0x15a: {  	_ =	swait.ge [sflag:s15], $0x10  }
0x15b: {  	[sflag:s15] =	ssyncset.done $0x0  }
0x15c: {  	[sflag:s15] =	ssyncadd.s32 $0xFFFFFFF0  }
0x15d: {  	_ =	sfence.sel $0x180000  }
0x15e: {  	[bflag:$0x0] =	sbarrier.arrive $0xFFFF  }
0x15f: {  	_ =	strace $0x9000004A  }
0x160: {  	s0 =	stileid.u32;
	[bflag:$0x2] =	sbarrier.arrive $0xFFFF  }
0x161: {  	p0 =	sne.s32 s0, $0x0;
	s0 =	rddreg [dreg:$0x5]  }
0x162: {  	s0 =	sadd.s32 @!p0 $0x100000, s0  }
0x163: {  	[sflag:s0] =	ssyncadd.tile.s32 @!p0 $0x1;
	_ =	shalt  }
.Lfunc_end2:
_tile_overlayer_lowered:
.L_overlay_start_2:
0x164: {  	(tag) =	ssettag $0x2  }
0x165: {  	s0 =	rddreg [dreg:$0x0];
	s2 =	stileid.u32  }
0x166: {  	s1 =	rddreg [dreg:$0x1];
	p0 =	sne.s32 s2, $0x0  }
0x167: {  	s3 =	rddreg [dreg:$0x2];
	[bflag:$0x3] =	sbarrier.arrive $0xFFFF;
	s2 =	simm.s32 @!p0 $0x1C01  }
0x168: {  	[timem:s3], [sflag:s2] =	dma.local @!p0 [hbm:s0], s1  }
0x169: {  	s0 =	simm.s32 @!p0 $0x1  }
0x16a: {  	_ =	swait.ge @!p0 [sflag:s0], s1  }
0x16b: {  	s1 =	ssub.s32 @!p0 $0x0, s1;
	[sflag:s0] =	ssyncset.done @!p0 $0x0  }
0x16c: {  	[sflag:s0] =	ssyncadd.s32 @!p0 s1  }
0x16d: {  	[bflag:$0x3] =	sbarrier.arrive $0xFFFF  }
0x16e: {  	_ =	shalt  }

</sc_bundles>
